<compile_context>
chip_gen: v7x
topology: tpu7x:2x2x1
jax: 0.10.2.dev20260603
libtpu: 0.0.44.dev20260713+nightly
codegen_flags: <defaults>
</compile_context>

<pallas_src>
import functools

import jax
import jax.numpy as jnp
from jax import lax
from jax.experimental import pallas as pl
from jax.experimental.pallas import tpu as pltpu
from jax.experimental.pallas import tpu_sc as plsc

NC = 2
NS = 16
CH = 120


def _init_body(x_ref, w0_ref, b0_ref, gm_ref, bt_ref, w1_ref, b1_ref,
               w2_ref, b2_ref, h_ref, g_ref):
    h = jnp.dot(x_ref[...], w0_ref[...], preferred_element_type=jnp.float32)
    h = jnp.maximum(h + b0_ref[...], 0.0)
    h = gm_ref[...] * h * (1.0 / jnp.sqrt(1.0 + 1e-5)) + bt_ref[...]
    h = jnp.dot(h, w1_ref[...], preferred_element_type=jnp.float32)
    h = jnp.maximum(h + b1_ref[...], 0.0)
    h = jnp.dot(h, w2_ref[...], preferred_element_type=jnp.float32) + b2_ref[...]
    h_ref[...] = h
    i = pl.program_id(0)

    @pl.when(i == 0)
    def _():
        g_ref[...] = jnp.sum(h, axis=0, keepdims=True)

    @pl.when(i > 0)
    def _():
        g_ref[...] += jnp.sum(h, axis=0, keepdims=True)


def _node_body(p_ref, h_ref, g_ref, w0a_ref, w0b_ref, w0c_ref, b0_ref,
               w1_ref, b1_ref, w2_ref, b2_ref, ho_ref, go_ref):
    agg = p_ref[0] + p_ref[1]
    gvec = jnp.dot(g_ref[...], w0c_ref[...], preferred_element_type=jnp.float32) + b0_ref[...]
    t = (jnp.dot(agg, w0a_ref[...], preferred_element_type=jnp.float32)
         + jnp.dot(h_ref[...], w0b_ref[...], preferred_element_type=jnp.float32)
         + gvec)
    t = jnp.maximum(t, 0.0)
    t = jnp.dot(t, w1_ref[...], preferred_element_type=jnp.float32)
    t = jnp.maximum(t + b1_ref[...], 0.0)
    t = jnp.dot(t, w2_ref[...], preferred_element_type=jnp.float32) + b2_ref[...]
    nrm = jnp.sqrt(jnp.sum(t * t, axis=1, keepdims=True))
    o = t / nrm
    ho_ref[...] = o
    i = pl.program_id(0)

    @pl.when(i == 0)
    def _():
        go_ref[...] = jnp.sum(o, axis=0, keepdims=True)

    @pl.when(i > 0)
    def _():
        go_ref[...] += jnp.sum(o, axis=0, keepdims=True)


def _seg_body(rs, npc, h_hbm, src_hbm, dst_hbm, z_hbm, out_hbm, agg,
              ixs, ixd, rows, semi, semg, sems):
    cid = lax.axis_index("c")
    sid = lax.axis_index("s")
    w = sid * NC + cid
    base = w * npc * CH
    pltpu.sync_copy(z_hbm, agg.at[pl.ds(sid * rs, rs)])
    plsc.subcore_barrier()

    def idx_start(c, t, d):
        off = base + c * CH
        pltpu.async_copy(src_hbm.at[pl.ds(off, CH)], ixs[t], semi[t])
        pltpu.async_copy(dst_hbm.at[pl.ds(off, CH)], ixd[d], semi[t])

    def idx_wait(t, d):
        pltpu.make_async_copy(src_hbm.at[pl.ds(base, CH)], ixs[t], semi[t]).wait()
        pltpu.make_async_copy(dst_hbm.at[pl.ds(base, CH)], ixd[d], semi[t]).wait()

    def gather_start(t):
        pltpu.async_copy(h_hbm.at[ixs[t]], rows[t], semg[t])

    def gather_wait(t):
        pltpu.make_async_copy(h_hbm.at[ixs[t]], rows[t], semg[t]).wait()

    def scatter_start(t, d):
        pltpu.async_copy(rows[t], agg.at[ixd[d]], sems[t], add=True)

    def scatter_wait(t, d):
        pltpu.make_async_copy(rows[t], agg.at[ixd[d]], sems[t]).wait()

    def body(c, carry):
        off = base + c * CH
        pltpu.sync_copy(src_hbm.at[pl.ds(off, CH)], ixs[0])
        pltpu.sync_copy(dst_hbm.at[pl.ds(off, CH)], ixd[0])
        pltpu.async_copy(h_hbm.at[ixs[0]], rows[0], semg[0]).wait()
        pltpu.sync_copy(rows[0], agg.at[ixd[0]], add=True)
        return carry

    lax.fori_loop(0, npc, body, 0)

    plsc.subcore_barrier()
    pltpu.sync_copy(agg.at[pl.ds(sid * rs, rs)],
                    out_hbm.at[cid, pl.ds(sid * rs, rs)])


def _make_seg_call(n_nodes, n_edges_pad, hdim, npc):
    rs = (-(-n_nodes // NS) + 7) // 8 * 8
    n_pad = rs * NS
    mesh = plsc.VectorSubcoreMesh(core_axis_name="c", subcore_axis_name="s",
                                  num_cores=NC, num_subcores=NS)
    return pl.kernel(
        functools.partial(_seg_body, rs, npc),
        out_type=jax.ShapeDtypeStruct((NC, n_pad, hdim), jnp.float32),
        mesh=mesh,
        scratch_types=[
            pltpu.VMEM_SHARED((n_pad, hdim), jnp.float32),
            [pltpu.VMEM((CH,), jnp.int32)] * 3,
            [pltpu.VMEM((CH,), jnp.int32)] * 6,
            [pltpu.VMEM((CH, hdim), jnp.float32)] * 3,
            [pltpu.SemaphoreType.DMA] * 3,
            [pltpu.SemaphoreType.DMA] * 3,
            [pltpu.SemaphoreType.DMA] * 3,
        ],
    )


def kernel(x, edge_index, init_W0, init_b0, bn_gamma, bn_beta, init_W1,
           init_b1, init_W2, init_b2, node_W0, node_b0, node_W1, node_b1,
           node_W2, node_b2):
    n, d = x.shape
    e = edge_index.shape[1]
    hdim = init_W2.shape[1]
    blocks = node_W0.shape[0]
    iters = 3
    rblk = 1000
    grid = (n // rblk,)

    nw = NC * NS
    npc = 6 * (-(-(-(-e // (CH * nw))) // 6))
    e_pad = npc * nw * CH
    src = edge_index[0]
    dst = edge_index[1]
    if e_pad != e:
        src = jnp.concatenate([src, jnp.zeros((e_pad - e,), jnp.int32)])
        dst = jnp.concatenate([dst, jnp.full((e_pad - e,), n, jnp.int32)])
    zeros = jnp.zeros(((-(-n // NS) + 7) // 8 * 8, hdim), dtype=jnp.float32)

    row2 = lambda v: v.reshape(1, -1)

    def full(shape):
        return pl.BlockSpec(shape, lambda i: (0,) * len(shape))

    rows_in = pl.BlockSpec((rblk, d), lambda i: (i, 0))
    rows_out = pl.BlockSpec((rblk, hdim), lambda i: (i, 0))

    h, g = pl.pallas_call(
        _init_body,
        grid=grid,
        in_specs=[
            rows_in,
            full((d, init_W0.shape[1])),
            full((1, init_W0.shape[1])),
            full((1, init_W0.shape[1])),
            full((1, init_W0.shape[1])),
            full(init_W1.shape),
            full((1, init_W1.shape[1])),
            full(init_W2.shape),
            full((1, hdim)),
        ],
        out_specs=[rows_out, pl.BlockSpec((1, hdim), lambda i: (0, 0))],
        out_shape=[
            jax.ShapeDtypeStruct((n, hdim), jnp.float32),
            jax.ShapeDtypeStruct((1, hdim), jnp.float32),
        ],
    )(x, init_W0, row2(init_b0), row2(bn_gamma), row2(bn_beta), init_W1,
      row2(init_b1), init_W2, row2(init_b2))

    seg_call = _make_seg_call(n, e_pad, hdim, npc)

    mid = node_W1.shape[1]
    node_call = pl.pallas_call(
        _node_body,
        grid=grid,
        in_specs=[
            pl.BlockSpec((NC, rblk, hdim), lambda i: (0, i, 0)),
            rows_out,
            full((1, hdim)),
            full((hdim, mid)),
            full((hdim, mid)),
            full((hdim, mid)),
            full((1, mid)),
            full((mid, mid)),
            full((1, mid)),
            full((mid, hdim)),
            full((1, hdim)),
        ],
        out_specs=[rows_out, pl.BlockSpec((1, hdim), lambda i: (0, 0))],
        out_shape=[
            jax.ShapeDtypeStruct((n, hdim), jnp.float32),
            jax.ShapeDtypeStruct((1, hdim), jnp.float32),
        ],
    )

    for b in range(blocks):
        w0a = node_W0[b, :hdim]
        w0b = node_W0[b, hdim:2 * hdim]
        w0c = node_W0[b, 2 * hdim:]
        b0 = row2(node_b0[b])
        w1 = node_W1[b]
        b1 = row2(node_b1[b])
        w2 = node_W2[b]
        b2 = row2(node_b2[b])
        for _ in range(iters):
            p = seg_call(h, src, dst, zeros)
            h, g = node_call(p, h, g, w0a, w0b, w0c, b0, w1, b1, w2, b2)
    return h

# --- scband reference (transcript-rebuilt; emitter-appended) ---
"""Pipeline reference for scband-mpnn-25194278158451 (READ-ONLY COPY).

The authoritative reference and input builder live on the scoring server;
editing this copy changes nothing except your own understanding.
"""

import jax, jax.numpy as jnp
import numpy as np

N = 10000
E = 320000
D = 128
H = 128
ITERS = 3
BLOCKS = 2


def _lin(key, fan_in, fan_out):
    s = 1.0 / np.sqrt(fan_in)
    return jax.random.uniform(key, (fan_in, fan_out), minval=-s, maxval=s, dtype=jnp.float32)


def setup_inputs(seed: int = 0):
    key = jax.random.key(seed)
    ks = jax.random.split(key, 16)
    x = jax.random.normal(ks[0], (N, D), dtype=jnp.float32)
    edge_index = jax.random.randint(ks[1], (2, E), 0, N, dtype=jnp.int32)
    init_W0 = _lin(ks[2], D, 128)
    init_b0 = jnp.zeros((128,), dtype=jnp.float32)
    bn_gamma = jnp.ones((128,), dtype=jnp.float32)
    bn_beta = jnp.zeros((128,), dtype=jnp.float32)
    init_W1 = _lin(ks[3], 128, 128)
    init_b1 = jnp.zeros((128,), dtype=jnp.float32)
    init_W2 = _lin(ks[4], 128, H)
    init_b2 = jnp.zeros((H,), dtype=jnp.float32)
    node_W0 = jnp.stack([_lin(ks[5 + b], 3 * H, 256) for b in range(BLOCKS)])
    node_b0 = jnp.zeros((BLOCKS, 256), dtype=jnp.float32)
    node_W1 = jnp.stack([_lin(ks[7 + b], 256, 256) for b in range(BLOCKS)])
    node_b1 = jnp.zeros((BLOCKS, 256), dtype=jnp.float32)
    node_W2 = jnp.stack([_lin(ks[9 + b], 256, H) for b in range(BLOCKS)])
    node_b2 = jnp.zeros((BLOCKS, H), dtype=jnp.float32)
    return {
        'x': x, 'edge_index': edge_index,
        'init_W0': init_W0, 'init_b0': init_b0,
        'bn_gamma': bn_gamma, 'bn_beta': bn_beta,
        'init_W1': init_W1, 'init_b1': init_b1,
        'init_W2': init_W2, 'init_b2': init_b2,
        'node_W0': node_W0, 'node_b0': node_b0,
        'node_W1': node_W1, 'node_b1': node_b1,
        'node_W2': node_W2, 'node_b2': node_b2,
    }


def reference(x, edge_index, init_W0, init_b0, bn_gamma, bn_beta, init_W1, init_b1, init_W2, init_b2, node_W0, node_b0, node_W1, node_b1, node_W2, node_b2):
    # cell_init_network: Linear -> ReLU -> BatchNorm(eval, running stats 0/1) -> Linear -> ReLU -> Linear
    h = jax.nn.relu(x @ init_W0 + init_b0)
    h = bn_gamma * h / jnp.sqrt(1.0 + 1e-5) + bn_beta
    h = jax.nn.relu(h @ init_W1 + init_b1)
    h = h @ init_W2 + init_b2
    src = edge_index[0]
    dst = edge_index[1]
    for b in range(BLOCKS):
        for _ in range(ITERS):
            # message: src hidden rep; reduce: sum over mailbox
            agg = jax.ops.segment_sum(h[src], dst, num_segments=N)
            # global rep: sum of hidden reps over nodes, broadcast per node
            g = jnp.sum(h, axis=0, keepdims=True)
            inp = jnp.concatenate([agg, h, jnp.broadcast_to(g, (N, H))], axis=1)
            # NodeNetwork MLP
            o = jax.nn.relu(inp @ node_W0[b] + node_b0[b])
            o = jax.nn.relu(o @ node_W1[b] + node_b1[b])
            o = o @ node_W2[b] + node_b2[b]
            # row-wise frobenius normalization
            o = o / jnp.linalg.norm(o, axis=1, keepdims=True)
            h = o
    return h

if __name__ == "__main__":
    import jax
    _d = setup_inputs()
    print(jax.jit(kernel)(*tuple(_d.values())))

</pallas_src>

<mosaic_0001>
#map = affine_map<(d0, d1) -> (0, 0)>
#map1 = affine_map<(d0, d1) -> (0)>
#map2 = affine_map<(d0, d1) -> (0, 0, 0)>
module attributes {stable_mosaic.version = 14 : i64} {
  func.func @_seg_body(%arg0: i32, %arg1: i32, %arg2: memref<10000x128xf32, #tpu.memory_space<hbm>>, %arg3: memref<322560xi32, #tpu.memory_space<hbm>>, %arg4: memref<322560xi32, #tpu.memory_space<hbm>>, %arg5: memref<632x128xf32, #tpu.memory_space<hbm>>, %arg6: memref<2x10112x128xf32, #tpu.memory_space<hbm>>, %arg7: memref<10112x128xf32, #tpu.memory_space<vmem_shared>>, %arg8: memref<120xi32, #tpu.memory_space<vmem>>, %arg9: memref<120xi32, #tpu.memory_space<vmem>>, %arg10: memref<120xi32, #tpu.memory_space<vmem>>, %arg11: memref<120xi32, #tpu.memory_space<vmem>>, %arg12: memref<120xi32, #tpu.memory_space<vmem>>, %arg13: memref<120xi32, #tpu.memory_space<vmem>>, %arg14: memref<120xi32, #tpu.memory_space<vmem>>, %arg15: memref<120xi32, #tpu.memory_space<vmem>>, %arg16: memref<120xi32, #tpu.memory_space<vmem>>, %arg17: memref<120x128xf32, #tpu.memory_space<vmem>>, %arg18: memref<120x128xf32, #tpu.memory_space<vmem>>, %arg19: memref<120x128xf32, #tpu.memory_space<vmem>>, %arg20: memref<!tpu.dma_semaphore, #tpu.memory_space<semaphore_mem>>, %arg21: memref<!tpu.dma_semaphore, #tpu.memory_space<semaphore_mem>>, %arg22: memref<!tpu.dma_semaphore, #tpu.memory_space<semaphore_mem>>, %arg23: memref<!tpu.dma_semaphore, #tpu.memory_space<semaphore_mem>>, %arg24: memref<!tpu.dma_semaphore, #tpu.memory_space<semaphore_mem>>, %arg25: memref<!tpu.dma_semaphore, #tpu.memory_space<semaphore_mem>>, %arg26: memref<!tpu.dma_semaphore, #tpu.memory_space<semaphore_mem>>, %arg27: memref<!tpu.dma_semaphore, #tpu.memory_space<semaphore_mem>>, %arg28: memref<!tpu.dma_semaphore, #tpu.memory_space<semaphore_mem>>) attributes {dimension_semantics = [#tpu.dimension_semantics<core_parallel>, #tpu.dimension_semantics<subcore_parallel>], iteration_bounds = array<i64: 2, 16>, scalar_prefetch = 0 : i64, scratch_operands = 22 : i64, tpu.core_type = #tpu.core_type<sc_vector_subcore>, window_params = [{transform_indices = #map}, {transform_indices = #map1}, {transform_indices = #map1}, {transform_indices = #map}, {transform_indices = #map2}]} {
    %mul3A = arith.constant 2 : i32
    %mul3A_0 = arith.muli %arg1, %mul3A : i32
    %add3A = arith.addi %mul3A_0, %arg0 : i32
    %mul3A_1 = arith.constant 84 : i32
    %mul3A_2 = arith.muli %add3A, %mul3A_1 : i32
    %mul3A_3 = arith.constant 120 : i32
    %mul3A_4 = arith.muli %mul3A_2, %mul3A_3 : i32
    %mul3A_5 = arith.constant 632 : i32
    %mul3A_6 = arith.muli %arg1, %mul3A_5 : i32
    "tpu.region"() ({
      %run_scoped3A = tpu.sem_alloc : memref<!tpu.dma_semaphore, #tpu.memory_space<semaphore_mem>>
      %dma_start3A = arith.constant 0 : i32
      %dma_start3A_17 = tpu.memref_slice %arg7[%mul3A_6, %dma_start3A] : memref<10112x128xf32, #tpu.memory_space<vmem_shared>> -> memref<632x128xf32, #tpu.memory_space<vmem_shared>>
      tpu.enqueue_dma source(%arg5 : memref<632x128xf32, #tpu.memory_space<hbm>>) target(%dma_start3A_17 : memref<632x128xf32, #tpu.memory_space<vmem_shared>>) target_semaphore(%run_scoped3A : memref<!tpu.dma_semaphore, #tpu.memory_space<semaphore_mem>>)
      %dma_wait3A = arith.constant 0 : i32
      %dma_wait3A_18 = tpu.memref_slice %arg7[%mul3A_6, %dma_wait3A] : memref<10112x128xf32, #tpu.memory_space<vmem_shared>> -> memref<632x128xf32, #tpu.memory_space<vmem_shared>>
      tpu.wait_dma2 semaphore(%run_scoped3A : memref<!tpu.dma_semaphore, #tpu.memory_space<semaphore_mem>>) src(%arg5 : memref<632x128xf32, #tpu.memory_space<hbm>>) dst(%dma_wait3A_18 : memref<632x128xf32, #tpu.memory_space<vmem_shared>>)
      tpu.yield
    }) : () -> ()
    %barrier3A = arith.constant 0 : index
    tpu.barrier barrier_id(%barrier3A)
    %scan3A = arith.constant 0 : i32
    %scan3A_7 = arith.constant 0 : i32
    %scan3A_8 = arith.constant 84 : i32
    %scan3A_9 = arith.addi %scan3A_7, %scan3A_8 : i32
    %scan3A_10 = arith.constant 1 : i32
    scf.for %scan3A_17 = %scan3A_7 to %scan3A_9 step %scan3A_10  : i32 {
      %mul3A_18 = arith.constant 120 : i32
      %mul3A_19 = arith.muli %scan3A_17, %mul3A_18 : i32
      %add3A_20 = arith.addi %mul3A_4, %mul3A_19 : i32
      "tpu.region"() ({
        %run_scoped3A = tpu.sem_alloc : memref<!tpu.dma_semaphore, #tpu.memory_space<semaphore_mem>>
        %dma_start3A_25 = tpu.memref_slice %arg3[%add3A_20] : memref<322560xi32, #tpu.memory_space<hbm>> -> memref<120xi32, #tpu.memory_space<hbm>>
        %dma_start3A_26 = tpu.memref_slice %arg3[%add3A_20] : memref<322560xi32, #tpu.memory_space<hbm>> -> memref<120xi32, #tpu.memory_space<hbm>>
        tpu.enqueue_dma source(%dma_start3A_26 : memref<120xi32, #tpu.memory_space<hbm>>) target(%arg8 : memref<120xi32, #tpu.memory_space<vmem>>) target_semaphore(%run_scoped3A : memref<!tpu.dma_semaphore, #tpu.memory_space<semaphore_mem>>)
        %dma_wait3A_27 = tpu.memref_slice %arg3[%add3A_20] : memref<322560xi32, #tpu.memory_space<hbm>> -> memref<120xi32, #tpu.memory_space<hbm>>
        %dma_wait3A_28 = tpu.memref_slice %arg3[%add3A_20] : memref<322560xi32, #tpu.memory_space<hbm>> -> memref<120xi32, #tpu.memory_space<hbm>>
        tpu.wait_dma2 semaphore(%run_scoped3A : memref<!tpu.dma_semaphore, #tpu.memory_space<semaphore_mem>>) src(%dma_wait3A_28 : memref<120xi32, #tpu.memory_space<hbm>>) dst(%arg8 : memref<120xi32, #tpu.memory_space<vmem>>)
        tpu.yield
      }) : () -> ()
      "tpu.region"() ({
        %run_scoped3A = tpu.sem_alloc : memref<!tpu.dma_semaphore, #tpu.memory_space<semaphore_mem>>
        %dma_start3A_25 = tpu.memref_slice %arg4[%add3A_20] : memref<322560xi32, #tpu.memory_space<hbm>> -> memref<120xi32, #tpu.memory_space<hbm>>
        %dma_start3A_26 = tpu.memref_slice %arg4[%add3A_20] : memref<322560xi32, #tpu.memory_space<hbm>> -> memref<120xi32, #tpu.memory_space<hbm>>
        tpu.enqueue_dma source(%dma_start3A_26 : memref<120xi32, #tpu.memory_space<hbm>>) target(%arg11 : memref<120xi32, #tpu.memory_space<vmem>>) target_semaphore(%run_scoped3A : memref<!tpu.dma_semaphore, #tpu.memory_space<semaphore_mem>>)
        %dma_wait3A_27 = tpu.memref_slice %arg4[%add3A_20] : memref<322560xi32, #tpu.memory_space<hbm>> -> memref<120xi32, #tpu.memory_space<hbm>>
        %dma_wait3A_28 = tpu.memref_slice %arg4[%add3A_20] : memref<322560xi32, #tpu.memory_space<hbm>> -> memref<120xi32, #tpu.memory_space<hbm>>
        tpu.wait_dma2 semaphore(%run_scoped3A : memref<!tpu.dma_semaphore, #tpu.memory_space<semaphore_mem>>) src(%dma_wait3A_28 : memref<120xi32, #tpu.memory_space<hbm>>) dst(%arg11 : memref<120xi32, #tpu.memory_space<vmem>>)
        tpu.yield
      }) : () -> ()
      %dma_start3A = arith.constant 0 : i32
      %dma_start3A_21 = arith.constant 0 : i32
      %dma_start3A_22 = tpu.memref_slice %arg2[%dma_start3A, %dma_start3A_21] : memref<10000x128xf32, #tpu.memory_space<hbm>> -> memref<10000x128xf32, #tpu.memory_space<hbm>>
      tpu.enqueue_indirect_dma source(%dma_start3A_22 : memref<10000x128xf32, #tpu.memory_space<hbm>>) target(%arg17 : memref<120x128xf32, #tpu.memory_space<vmem>>) offsets(%arg8 : memref<120xi32, #tpu.memory_space<vmem>>) semaphore(%arg23 : memref<!tpu.dma_semaphore, #tpu.memory_space<semaphore_mem>>)
      %dma_wait3A = arith.constant 0 : i32
      %dma_wait3A_23 = arith.constant 0 : i32
      %dma_wait3A_24 = tpu.memref_slice %arg2[%dma_wait3A, %dma_wait3A_23] : memref<10000x128xf32, #tpu.memory_space<hbm>> -> memref<10000x128xf32, #tpu.memory_space<hbm>>
      tpu.wait_indirect_dma semaphore(%arg23 : memref<!tpu.dma_semaphore, #tpu.memory_space<semaphore_mem>>) src(%dma_wait3A_24 : memref<10000x128xf32, #tpu.memory_space<hbm>>) dst(%arg17 : memref<120x128xf32, #tpu.memory_space<vmem>>)
      "tpu.region"() ({
        %run_scoped3A = tpu.sem_alloc : memref<!tpu.dma_semaphore, #tpu.memory_space<semaphore_mem>>
        %dma_start3A_25 = arith.constant 0 : i32
        %dma_start3A_26 = arith.constant 0 : i32
        %dma_start3A_27 = tpu.memref_slice %arg7[%dma_start3A_25, %dma_start3A_26] : memref<10112x128xf32, #tpu.memory_space<vmem_shared>> -> memref<10112x128xf32, #tpu.memory_space<vmem_shared>>
        tpu.enqueue_indirect_dma source(%arg17 : memref<120x128xf32, #tpu.memory_space<vmem>>) target(%dma_start3A_27 : memref<10112x128xf32, #tpu.memory_space<vmem_shared>>) offsets(%arg11 : memref<120xi32, #tpu.memory_space<vmem>>) semaphore(%run_scoped3A : memref<!tpu.dma_semaphore, #tpu.memory_space<semaphore_mem>>) {add = true}
        %dma_wait3A_28 = arith.constant 0 : i32
        %dma_wait3A_29 = arith.constant 0 : i32
        %dma_wait3A_30 = tpu.memref_slice %arg7[%dma_wait3A_28, %dma_wait3A_29] : memref<10112x128xf32, #tpu.memory_space<vmem_shared>> -> memref<10112x128xf32, #tpu.memory_space<vmem_shared>>
        tpu.wait_indirect_dma semaphore(%run_scoped3A : memref<!tpu.dma_semaphore, #tpu.memory_space<semaphore_mem>>) src(%arg17 : memref<120x128xf32, #tpu.memory_space<vmem>>) dst(%dma_wait3A_30 : memref<10112x128xf32, #tpu.memory_space<vmem_shared>>)
        tpu.yield
      }) : () -> ()
    }
    %scan3A_11 = arith.constant 84 : i32
    %barrier3A_12 = arith.constant 0 : index
    tpu.barrier barrier_id(%barrier3A_12)
    %mul3A_13 = arith.constant 632 : i32
    %mul3A_14 = arith.muli %arg1, %mul3A_13 : i32
    %mul3A_15 = arith.constant 632 : i32
    %mul3A_16 = arith.muli %arg1, %mul3A_15 : i32
    "tpu.region"() ({
      %run_scoped3A = tpu.sem_alloc : memref<!tpu.dma_semaphore, #tpu.memory_space<semaphore_mem>>
      %dma_start3A = arith.constant 0 : i32
      %dma_start3A_17 = tpu.memref_slice %arg6[%arg0, %mul3A_16, %dma_start3A] : memref<2x10112x128xf32, #tpu.memory_space<hbm>> -> memref<1x632x128xf32, #tpu.memory_space<hbm>>
      %dma_start3A_18 = tpu.memref_squeeze %dma_start3A_17 : memref<1x632x128xf32, #tpu.memory_space<hbm>> -> memref<632x128xf32, #tpu.memory_space<hbm>>
      %dma_start3A_19 = arith.constant 0 : i32
      %dma_start3A_20 = tpu.memref_slice %arg7[%mul3A_14, %dma_start3A_19] : memref<10112x128xf32, #tpu.memory_space<vmem_shared>> -> memref<632x128xf32, #tpu.memory_space<vmem_shared>>
      tpu.enqueue_dma source(%dma_start3A_20 : memref<632x128xf32, #tpu.memory_space<vmem_shared>>) target(%dma_start3A_18 : memref<632x128xf32, #tpu.memory_space<hbm>>) target_semaphore(%run_scoped3A : memref<!tpu.dma_semaphore, #tpu.memory_space<semaphore_mem>>)
      %dma_wait3A = arith.constant 0 : i32
      %dma_wait3A_21 = tpu.memref_slice %arg6[%arg0, %mul3A_16, %dma_wait3A] : memref<2x10112x128xf32, #tpu.memory_space<hbm>> -> memref<1x632x128xf32, #tpu.memory_space<hbm>>
      %dma_wait3A_22 = tpu.memref_squeeze %dma_wait3A_21 : memref<1x632x128xf32, #tpu.memory_space<hbm>> -> memref<632x128xf32, #tpu.memory_space<hbm>>
      %dma_wait3A_23 = arith.constant 0 : i32
      %dma_wait3A_24 = tpu.memref_slice %arg7[%mul3A_14, %dma_wait3A_23] : memref<10112x128xf32, #tpu.memory_space<vmem_shared>> -> memref<632x128xf32, #tpu.memory_space<vmem_shared>>
      tpu.wait_dma2 semaphore(%run_scoped3A : memref<!tpu.dma_semaphore, #tpu.memory_space<semaphore_mem>>) src(%dma_wait3A_24 : memref<632x128xf32, #tpu.memory_space<vmem_shared>>) dst(%dma_wait3A_22 : memref<632x128xf32, #tpu.memory_space<hbm>>)
      tpu.yield
    }) : () -> ()
    return
  }
}

#map = affine_map<(d0, d1) -> (0, 0)>
#map1 = affine_map<(d0, d1) -> (0)>
#map2 = affine_map<(d0, d1) -> (0, 0, 0)>
module attributes {stable_mosaic.version = 14 : i64} {
  func.func @_seg_body(%arg0: i32, %arg1: i32, %arg2: memref<10000x128xf32, #tpu.memory_space<hbm>>, %arg3: memref<322560xi32, #tpu.memory_space<hbm>>, %arg4: memref<322560xi32, #tpu.memory_space<hbm>>, %arg5: memref<632x128xf32, #tpu.memory_space<hbm>>, %arg6: memref<2x10112x128xf32, #tpu.memory_space<hbm>>, %arg7: memref<10112x128xf32, #tpu.memory_space<vmem_shared>>, %arg8: memref<120xi32, #tpu.memory_space<vmem>>, %arg9: memref<120xi32, #tpu.memory_space<vmem>>, %arg10: memref<120xi32, #tpu.memory_space<vmem>>, %arg11: memref<120xi32, #tpu.memory_space<vmem>>, %arg12: memref<120xi32, #tpu.memory_space<vmem>>, %arg13: memref<120xi32, #tpu.memory_space<vmem>>, %arg14: memref<120xi32, #tpu.memory_space<vmem>>, %arg15: memref<120xi32, #tpu.memory_space<vmem>>, %arg16: memref<120xi32, #tpu.memory_space<vmem>>, %arg17: memref<120x128xf32, #tpu.memory_space<vmem>>, %arg18: memref<120x128xf32, #tpu.memory_space<vmem>>, %arg19: memref<120x128xf32, #tpu.memory_space<vmem>>, %arg20: memref<!tpu.dma_semaphore, #tpu.memory_space<semaphore_mem>>, %arg21: memref<!tpu.dma_semaphore, #tpu.memory_space<semaphore_mem>>, %arg22: memref<!tpu.dma_semaphore, #tpu.memory_space<semaphore_mem>>, %arg23: memref<!tpu.dma_semaphore, #tpu.memory_space<semaphore_mem>>, %arg24: memref<!tpu.dma_semaphore, #tpu.memory_space<semaphore_mem>>, %arg25: memref<!tpu.dma_semaphore, #tpu.memory_space<semaphore_mem>>, %arg26: memref<!tpu.dma_semaphore, #tpu.memory_space<semaphore_mem>>, %arg27: memref<!tpu.dma_semaphore, #tpu.memory_space<semaphore_mem>>, %arg28: memref<!tpu.dma_semaphore, #tpu.memory_space<semaphore_mem>>) attributes {dimension_semantics = [#tpu.dimension_semantics<core_parallel>, #tpu.dimension_semantics<subcore_parallel>], iteration_bounds = array<i64: 2, 16>, scalar_prefetch = 0 : i64, scratch_operands = 22 : i64, tpu.core_type = #tpu.core_type<sc_vector_subcore>, window_params = [{transform_indices = #map}, {transform_indices = #map1}, {transform_indices = #map1}, {transform_indices = #map}, {transform_indices = #map2}]} {
    %mul3A = arith.constant 2 : i32
    %mul3A_0 = arith.muli %arg1, %mul3A : i32
    %add3A = arith.addi %mul3A_0, %arg0 : i32
    %mul3A_1 = arith.constant 84 : i32
    %mul3A_2 = arith.muli %add3A, %mul3A_1 : i32
    %mul3A_3 = arith.constant 120 : i32
    %mul3A_4 = arith.muli %mul3A_2, %mul3A_3 : i32
    %mul3A_5 = arith.constant 632 : i32
    %mul3A_6 = arith.muli %arg1, %mul3A_5 : i32
    "tpu.region"() ({
      %run_scoped3A = tpu.sem_alloc : memref<!tpu.dma_semaphore, #tpu.memory_space<semaphore_mem>>
      %dma_start3A = arith.constant 0 : i32
      %dma_start3A_17 = tpu.memref_slice %arg7[%mul3A_6, %dma_start3A] : memref<10112x128xf32, #tpu.memory_space<vmem_shared>> -> memref<632x128xf32, #tpu.memory_space<vmem_shared>>
      tpu.enqueue_dma source(%arg5 : memref<632x128xf32, #tpu.memory_space<hbm>>) target(%dma_start3A_17 : memref<632x128xf32, #tpu.memory_space<vmem_shared>>) target_semaphore(%run_scoped3A : memref<!tpu.dma_semaphore, #tpu.memory_space<semaphore_mem>>)
      %dma_wait3A = arith.constant 0 : i32
      %dma_wait3A_18 = tpu.memref_slice %arg7[%mul3A_6, %dma_wait3A] : memref<10112x128xf32, #tpu.memory_space<vmem_shared>> -> memref<632x128xf32, #tpu.memory_space<vmem_shared>>
      tpu.wait_dma2 semaphore(%run_scoped3A : memref<!tpu.dma_semaphore, #tpu.memory_space<semaphore_mem>>) src(%arg5 : memref<632x128xf32, #tpu.memory_space<hbm>>) dst(%dma_wait3A_18 : memref<632x128xf32, #tpu.memory_space<vmem_shared>>)
      tpu.yield
    }) : () -> ()
    %barrier3A = arith.constant 0 : index
    tpu.barrier barrier_id(%barrier3A)
    %scan3A = arith.constant 0 : i32
    %scan3A_7 = arith.constant 0 : i32
    %scan3A_8 = arith.constant 84 : i32
    %scan3A_9 = arith.addi %scan3A_7, %scan3A_8 : i32
    %scan3A_10 = arith.constant 1 : i32
    scf.for %scan3A_17 = %scan3A_7 to %scan3A_9 step %scan3A_10  : i32 {
      %mul3A_18 = arith.constant 120 : i32
      %mul3A_19 = arith.muli %scan3A_17, %mul3A_18 : i32
      %add3A_20 = arith.addi %mul3A_4, %mul3A_19 : i32
      "tpu.region"() ({
        %run_scoped3A = tpu.sem_alloc : memref<!tpu.dma_semaphore, #tpu.memory_space<semaphore_mem>>
        %dma_start3A_25 = tpu.memref_slice %arg3[%add3A_20] : memref<322560xi32, #tpu.memory_space<hbm>> -> memref<120xi32, #tpu.memory_space<hbm>>
        %dma_start3A_26 = tpu.memref_slice %arg3[%add3A_20] : memref<322560xi32, #tpu.memory_space<hbm>> -> memref<120xi32, #tpu.memory_space<hbm>>
        tpu.enqueue_dma source(%dma_start3A_26 : memref<120xi32, #tpu.memory_space<hbm>>) target(%arg8 : memref<120xi32, #tpu.memory_space<vmem>>) target_semaphore(%run_scoped3A : memref<!tpu.dma_semaphore, #tpu.memory_space<semaphore_mem>>)
        %dma_wait3A_27 = tpu.memref_slice %arg3[%add3A_20] : memref<322560xi32, #tpu.memory_space<hbm>> -> memref<120xi32, #tpu.memory_space<hbm>>
        %dma_wait3A_28 = tpu.memref_slice %arg3[%add3A_20] : memref<322560xi32, #tpu.memory_space<hbm>> -> memref<120xi32, #tpu.memory_space<hbm>>
        tpu.wait_dma2 semaphore(%run_scoped3A : memref<!tpu.dma_semaphore, #tpu.memory_space<semaphore_mem>>) src(%dma_wait3A_28 : memref<120xi32, #tpu.memory_space<hbm>>) dst(%arg8 : memref<120xi32, #tpu.memory_space<vmem>>)
        tpu.yield
      }) : () -> ()
      "tpu.region"() ({
        %run_scoped3A = tpu.sem_alloc : memref<!tpu.dma_semaphore, #tpu.memory_space<semaphore_mem>>
        %dma_start3A_25 = tpu.memref_slice %arg4[%add3A_20] : memref<322560xi32, #tpu.memory_space<hbm>> -> memref<120xi32, #tpu.memory_space<hbm>>
        %dma_start3A_26 = tpu.memref_slice %arg4[%add3A_20] : memref<322560xi32, #tpu.memory_space<hbm>> -> memref<120xi32, #tpu.memory_space<hbm>>
        tpu.enqueue_dma source(%dma_start3A_26 : memref<120xi32, #tpu.memory_space<hbm>>) target(%arg11 : memref<120xi32, #tpu.memory_space<vmem>>) target_semaphore(%run_scoped3A : memref<!tpu.dma_semaphore, #tpu.memory_space<semaphore_mem>>)
        %dma_wait3A_27 = tpu.memref_slice %arg4[%add3A_20] : memref<322560xi32, #tpu.memory_space<hbm>> -> memref<120xi32, #tpu.memory_space<hbm>>
        %dma_wait3A_28 = tpu.memref_slice %arg4[%add3A_20] : memref<322560xi32, #tpu.memory_space<hbm>> -> memref<120xi32, #tpu.memory_space<hbm>>
        tpu.wait_dma2 semaphore(%run_scoped3A : memref<!tpu.dma_semaphore, #tpu.memory_space<semaphore_mem>>) src(%dma_wait3A_28 : memref<120xi32, #tpu.memory_space<hbm>>) dst(%arg11 : memref<120xi32, #tpu.memory_space<vmem>>)
        tpu.yield
      }) : () -> ()
      %dma_start3A = arith.constant 0 : i32
      %dma_start3A_21 = arith.constant 0 : i32
      %dma_start3A_22 = tpu.memref_slice %arg2[%dma_start3A, %dma_start3A_21] : memref<10000x128xf32, #tpu.memory_space<hbm>> -> memref<10000x128xf32, #tpu.memory_space<hbm>>
      tpu.enqueue_indirect_dma source(%dma_start3A_22 : memref<10000x128xf32, #tpu.memory_space<hbm>>) target(%arg17 : memref<120x128xf32, #tpu.memory_space<vmem>>) offsets(%arg8 : memref<120xi32, #tpu.memory_space<vmem>>) semaphore(%arg23 : memref<!tpu.dma_semaphore, #tpu.memory_space<semaphore_mem>>)
      %dma_wait3A = arith.constant 0 : i32
      %dma_wait3A_23 = arith.constant 0 : i32
      %dma_wait3A_24 = tpu.memref_slice %arg2[%dma_wait3A, %dma_wait3A_23] : memref<10000x128xf32, #tpu.memory_space<hbm>> -> memref<10000x128xf32, #tpu.memory_space<hbm>>
      tpu.wait_indirect_dma semaphore(%arg23 : memref<!tpu.dma_semaphore, #tpu.memory_space<semaphore_mem>>) src(%dma_wait3A_24 : memref<10000x128xf32, #tpu.memory_space<hbm>>) dst(%arg17 : memref<120x128xf32, #tpu.memory_space<vmem>>)
      "tpu.region"() ({
        %run_scoped3A = tpu.sem_alloc : memref<!tpu.dma_semaphore, #tpu.memory_space<semaphore_mem>>
        %dma_start3A_25 = arith.constant 0 : i32
        %dma_start3A_26 = arith.constant 0 : i32
        %dma_start3A_27 = tpu.memref_slice %arg7[%dma_start3A_25, %dma_start3A_26] : memref<10112x128xf32, #tpu.memory_space<vmem_shared>> -> memref<10112x128xf32, #tpu.memory_space<vmem_shared>>
        tpu.enqueue_indirect_dma source(%arg17 : memref<120x128xf32, #tpu.memory_space<vmem>>) target(%dma_start3A_27 : memref<10112x128xf32, #tpu.memory_space<vmem_shared>>) offsets(%arg11 : memref<120xi32, #tpu.memory_space<vmem>>) semaphore(%run_scoped3A : memref<!tpu.dma_semaphore, #tpu.memory_space<semaphore_mem>>) {add = true}
        %dma_wait3A_28 = arith.constant 0 : i32
        %dma_wait3A_29 = arith.constant 0 : i32
        %dma_wait3A_30 = tpu.memref_slice %arg7[%dma_wait3A_28, %dma_wait3A_29] : memref<10112x128xf32, #tpu.memory_space<vmem_shared>> -> memref<10112x128xf32, #tpu.memory_space<vmem_shared>>
        tpu.wait_indirect_dma semaphore(%run_scoped3A : memref<!tpu.dma_semaphore, #tpu.memory_space<semaphore_mem>>) src(%arg17 : memref<120x128xf32, #tpu.memory_space<vmem>>) dst(%dma_wait3A_30 : memref<10112x128xf32, #tpu.memory_space<vmem_shared>>)
        tpu.yield
      }) : () -> ()
    }
    %scan3A_11 = arith.constant 84 : i32
    %barrier3A_12 = arith.constant 0 : index
    tpu.barrier barrier_id(%barrier3A_12)
    %mul3A_13 = arith.constant 632 : i32
    %mul3A_14 = arith.muli %arg1, %mul3A_13 : i32
    %mul3A_15 = arith.constant 632 : i32
    %mul3A_16 = arith.muli %arg1, %mul3A_15 : i32
    "tpu.region"() ({
      %run_scoped3A = tpu.sem_alloc : memref<!tpu.dma_semaphore, #tpu.memory_space<semaphore_mem>>
      %dma_start3A = arith.constant 0 : i32
      %dma_start3A_17 = tpu.memref_slice %arg6[%arg0, %mul3A_16, %dma_start3A] : memref<2x10112x128xf32, #tpu.memory_space<hbm>> -> memref<1x632x128xf32, #tpu.memory_space<hbm>>
      %dma_start3A_18 = tpu.memref_squeeze %dma_start3A_17 : memref<1x632x128xf32, #tpu.memory_space<hbm>> -> memref<632x128xf32, #tpu.memory_space<hbm>>
      %dma_start3A_19 = arith.constant 0 : i32
      %dma_start3A_20 = tpu.memref_slice %arg7[%mul3A_14, %dma_start3A_19] : memref<10112x128xf32, #tpu.memory_space<vmem_shared>> -> memref<632x128xf32, #tpu.memory_space<vmem_shared>>
      tpu.enqueue_dma source(%dma_start3A_20 : memref<632x128xf32, #tpu.memory_space<vmem_shared>>) target(%dma_start3A_18 : memref<632x128xf32, #tpu.memory_space<hbm>>) target_semaphore(%run_scoped3A : memref<!tpu.dma_semaphore, #tpu.memory_space<semaphore_mem>>)
      %dma_wait3A = arith.constant 0 : i32
      %dma_wait3A_21 = tpu.memref_slice %arg6[%arg0, %mul3A_16, %dma_wait3A] : memref<2x10112x128xf32, #tpu.memory_space<hbm>> -> memref<1x632x128xf32, #tpu.memory_space<hbm>>
      %dma_wait3A_22 = tpu.memref_squeeze %dma_wait3A_21 : memref<1x632x128xf32, #tpu.memory_space<hbm>> -> memref<632x128xf32, #tpu.memory_space<hbm>>
      %dma_wait3A_23 = arith.constant 0 : i32
      %dma_wait3A_24 = tpu.memref_slice %arg7[%mul3A_14, %dma_wait3A_23] : memref<10112x128xf32, #tpu.memory_space<vmem_shared>> -> memref<632x128xf32, #tpu.memory_space<vmem_shared>>
      tpu.wait_dma2 semaphore(%run_scoped3A : memref<!tpu.dma_semaphore, #tpu.memory_space<semaphore_mem>>) src(%dma_wait3A_24 : memref<632x128xf32, #tpu.memory_space<vmem_shared>>) dst(%dma_wait3A_22 : memref<632x128xf32, #tpu.memory_space<hbm>>)
      tpu.yield
    }) : () -> ()
    return
  }
}

#map = affine_map<(d0, d1) -> (0, 0)>
#map1 = affine_map<(d0, d1) -> (0)>
#map2 = affine_map<(d0, d1) -> (0, 0, 0)>
module attributes {stable_mosaic.version = 14 : i64} {
  func.func @_seg_body(%arg0: i32, %arg1: i32, %arg2: memref<10000x128xf32, #tpu.memory_space<hbm>>, %arg3: memref<322560xi32, #tpu.memory_space<hbm>>, %arg4: memref<322560xi32, #tpu.memory_space<hbm>>, %arg5: memref<632x128xf32, #tpu.memory_space<hbm>>, %arg6: memref<2x10112x128xf32, #tpu.memory_space<hbm>>, %arg7: memref<10112x128xf32, #tpu.memory_space<vmem_shared>>, %arg8: memref<120xi32, #tpu.memory_space<vmem>>, %arg9: memref<120xi32, #tpu.memory_space<vmem>>, %arg10: memref<120xi32, #tpu.memory_space<vmem>>, %arg11: memref<120xi32, #tpu.memory_space<vmem>>, %arg12: memref<120xi32, #tpu.memory_space<vmem>>, %arg13: memref<120xi32, #tpu.memory_space<vmem>>, %arg14: memref<120xi32, #tpu.memory_space<vmem>>, %arg15: memref<120xi32, #tpu.memory_space<vmem>>, %arg16: memref<120xi32, #tpu.memory_space<vmem>>, %arg17: memref<120x128xf32, #tpu.memory_space<vmem>>, %arg18: memref<120x128xf32, #tpu.memory_space<vmem>>, %arg19: memref<120x128xf32, #tpu.memory_space<vmem>>, %arg20: memref<!tpu.dma_semaphore, #tpu.memory_space<semaphore_mem>>, %arg21: memref<!tpu.dma_semaphore, #tpu.memory_space<semaphore_mem>>, %arg22: memref<!tpu.dma_semaphore, #tpu.memory_space<semaphore_mem>>, %arg23: memref<!tpu.dma_semaphore, #tpu.memory_space<semaphore_mem>>, %arg24: memref<!tpu.dma_semaphore, #tpu.memory_space<semaphore_mem>>, %arg25: memref<!tpu.dma_semaphore, #tpu.memory_space<semaphore_mem>>, %arg26: memref<!tpu.dma_semaphore, #tpu.memory_space<semaphore_mem>>, %arg27: memref<!tpu.dma_semaphore, #tpu.memory_space<semaphore_mem>>, %arg28: memref<!tpu.dma_semaphore, #tpu.memory_space<semaphore_mem>>) attributes {dimension_semantics = [#tpu.dimension_semantics<core_parallel>, #tpu.dimension_semantics<subcore_parallel>], iteration_bounds = array<i64: 2, 16>, scalar_prefetch = 0 : i64, scratch_operands = 22 : i64, tpu.core_type = #tpu.core_type<sc_vector_subcore>, window_params = [{transform_indices = #map}, {transform_indices = #map1}, {transform_indices = #map1}, {transform_indices = #map}, {transform_indices = #map2}]} {
    %mul3A = arith.constant 2 : i32
    %mul3A_0 = arith.muli %arg1, %mul3A : i32
    %add3A = arith.addi %mul3A_0, %arg0 : i32
    %mul3A_1 = arith.constant 84 : i32
    %mul3A_2 = arith.muli %add3A, %mul3A_1 : i32
    %mul3A_3 = arith.constant 120 : i32
    %mul3A_4 = arith.muli %mul3A_2, %mul3A_3 : i32
    %mul3A_5 = arith.constant 632 : i32
    %mul3A_6 = arith.muli %arg1, %mul3A_5 : i32
    "tpu.region"() ({
      %run_scoped3A = tpu.sem_alloc : memref<!tpu.dma_semaphore, #tpu.memory_space<semaphore_mem>>
      %dma_start3A = arith.constant 0 : i32
      %dma_start3A_17 = tpu.memref_slice %arg7[%mul3A_6, %dma_start3A] : memref<10112x128xf32, #tpu.memory_space<vmem_shared>> -> memref<632x128xf32, #tpu.memory_space<vmem_shared>>
      tpu.enqueue_dma source(%arg5 : memref<632x128xf32, #tpu.memory_space<hbm>>) target(%dma_start3A_17 : memref<632x128xf32, #tpu.memory_space<vmem_shared>>) target_semaphore(%run_scoped3A : memref<!tpu.dma_semaphore, #tpu.memory_space<semaphore_mem>>)
      %dma_wait3A = arith.constant 0 : i32
      %dma_wait3A_18 = tpu.memref_slice %arg7[%mul3A_6, %dma_wait3A] : memref<10112x128xf32, #tpu.memory_space<vmem_shared>> -> memref<632x128xf32, #tpu.memory_space<vmem_shared>>
      tpu.wait_dma2 semaphore(%run_scoped3A : memref<!tpu.dma_semaphore, #tpu.memory_space<semaphore_mem>>) src(%arg5 : memref<632x128xf32, #tpu.memory_space<hbm>>) dst(%dma_wait3A_18 : memref<632x128xf32, #tpu.memory_space<vmem_shared>>)
      tpu.yield
    }) : () -> ()
    %barrier3A = arith.constant 0 : index
    tpu.barrier barrier_id(%barrier3A)
    %scan3A = arith.constant 0 : i32
    %scan3A_7 = arith.constant 0 : i32
    %scan3A_8 = arith.constant 84 : i32
    %scan3A_9 = arith.addi %scan3A_7, %scan3A_8 : i32
    %scan3A_10 = arith.constant 1 : i32
    scf.for %scan3A_17 = %scan3A_7 to %scan3A_9 step %scan3A_10  : i32 {
      %mul3A_18 = arith.constant 120 : i32
      %mul3A_19 = arith.muli %scan3A_17, %mul3A_18 : i32
      %add3A_20 = arith.addi %mul3A_4, %mul3A_19 : i32
      "tpu.region"() ({
        %run_scoped3A = tpu.sem_alloc : memref<!tpu.dma_semaphore, #tpu.memory_space<semaphore_mem>>
        %dma_start3A_25 = tpu.memref_slice %arg3[%add3A_20] : memref<322560xi32, #tpu.memory_space<hbm>> -> memref<120xi32, #tpu.memory_space<hbm>>
        %dma_start3A_26 = tpu.memref_slice %arg3[%add3A_20] : memref<322560xi32, #tpu.memory_space<hbm>> -> memref<120xi32, #tpu.memory_space<hbm>>
        tpu.enqueue_dma source(%dma_start3A_26 : memref<120xi32, #tpu.memory_space<hbm>>) target(%arg8 : memref<120xi32, #tpu.memory_space<vmem>>) target_semaphore(%run_scoped3A : memref<!tpu.dma_semaphore, #tpu.memory_space<semaphore_mem>>)
        %dma_wait3A_27 = tpu.memref_slice %arg3[%add3A_20] : memref<322560xi32, #tpu.memory_space<hbm>> -> memref<120xi32, #tpu.memory_space<hbm>>
        %dma_wait3A_28 = tpu.memref_slice %arg3[%add3A_20] : memref<322560xi32, #tpu.memory_space<hbm>> -> memref<120xi32, #tpu.memory_space<hbm>>
        tpu.wait_dma2 semaphore(%run_scoped3A : memref<!tpu.dma_semaphore, #tpu.memory_space<semaphore_mem>>) src(%dma_wait3A_28 : memref<120xi32, #tpu.memory_space<hbm>>) dst(%arg8 : memref<120xi32, #tpu.memory_space<vmem>>)
        tpu.yield
      }) : () -> ()
      "tpu.region"() ({
        %run_scoped3A = tpu.sem_alloc : memref<!tpu.dma_semaphore, #tpu.memory_space<semaphore_mem>>
        %dma_start3A_25 = tpu.memref_slice %arg4[%add3A_20] : memref<322560xi32, #tpu.memory_space<hbm>> -> memref<120xi32, #tpu.memory_space<hbm>>
        %dma_start3A_26 = tpu.memref_slice %arg4[%add3A_20] : memref<322560xi32, #tpu.memory_space<hbm>> -> memref<120xi32, #tpu.memory_space<hbm>>
        tpu.enqueue_dma source(%dma_start3A_26 : memref<120xi32, #tpu.memory_space<hbm>>) target(%arg11 : memref<120xi32, #tpu.memory_space<vmem>>) target_semaphore(%run_scoped3A : memref<!tpu.dma_semaphore, #tpu.memory_space<semaphore_mem>>)
        %dma_wait3A_27 = tpu.memref_slice %arg4[%add3A_20] : memref<322560xi32, #tpu.memory_space<hbm>> -> memref<120xi32, #tpu.memory_space<hbm>>
        %dma_wait3A_28 = tpu.memref_slice %arg4[%add3A_20] : memref<322560xi32, #tpu.memory_space<hbm>> -> memref<120xi32, #tpu.memory_space<hbm>>
        tpu.wait_dma2 semaphore(%run_scoped3A : memref<!tpu.dma_semaphore, #tpu.memory_space<semaphore_mem>>) src(%dma_wait3A_28 : memref<120xi32, #tpu.memory_space<hbm>>) dst(%arg11 : memref<120xi32, #tpu.memory_space<vmem>>)
        tpu.yield
      }) : () -> ()
      %dma_start3A = arith.constant 0 : i32
      %dma_start3A_21 = arith.constant 0 : i32
      %dma_start3A_22 = tpu.memref_slice %arg2[%dma_start3A, %dma_start3A_21] : memref<10000x128xf32, #tpu.memory_space<hbm>> -> memref<10000x128xf32, #tpu.memory_space<hbm>>
      tpu.enqueue_indirect_dma source(%dma_start3A_22 : memref<10000x128xf32, #tpu.memory_space<hbm>>) target(%arg17 : memref<120x128xf32, #tpu.memory_space<vmem>>) offsets(%arg8 : memref<120xi32, #tpu.memory_space<vmem>>) semaphore(%arg23 : memref<!tpu.dma_semaphore, #tpu.memory_space<semaphore_mem>>)
      %dma_wait3A = arith.constant 0 : i32
      %dma_wait3A_23 = arith.constant 0 : i32
      %dma_wait3A_24 = tpu.memref_slice %arg2[%dma_wait3A, %dma_wait3A_23] : memref<10000x128xf32, #tpu.memory_space<hbm>> -> memref<10000x128xf32, #tpu.memory_space<hbm>>
      tpu.wait_indirect_dma semaphore(%arg23 : memref<!tpu.dma_semaphore, #tpu.memory_space<semaphore_mem>>) src(%dma_wait3A_24 : memref<10000x128xf32, #tpu.memory_space<hbm>>) dst(%arg17 : memref<120x128xf32, #tpu.memory_space<vmem>>)
      "tpu.region"() ({
        %run_scoped3A = tpu.sem_alloc : memref<!tpu.dma_semaphore, #tpu.memory_space<semaphore_mem>>
        %dma_start3A_25 = arith.constant 0 : i32
        %dma_start3A_26 = arith.constant 0 : i32
        %dma_start3A_27 = tpu.memref_slice %arg7[%dma_start3A_25, %dma_start3A_26] : memref<10112x128xf32, #tpu.memory_space<vmem_shared>> -> memref<10112x128xf32, #tpu.memory_space<vmem_shared>>
        tpu.enqueue_indirect_dma source(%arg17 : memref<120x128xf32, #tpu.memory_space<vmem>>) target(%dma_start3A_27 : memref<10112x128xf32, #tpu.memory_space<vmem_shared>>) offsets(%arg11 : memref<120xi32, #tpu.memory_space<vmem>>) semaphore(%run_scoped3A : memref<!tpu.dma_semaphore, #tpu.memory_space<semaphore_mem>>) {add = true}
        %dma_wait3A_28 = arith.constant 0 : i32
        %dma_wait3A_29 = arith.constant 0 : i32
        %dma_wait3A_30 = tpu.memref_slice %arg7[%dma_wait3A_28, %dma_wait3A_29] : memref<10112x128xf32, #tpu.memory_space<vmem_shared>> -> memref<10112x128xf32, #tpu.memory_space<vmem_shared>>
        tpu.wait_indirect_dma semaphore(%run_scoped3A : memref<!tpu.dma_semaphore, #tpu.memory_space<semaphore_mem>>) src(%arg17 : memref<120x128xf32, #tpu.memory_space<vmem>>) dst(%dma_wait3A_30 : memref<10112x128xf32, #tpu.memory_space<vmem_shared>>)
        tpu.yield
      }) : () -> ()
    }
    %scan3A_11 = arith.constant 84 : i32
    %barrier3A_12 = arith.constant 0 : index
    tpu.barrier barrier_id(%barrier3A_12)
    %mul3A_13 = arith.constant 632 : i32
    %mul3A_14 = arith.muli %arg1, %mul3A_13 : i32
    %mul3A_15 = arith.constant 632 : i32
    %mul3A_16 = arith.muli %arg1, %mul3A_15 : i32
    "tpu.region"() ({
      %run_scoped3A = tpu.sem_alloc : memref<!tpu.dma_semaphore, #tpu.memory_space<semaphore_mem>>
      %dma_start3A = arith.constant 0 : i32
      %dma_start3A_17 = tpu.memref_slice %arg6[%arg0, %mul3A_16, %dma_start3A] : memref<2x10112x128xf32, #tpu.memory_space<hbm>> -> memref<1x632x128xf32, #tpu.memory_space<hbm>>
      %dma_start3A_18 = tpu.memref_squeeze %dma_start3A_17 : memref<1x632x128xf32, #tpu.memory_space<hbm>> -> memref<632x128xf32, #tpu.memory_space<hbm>>
      %dma_start3A_19 = arith.constant 0 : i32
      %dma_start3A_20 = tpu.memref_slice %arg7[%mul3A_14, %dma_start3A_19] : memref<10112x128xf32, #tpu.memory_space<vmem_shared>> -> memref<632x128xf32, #tpu.memory_space<vmem_shared>>
      tpu.enqueue_dma source(%dma_start3A_20 : memref<632x128xf32, #tpu.memory_space<vmem_shared>>) target(%dma_start3A_18 : memref<632x128xf32, #tpu.memory_space<hbm>>) target_semaphore(%run_scoped3A : memref<!tpu.dma_semaphore, #tpu.memory_space<semaphore_mem>>)
      %dma_wait3A = arith.constant 0 : i32
      %dma_wait3A_21 = tpu.memref_slice %arg6[%arg0, %mul3A_16, %dma_wait3A] : memref<2x10112x128xf32, #tpu.memory_space<hbm>> -> memref<1x632x128xf32, #tpu.memory_space<hbm>>
      %dma_wait3A_22 = tpu.memref_squeeze %dma_wait3A_21 : memref<1x632x128xf32, #tpu.memory_space<hbm>> -> memref<632x128xf32, #tpu.memory_space<hbm>>
      %dma_wait3A_23 = arith.constant 0 : i32
      %dma_wait3A_24 = tpu.memref_slice %arg7[%mul3A_14, %dma_wait3A_23] : memref<10112x128xf32, #tpu.memory_space<vmem_shared>> -> memref<632x128xf32, #tpu.memory_space<vmem_shared>>
      tpu.wait_dma2 semaphore(%run_scoped3A : memref<!tpu.dma_semaphore, #tpu.memory_space<semaphore_mem>>) src(%dma_wait3A_24 : memref<632x128xf32, #tpu.memory_space<vmem_shared>>) dst(%dma_wait3A_22 : memref<632x128xf32, #tpu.memory_space<hbm>>)
      tpu.yield
    }) : () -> ()
    return
  }
}

#map = affine_map<(d0, d1) -> (0, 0)>
#map1 = affine_map<(d0, d1) -> (0)>
#map2 = affine_map<(d0, d1) -> (0, 0, 0)>
module attributes {stable_mosaic.version = 14 : i64} {
  func.func @_seg_body(%arg0: i32, %arg1: i32, %arg2: memref<10000x128xf32, #tpu.memory_space<hbm>>, %arg3: memref<322560xi32, #tpu.memory_space<hbm>>, %arg4: memref<322560xi32, #tpu.memory_space<hbm>>, %arg5: memref<632x128xf32, #tpu.memory_space<hbm>>, %arg6: memref<2x10112x128xf32, #tpu.memory_space<hbm>>, %arg7: memref<10112x128xf32, #tpu.memory_space<vmem_shared>>, %arg8: memref<120xi32, #tpu.memory_space<vmem>>, %arg9: memref<120xi32, #tpu.memory_space<vmem>>, %arg10: memref<120xi32, #tpu.memory_space<vmem>>, %arg11: memref<120xi32, #tpu.memory_space<vmem>>, %arg12: memref<120xi32, #tpu.memory_space<vmem>>, %arg13: memref<120xi32, #tpu.memory_space<vmem>>, %arg14: memref<120xi32, #tpu.memory_space<vmem>>, %arg15: memref<120xi32, #tpu.memory_space<vmem>>, %arg16: memref<120xi32, #tpu.memory_space<vmem>>, %arg17: memref<120x128xf32, #tpu.memory_space<vmem>>, %arg18: memref<120x128xf32, #tpu.memory_space<vmem>>, %arg19: memref<120x128xf32, #tpu.memory_space<vmem>>, %arg20: memref<!tpu.dma_semaphore, #tpu.memory_space<semaphore_mem>>, %arg21: memref<!tpu.dma_semaphore, #tpu.memory_space<semaphore_mem>>, %arg22: memref<!tpu.dma_semaphore, #tpu.memory_space<semaphore_mem>>, %arg23: memref<!tpu.dma_semaphore, #tpu.memory_space<semaphore_mem>>, %arg24: memref<!tpu.dma_semaphore, #tpu.memory_space<semaphore_mem>>, %arg25: memref<!tpu.dma_semaphore, #tpu.memory_space<semaphore_mem>>, %arg26: memref<!tpu.dma_semaphore, #tpu.memory_space<semaphore_mem>>, %arg27: memref<!tpu.dma_semaphore, #tpu.memory_space<semaphore_mem>>, %arg28: memref<!tpu.dma_semaphore, #tpu.memory_space<semaphore_mem>>) attributes {dimension_semantics = [#tpu.dimension_semantics<core_parallel>, #tpu.dimension_semantics<subcore_parallel>], iteration_bounds = array<i64: 2, 16>, scalar_prefetch = 0 : i64, scratch_operands = 22 : i64, tpu.core_type = #tpu.core_type<sc_vector_subcore>, window_params = [{transform_indices = #map}, {transform_indices = #map1}, {transform_indices = #map1}, {transform_indices = #map}, {transform_indices = #map2}]} {
    %mul3A = arith.constant 2 : i32
    %mul3A_0 = arith.muli %arg1, %mul3A : i32
    %add3A = arith.addi %mul3A_0, %arg0 : i32
    %mul3A_1 = arith.constant 84 : i32
    %mul3A_2 = arith.muli %add3A, %mul3A_1 : i32
    %mul3A_3 = arith.constant 120 : i32
    %mul3A_4 = arith.muli %mul3A_2, %mul3A_3 : i32
    %mul3A_5 = arith.constant 632 : i32
    %mul3A_6 = arith.muli %arg1, %mul3A_5 : i32
    "tpu.region"() ({
      %run_scoped3A = tpu.sem_alloc : memref<!tpu.dma_semaphore, #tpu.memory_space<semaphore_mem>>
      %dma_start3A = arith.constant 0 : i32
      %dma_start3A_17 = tpu.memref_slice %arg7[%mul3A_6, %dma_start3A] : memref<10112x128xf32, #tpu.memory_space<vmem_shared>> -> memref<632x128xf32, #tpu.memory_space<vmem_shared>>
      tpu.enqueue_dma source(%arg5 : memref<632x128xf32, #tpu.memory_space<hbm>>) target(%dma_start3A_17 : memref<632x128xf32, #tpu.memory_space<vmem_shared>>) target_semaphore(%run_scoped3A : memref<!tpu.dma_semaphore, #tpu.memory_space<semaphore_mem>>)
      %dma_wait3A = arith.constant 0 : i32
      %dma_wait3A_18 = tpu.memref_slice %arg7[%mul3A_6, %dma_wait3A] : memref<10112x128xf32, #tpu.memory_space<vmem_shared>> -> memref<632x128xf32, #tpu.memory_space<vmem_shared>>
      tpu.wait_dma2 semaphore(%run_scoped3A : memref<!tpu.dma_semaphore, #tpu.memory_space<semaphore_mem>>) src(%arg5 : memref<632x128xf32, #tpu.memory_space<hbm>>) dst(%dma_wait3A_18 : memref<632x128xf32, #tpu.memory_space<vmem_shared>>)
      tpu.yield
    }) : () -> ()
    %barrier3A = arith.constant 0 : index
    tpu.barrier barrier_id(%barrier3A)
    %scan3A = arith.constant 0 : i32
    %scan3A_7 = arith.constant 0 : i32
    %scan3A_8 = arith.constant 84 : i32
    %scan3A_9 = arith.addi %scan3A_7, %scan3A_8 : i32
    %scan3A_10 = arith.constant 1 : i32
    scf.for %scan3A_17 = %scan3A_7 to %scan3A_9 step %scan3A_10  : i32 {
      %mul3A_18 = arith.constant 120 : i32
      %mul3A_19 = arith.muli %scan3A_17, %mul3A_18 : i32
      %add3A_20 = arith.addi %mul3A_4, %mul3A_19 : i32
      "tpu.region"() ({
        %run_scoped3A = tpu.sem_alloc : memref<!tpu.dma_semaphore, #tpu.memory_space<semaphore_mem>>
        %dma_start3A_25 = tpu.memref_slice %arg3[%add3A_20] : memref<322560xi32, #tpu.memory_space<hbm>> -> memref<120xi32, #tpu.memory_space<hbm>>
        %dma_start3A_26 = tpu.memref_slice %arg3[%add3A_20] : memref<322560xi32, #tpu.memory_space<hbm>> -> memref<120xi32, #tpu.memory_space<hbm>>
        tpu.enqueue_dma source(%dma_start3A_26 : memref<120xi32, #tpu.memory_space<hbm>>) target(%arg8 : memref<120xi32, #tpu.memory_space<vmem>>) target_semaphore(%run_scoped3A : memref<!tpu.dma_semaphore, #tpu.memory_space<semaphore_mem>>)
        %dma_wait3A_27 = tpu.memref_slice %arg3[%add3A_20] : memref<322560xi32, #tpu.memory_space<hbm>> -> memref<120xi32, #tpu.memory_space<hbm>>
        %dma_wait3A_28 = tpu.memref_slice %arg3[%add3A_20] : memref<322560xi32, #tpu.memory_space<hbm>> -> memref<120xi32, #tpu.memory_space<hbm>>
        tpu.wait_dma2 semaphore(%run_scoped3A : memref<!tpu.dma_semaphore, #tpu.memory_space<semaphore_mem>>) src(%dma_wait3A_28 : memref<120xi32, #tpu.memory_space<hbm>>) dst(%arg8 : memref<120xi32, #tpu.memory_space<vmem>>)
        tpu.yield
      }) : () -> ()
      "tpu.region"() ({
        %run_scoped3A = tpu.sem_alloc : memref<!tpu.dma_semaphore, #tpu.memory_space<semaphore_mem>>
        %dma_start3A_25 = tpu.memref_slice %arg4[%add3A_20] : memref<322560xi32, #tpu.memory_space<hbm>> -> memref<120xi32, #tpu.memory_space<hbm>>
        %dma_start3A_26 = tpu.memref_slice %arg4[%add3A_20] : memref<322560xi32, #tpu.memory_space<hbm>> -> memref<120xi32, #tpu.memory_space<hbm>>
        tpu.enqueue_dma source(%dma_start3A_26 : memref<120xi32, #tpu.memory_space<hbm>>) target(%arg11 : memref<120xi32, #tpu.memory_space<vmem>>) target_semaphore(%run_scoped3A : memref<!tpu.dma_semaphore, #tpu.memory_space<semaphore_mem>>)
        %dma_wait3A_27 = tpu.memref_slice %arg4[%add3A_20] : memref<322560xi32, #tpu.memory_space<hbm>> -> memref<120xi32, #tpu.memory_space<hbm>>
        %dma_wait3A_28 = tpu.memref_slice %arg4[%add3A_20] : memref<322560xi32, #tpu.memory_space<hbm>> -> memref<120xi32, #tpu.memory_space<hbm>>
        tpu.wait_dma2 semaphore(%run_scoped3A : memref<!tpu.dma_semaphore, #tpu.memory_space<semaphore_mem>>) src(%dma_wait3A_28 : memref<120xi32, #tpu.memory_space<hbm>>) dst(%arg11 : memref<120xi32, #tpu.memory_space<vmem>>)
        tpu.yield
      }) : () -> ()
      %dma_start3A = arith.constant 0 : i32
      %dma_start3A_21 = arith.constant 0 : i32
      %dma_start3A_22 = tpu.memref_slice %arg2[%dma_start3A, %dma_start3A_21] : memref<10000x128xf32, #tpu.memory_space<hbm>> -> memref<10000x128xf32, #tpu.memory_space<hbm>>
      tpu.enqueue_indirect_dma source(%dma_start3A_22 : memref<10000x128xf32, #tpu.memory_space<hbm>>) target(%arg17 : memref<120x128xf32, #tpu.memory_space<vmem>>) offsets(%arg8 : memref<120xi32, #tpu.memory_space<vmem>>) semaphore(%arg23 : memref<!tpu.dma_semaphore, #tpu.memory_space<semaphore_mem>>)
      %dma_wait3A = arith.constant 0 : i32
      %dma_wait3A_23 = arith.constant 0 : i32
      %dma_wait3A_24 = tpu.memref_slice %arg2[%dma_wait3A, %dma_wait3A_23] : memref<10000x128xf32, #tpu.memory_space<hbm>> -> memref<10000x128xf32, #tpu.memory_space<hbm>>
      tpu.wait_indirect_dma semaphore(%arg23 : memref<!tpu.dma_semaphore, #tpu.memory_space<semaphore_mem>>) src(%dma_wait3A_24 : memref<10000x128xf32, #tpu.memory_space<hbm>>) dst(%arg17 : memref<120x128xf32, #tpu.memory_space<vmem>>)
      "tpu.region"() ({
        %run_scoped3A = tpu.sem_alloc : memref<!tpu.dma_semaphore, #tpu.memory_space<semaphore_mem>>
        %dma_start3A_25 = arith.constant 0 : i32
        %dma_start3A_26 = arith.constant 0 : i32
        %dma_start3A_27 = tpu.memref_slice %arg7[%dma_start3A_25, %dma_start3A_26] : memref<10112x128xf32, #tpu.memory_space<vmem_shared>> -> memref<10112x128xf32, #tpu.memory_space<vmem_shared>>
        tpu.enqueue_indirect_dma source(%arg17 : memref<120x128xf32, #tpu.memory_space<vmem>>) target(%dma_start3A_27 : memref<10112x128xf32, #tpu.memory_space<vmem_shared>>) offsets(%arg11 : memref<120xi32, #tpu.memory_space<vmem>>) semaphore(%run_scoped3A : memref<!tpu.dma_semaphore, #tpu.memory_space<semaphore_mem>>) {add = true}
        %dma_wait3A_28 = arith.constant 0 : i32
        %dma_wait3A_29 = arith.constant 0 : i32
        %dma_wait3A_30 = tpu.memref_slice %arg7[%dma_wait3A_28, %dma_wait3A_29] : memref<10112x128xf32, #tpu.memory_space<vmem_shared>> -> memref<10112x128xf32, #tpu.memory_space<vmem_shared>>
        tpu.wait_indirect_dma semaphore(%run_scoped3A : memref<!tpu.dma_semaphore, #tpu.memory_space<semaphore_mem>>) src(%arg17 : memref<120x128xf32, #tpu.memory_space<vmem>>) dst(%dma_wait3A_30 : memref<10112x128xf32, #tpu.memory_space<vmem_shared>>)
        tpu.yield
      }) : () -> ()
    }
    %scan3A_11 = arith.constant 84 : i32
    %barrier3A_12 = arith.constant 0 : index
    tpu.barrier barrier_id(%barrier3A_12)
    %mul3A_13 = arith.constant 632 : i32
    %mul3A_14 = arith.muli %arg1, %mul3A_13 : i32
    %mul3A_15 = arith.constant 632 : i32
    %mul3A_16 = arith.muli %arg1, %mul3A_15 : i32
    "tpu.region"() ({
      %run_scoped3A = tpu.sem_alloc : memref<!tpu.dma_semaphore, #tpu.memory_space<semaphore_mem>>
      %dma_start3A = arith.constant 0 : i32
      %dma_start3A_17 = tpu.memref_slice %arg6[%arg0, %mul3A_16, %dma_start3A] : memref<2x10112x128xf32, #tpu.memory_space<hbm>> -> memref<1x632x128xf32, #tpu.memory_space<hbm>>
      %dma_start3A_18 = tpu.memref_squeeze %dma_start3A_17 : memref<1x632x128xf32, #tpu.memory_space<hbm>> -> memref<632x128xf32, #tpu.memory_space<hbm>>
      %dma_start3A_19 = arith.constant 0 : i32
      %dma_start3A_20 = tpu.memref_slice %arg7[%mul3A_14, %dma_start3A_19] : memref<10112x128xf32, #tpu.memory_space<vmem_shared>> -> memref<632x128xf32, #tpu.memory_space<vmem_shared>>
      tpu.enqueue_dma source(%dma_start3A_20 : memref<632x128xf32, #tpu.memory_space<vmem_shared>>) target(%dma_start3A_18 : memref<632x128xf32, #tpu.memory_space<hbm>>) target_semaphore(%run_scoped3A : memref<!tpu.dma_semaphore, #tpu.memory_space<semaphore_mem>>)
      %dma_wait3A = arith.constant 0 : i32
      %dma_wait3A_21 = tpu.memref_slice %arg6[%arg0, %mul3A_16, %dma_wait3A] : memref<2x10112x128xf32, #tpu.memory_space<hbm>> -> memref<1x632x128xf32, #tpu.memory_space<hbm>>
      %dma_wait3A_22 = tpu.memref_squeeze %dma_wait3A_21 : memref<1x632x128xf32, #tpu.memory_space<hbm>> -> memref<632x128xf32, #tpu.memory_space<hbm>>
      %dma_wait3A_23 = arith.constant 0 : i32
      %dma_wait3A_24 = tpu.memref_slice %arg7[%mul3A_14, %dma_wait3A_23] : memref<10112x128xf32, #tpu.memory_space<vmem_shared>> -> memref<632x128xf32, #tpu.memory_space<vmem_shared>>
      tpu.wait_dma2 semaphore(%run_scoped3A : memref<!tpu.dma_semaphore, #tpu.memory_space<semaphore_mem>>) src(%dma_wait3A_24 : memref<632x128xf32, #tpu.memory_space<vmem_shared>>) dst(%dma_wait3A_22 : memref<632x128xf32, #tpu.memory_space<hbm>>)
      tpu.yield
    }) : () -> ()
    return
  }
}

#map = affine_map<(d0, d1) -> (0, 0)>
#map1 = affine_map<(d0, d1) -> (0)>
#map2 = affine_map<(d0, d1) -> (0, 0, 0)>
module attributes {stable_mosaic.version = 14 : i64} {
  func.func @_seg_body(%arg0: i32, %arg1: i32, %arg2: memref<10000x128xf32, #tpu.memory_space<hbm>>, %arg3: memref<322560xi32, #tpu.memory_space<hbm>>, %arg4: memref<322560xi32, #tpu.memory_space<hbm>>, %arg5: memref<632x128xf32, #tpu.memory_space<hbm>>, %arg6: memref<2x10112x128xf32, #tpu.memory_space<hbm>>, %arg7: memref<10112x128xf32, #tpu.memory_space<vmem_shared>>, %arg8: memref<120xi32, #tpu.memory_space<vmem>>, %arg9: memref<120xi32, #tpu.memory_space<vmem>>, %arg10: memref<120xi32, #tpu.memory_space<vmem>>, %arg11: memref<120xi32, #tpu.memory_space<vmem>>, %arg12: memref<120xi32, #tpu.memory_space<vmem>>, %arg13: memref<120xi32, #tpu.memory_space<vmem>>, %arg14: memref<120xi32, #tpu.memory_space<vmem>>, %arg15: memref<120xi32, #tpu.memory_space<vmem>>, %arg16: memref<120xi32, #tpu.memory_space<vmem>>, %arg17: memref<120x128xf32, #tpu.memory_space<vmem>>, %arg18: memref<120x128xf32, #tpu.memory_space<vmem>>, %arg19: memref<120x128xf32, #tpu.memory_space<vmem>>, %arg20: memref<!tpu.dma_semaphore, #tpu.memory_space<semaphore_mem>>, %arg21: memref<!tpu.dma_semaphore, #tpu.memory_space<semaphore_mem>>, %arg22: memref<!tpu.dma_semaphore, #tpu.memory_space<semaphore_mem>>, %arg23: memref<!tpu.dma_semaphore, #tpu.memory_space<semaphore_mem>>, %arg24: memref<!tpu.dma_semaphore, #tpu.memory_space<semaphore_mem>>, %arg25: memref<!tpu.dma_semaphore, #tpu.memory_space<semaphore_mem>>, %arg26: memref<!tpu.dma_semaphore, #tpu.memory_space<semaphore_mem>>, %arg27: memref<!tpu.dma_semaphore, #tpu.memory_space<semaphore_mem>>, %arg28: memref<!tpu.dma_semaphore, #tpu.memory_space<semaphore_mem>>) attributes {dimension_semantics = [#tpu.dimension_semantics<core_parallel>, #tpu.dimension_semantics<subcore_parallel>], iteration_bounds = array<i64: 2, 16>, scalar_prefetch = 0 : i64, scratch_operands = 22 : i64, tpu.core_type = #tpu.core_type<sc_vector_subcore>, window_params = [{transform_indices = #map}, {transform_indices = #map1}, {transform_indices = #map1}, {transform_indices = #map}, {transform_indices = #map2}]} {
    %mul3A = arith.constant 2 : i32
    %mul3A_0 = arith.muli %arg1, %mul3A : i32
    %add3A = arith.addi %mul3A_0, %arg0 : i32
    %mul3A_1 = arith.constant 84 : i32
    %mul3A_2 = arith.muli %add3A, %mul3A_1 : i32
    %mul3A_3 = arith.constant 120 : i32
    %mul3A_4 = arith.muli %mul3A_2, %mul3A_3 : i32
    %mul3A_5 = arith.constant 632 : i32
    %mul3A_6 = arith.muli %arg1, %mul3A_5 : i32
    "tpu.region"() ({
      %run_scoped3A = tpu.sem_alloc : memref<!tpu.dma_semaphore, #tpu.memory_space<semaphore_mem>>
      %dma_start3A = arith.constant 0 : i32
      %dma_start3A_17 = tpu.memref_slice %arg7[%mul3A_6, %dma_start3A] : memref<10112x128xf32, #tpu.memory_space<vmem_shared>> -> memref<632x128xf32, #tpu.memory_space<vmem_shared>>
      tpu.enqueue_dma source(%arg5 : memref<632x128xf32, #tpu.memory_space<hbm>>) target(%dma_start3A_17 : memref<632x128xf32, #tpu.memory_space<vmem_shared>>) target_semaphore(%run_scoped3A : memref<!tpu.dma_semaphore, #tpu.memory_space<semaphore_mem>>)
      %dma_wait3A = arith.constant 0 : i32
      %dma_wait3A_18 = tpu.memref_slice %arg7[%mul3A_6, %dma_wait3A] : memref<10112x128xf32, #tpu.memory_space<vmem_shared>> -> memref<632x128xf32, #tpu.memory_space<vmem_shared>>
      tpu.wait_dma2 semaphore(%run_scoped3A : memref<!tpu.dma_semaphore, #tpu.memory_space<semaphore_mem>>) src(%arg5 : memref<632x128xf32, #tpu.memory_space<hbm>>) dst(%dma_wait3A_18 : memref<632x128xf32, #tpu.memory_space<vmem_shared>>)
      tpu.yield
    }) : () -> ()
    %barrier3A = arith.constant 0 : index
    tpu.barrier barrier_id(%barrier3A)
    %scan3A = arith.constant 0 : i32
    %scan3A_7 = arith.constant 0 : i32
    %scan3A_8 = arith.constant 84 : i32
    %scan3A_9 = arith.addi %scan3A_7, %scan3A_8 : i32
    %scan3A_10 = arith.constant 1 : i32
    scf.for %scan3A_17 = %scan3A_7 to %scan3A_9 step %scan3A_10  : i32 {
      %mul3A_18 = arith.constant 120 : i32
      %mul3A_19 = arith.muli %scan3A_17, %mul3A_18 : i32
      %add3A_20 = arith.addi %mul3A_4, %mul3A_19 : i32
      "tpu.region"() ({
        %run_scoped3A = tpu.sem_alloc : memref<!tpu.dma_semaphore, #tpu.memory_space<semaphore_mem>>
        %dma_start3A_25 = tpu.memref_slice %arg3[%add3A_20] : memref<322560xi32, #tpu.memory_space<hbm>> -> memref<120xi32, #tpu.memory_space<hbm>>
        %dma_start3A_26 = tpu.memref_slice %arg3[%add3A_20] : memref<322560xi32, #tpu.memory_space<hbm>> -> memref<120xi32, #tpu.memory_space<hbm>>
        tpu.enqueue_dma source(%dma_start3A_26 : memref<120xi32, #tpu.memory_space<hbm>>) target(%arg8 : memref<120xi32, #tpu.memory_space<vmem>>) target_semaphore(%run_scoped3A : memref<!tpu.dma_semaphore, #tpu.memory_space<semaphore_mem>>)
        %dma_wait3A_27 = tpu.memref_slice %arg3[%add3A_20] : memref<322560xi32, #tpu.memory_space<hbm>> -> memref<120xi32, #tpu.memory_space<hbm>>
        %dma_wait3A_28 = tpu.memref_slice %arg3[%add3A_20] : memref<322560xi32, #tpu.memory_space<hbm>> -> memref<120xi32, #tpu.memory_space<hbm>>
        tpu.wait_dma2 semaphore(%run_scoped3A : memref<!tpu.dma_semaphore, #tpu.memory_space<semaphore_mem>>) src(%dma_wait3A_28 : memref<120xi32, #tpu.memory_space<hbm>>) dst(%arg8 : memref<120xi32, #tpu.memory_space<vmem>>)
        tpu.yield
      }) : () -> ()
      "tpu.region"() ({
        %run_scoped3A = tpu.sem_alloc : memref<!tpu.dma_semaphore, #tpu.memory_space<semaphore_mem>>
        %dma_start3A_25 = tpu.memref_slice %arg4[%add3A_20] : memref<322560xi32, #tpu.memory_space<hbm>> -> memref<120xi32, #tpu.memory_space<hbm>>
        %dma_start3A_26 = tpu.memref_slice %arg4[%add3A_20] : memref<322560xi32, #tpu.memory_space<hbm>> -> memref<120xi32, #tpu.memory_space<hbm>>
        tpu.enqueue_dma source(%dma_start3A_26 : memref<120xi32, #tpu.memory_space<hbm>>) target(%arg11 : memref<120xi32, #tpu.memory_space<vmem>>) target_semaphore(%run_scoped3A : memref<!tpu.dma_semaphore, #tpu.memory_space<semaphore_mem>>)
        %dma_wait3A_27 = tpu.memref_slice %arg4[%add3A_20] : memref<322560xi32, #tpu.memory_space<hbm>> -> memref<120xi32, #tpu.memory_space<hbm>>
        %dma_wait3A_28 = tpu.memref_slice %arg4[%add3A_20] : memref<322560xi32, #tpu.memory_space<hbm>> -> memref<120xi32, #tpu.memory_space<hbm>>
        tpu.wait_dma2 semaphore(%run_scoped3A : memref<!tpu.dma_semaphore, #tpu.memory_space<semaphore_mem>>) src(%dma_wait3A_28 : memref<120xi32, #tpu.memory_space<hbm>>) dst(%arg11 : memref<120xi32, #tpu.memory_space<vmem>>)
        tpu.yield
      }) : () -> ()
      %dma_start3A = arith.constant 0 : i32
      %dma_start3A_21 = arith.constant 0 : i32
      %dma_start3A_22 = tpu.memref_slice %arg2[%dma_start3A, %dma_start3A_21] : memref<10000x128xf32, #tpu.memory_space<hbm>> -> memref<10000x128xf32, #tpu.memory_space<hbm>>
      tpu.enqueue_indirect_dma source(%dma_start3A_22 : memref<10000x128xf32, #tpu.memory_space<hbm>>) target(%arg17 : memref<120x128xf32, #tpu.memory_space<vmem>>) offsets(%arg8 : memref<120xi32, #tpu.memory_space<vmem>>) semaphore(%arg23 : memref<!tpu.dma_semaphore, #tpu.memory_space<semaphore_mem>>)
      %dma_wait3A = arith.constant 0 : i32
      %dma_wait3A_23 = arith.constant 0 : i32
      %dma_wait3A_24 = tpu.memref_slice %arg2[%dma_wait3A, %dma_wait3A_23] : memref<10000x128xf32, #tpu.memory_space<hbm>> -> memref<10000x128xf32, #tpu.memory_space<hbm>>
      tpu.wait_indirect_dma semaphore(%arg23 : memref<!tpu.dma_semaphore, #tpu.memory_space<semaphore_mem>>) src(%dma_wait3A_24 : memref<10000x128xf32, #tpu.memory_space<hbm>>) dst(%arg17 : memref<120x128xf32, #tpu.memory_space<vmem>>)
      "tpu.region"() ({
        %run_scoped3A = tpu.sem_alloc : memref<!tpu.dma_semaphore, #tpu.memory_space<semaphore_mem>>
        %dma_start3A_25 = arith.constant 0 : i32
        %dma_start3A_26 = arith.constant 0 : i32
        %dma_start3A_27 = tpu.memref_slice %arg7[%dma_start3A_25, %dma_start3A_26] : memref<10112x128xf32, #tpu.memory_space<vmem_shared>> -> memref<10112x128xf32, #tpu.memory_space<vmem_shared>>
        tpu.enqueue_indirect_dma source(%arg17 : memref<120x128xf32, #tpu.memory_space<vmem>>) target(%dma_start3A_27 : memref<10112x128xf32, #tpu.memory_space<vmem_shared>>) offsets(%arg11 : memref<120xi32, #tpu.memory_space<vmem>>) semaphore(%run_scoped3A : memref<!tpu.dma_semaphore, #tpu.memory_space<semaphore_mem>>) {add = true}
        %dma_wait3A_28 = arith.constant 0 : i32
        %dma_wait3A_29 = arith.constant 0 : i32
        %dma_wait3A_30 = tpu.memref_slice %arg7[%dma_wait3A_28, %dma_wait3A_29] : memref<10112x128xf32, #tpu.memory_space<vmem_shared>> -> memref<10112x128xf32, #tpu.memory_space<vmem_shared>>
        tpu.wait_indirect_dma semaphore(%run_scoped3A : memref<!tpu.dma_semaphore, #tpu.memory_space<semaphore_mem>>) src(%arg17 : memref<120x128xf32, #tpu.memory_space<vmem>>) dst(%dma_wait3A_30 : memref<10112x128xf32, #tpu.memory_space<vmem_shared>>)
        tpu.yield
      }) : () -> ()
    }
    %scan3A_11 = arith.constant 84 : i32
    %barrier3A_12 = arith.constant 0 : index
    tpu.barrier barrier_id(%barrier3A_12)
    %mul3A_13 = arith.constant 632 : i32
    %mul3A_14 = arith.muli %arg1, %mul3A_13 : i32
    %mul3A_15 = arith.constant 632 : i32
    %mul3A_16 = arith.muli %arg1, %mul3A_15 : i32
    "tpu.region"() ({
      %run_scoped3A = tpu.sem_alloc : memref<!tpu.dma_semaphore, #tpu.memory_space<semaphore_mem>>
      %dma_start3A = arith.constant 0 : i32
      %dma_start3A_17 = tpu.memref_slice %arg6[%arg0, %mul3A_16, %dma_start3A] : memref<2x10112x128xf32, #tpu.memory_space<hbm>> -> memref<1x632x128xf32, #tpu.memory_space<hbm>>
      %dma_start3A_18 = tpu.memref_squeeze %dma_start3A_17 : memref<1x632x128xf32, #tpu.memory_space<hbm>> -> memref<632x128xf32, #tpu.memory_space<hbm>>
      %dma_start3A_19 = arith.constant 0 : i32
      %dma_start3A_20 = tpu.memref_slice %arg7[%mul3A_14, %dma_start3A_19] : memref<10112x128xf32, #tpu.memory_space<vmem_shared>> -> memref<632x128xf32, #tpu.memory_space<vmem_shared>>
      tpu.enqueue_dma source(%dma_start3A_20 : memref<632x128xf32, #tpu.memory_space<vmem_shared>>) target(%dma_start3A_18 : memref<632x128xf32, #tpu.memory_space<hbm>>) target_semaphore(%run_scoped3A : memref<!tpu.dma_semaphore, #tpu.memory_space<semaphore_mem>>)
      %dma_wait3A = arith.constant 0 : i32
      %dma_wait3A_21 = tpu.memref_slice %arg6[%arg0, %mul3A_16, %dma_wait3A] : memref<2x10112x128xf32, #tpu.memory_space<hbm>> -> memref<1x632x128xf32, #tpu.memory_space<hbm>>
      %dma_wait3A_22 = tpu.memref_squeeze %dma_wait3A_21 : memref<1x632x128xf32, #tpu.memory_space<hbm>> -> memref<632x128xf32, #tpu.memory_space<hbm>>
      %dma_wait3A_23 = arith.constant 0 : i32
      %dma_wait3A_24 = tpu.memref_slice %arg7[%mul3A_14, %dma_wait3A_23] : memref<10112x128xf32, #tpu.memory_space<vmem_shared>> -> memref<632x128xf32, #tpu.memory_space<vmem_shared>>
      tpu.wait_dma2 semaphore(%run_scoped3A : memref<!tpu.dma_semaphore, #tpu.memory_space<semaphore_mem>>) src(%dma_wait3A_24 : memref<632x128xf32, #tpu.memory_space<vmem_shared>>) dst(%dma_wait3A_22 : memref<632x128xf32, #tpu.memory_space<hbm>>)
      tpu.yield
    }) : () -> ()
    return
  }
}

#map = affine_map<(d0, d1) -> (0, 0)>
#map1 = affine_map<(d0, d1) -> (0)>
#map2 = affine_map<(d0, d1) -> (0, 0, 0)>
module attributes {stable_mosaic.version = 14 : i64} {
  func.func @_seg_body(%arg0: i32, %arg1: i32, %arg2: memref<10000x128xf32, #tpu.memory_space<hbm>>, %arg3: memref<322560xi32, #tpu.memory_space<hbm>>, %arg4: memref<322560xi32, #tpu.memory_space<hbm>>, %arg5: memref<632x128xf32, #tpu.memory_space<hbm>>, %arg6: memref<2x10112x128xf32, #tpu.memory_space<hbm>>, %arg7: memref<10112x128xf32, #tpu.memory_space<vmem_shared>>, %arg8: memref<120xi32, #tpu.memory_space<vmem>>, %arg9: memref<120xi32, #tpu.memory_space<vmem>>, %arg10: memref<120xi32, #tpu.memory_space<vmem>>, %arg11: memref<120xi32, #tpu.memory_space<vmem>>, %arg12: memref<120xi32, #tpu.memory_space<vmem>>, %arg13: memref<120xi32, #tpu.memory_space<vmem>>, %arg14: memref<120xi32, #tpu.memory_space<vmem>>, %arg15: memref<120xi32, #tpu.memory_space<vmem>>, %arg16: memref<120xi32, #tpu.memory_space<vmem>>, %arg17: memref<120x128xf32, #tpu.memory_space<vmem>>, %arg18: memref<120x128xf32, #tpu.memory_space<vmem>>, %arg19: memref<120x128xf32, #tpu.memory_space<vmem>>, %arg20: memref<!tpu.dma_semaphore, #tpu.memory_space<semaphore_mem>>, %arg21: memref<!tpu.dma_semaphore, #tpu.memory_space<semaphore_mem>>, %arg22: memref<!tpu.dma_semaphore, #tpu.memory_space<semaphore_mem>>, %arg23: memref<!tpu.dma_semaphore, #tpu.memory_space<semaphore_mem>>, %arg24: memref<!tpu.dma_semaphore, #tpu.memory_space<semaphore_mem>>, %arg25: memref<!tpu.dma_semaphore, #tpu.memory_space<semaphore_mem>>, %arg26: memref<!tpu.dma_semaphore, #tpu.memory_space<semaphore_mem>>, %arg27: memref<!tpu.dma_semaphore, #tpu.memory_space<semaphore_mem>>, %arg28: memref<!tpu.dma_semaphore, #tpu.memory_space<semaphore_mem>>) attributes {dimension_semantics = [#tpu.dimension_semantics<core_parallel>, #tpu.dimension_semantics<subcore_parallel>], iteration_bounds = array<i64: 2, 16>, scalar_prefetch = 0 : i64, scratch_operands = 22 : i64, tpu.core_type = #tpu.core_type<sc_vector_subcore>, window_params = [{transform_indices = #map}, {transform_indices = #map1}, {transform_indices = #map1}, {transform_indices = #map}, {transform_indices = #map2}]} {
    %mul3A = arith.constant 2 : i32
    %mul3A_0 = arith.muli %arg1, %mul3A : i32
    %add3A = arith.addi %mul3A_0, %arg0 : i32
    %mul3A_1 = arith.constant 84 : i32
    %mul3A_2 = arith.muli %add3A, %mul3A_1 : i32
    %mul3A_3 = arith.constant 120 : i32
    %mul3A_4 = arith.muli %mul3A_2, %mul3A_3 : i32
    %mul3A_5 = arith.constant 632 : i32
    %mul3A_6 = arith.muli %arg1, %mul3A_5 : i32
    "tpu.region"() ({
      %run_scoped3A = tpu.sem_alloc : memref<!tpu.dma_semaphore, #tpu.memory_space<semaphore_mem>>
      %dma_start3A = arith.constant 0 : i32
      %dma_start3A_17 = tpu.memref_slice %arg7[%mul3A_6, %dma_start3A] : memref<10112x128xf32, #tpu.memory_space<vmem_shared>> -> memref<632x128xf32, #tpu.memory_space<vmem_shared>>
      tpu.enqueue_dma source(%arg5 : memref<632x128xf32, #tpu.memory_space<hbm>>) target(%dma_start3A_17 : memref<632x128xf32, #tpu.memory_space<vmem_shared>>) target_semaphore(%run_scoped3A : memref<!tpu.dma_semaphore, #tpu.memory_space<semaphore_mem>>)
      %dma_wait3A = arith.constant 0 : i32
      %dma_wait3A_18 = tpu.memref_slice %arg7[%mul3A_6, %dma_wait3A] : memref<10112x128xf32, #tpu.memory_space<vmem_shared>> -> memref<632x128xf32, #tpu.memory_space<vmem_shared>>
      tpu.wait_dma2 semaphore(%run_scoped3A : memref<!tpu.dma_semaphore, #tpu.memory_space<semaphore_mem>>) src(%arg5 : memref<632x128xf32, #tpu.memory_space<hbm>>) dst(%dma_wait3A_18 : memref<632x128xf32, #tpu.memory_space<vmem_shared>>)
      tpu.yield
    }) : () -> ()
    %barrier3A = arith.constant 0 : index
    tpu.barrier barrier_id(%barrier3A)
    %scan3A = arith.constant 0 : i32
    %scan3A_7 = arith.constant 0 : i32
    %scan3A_8 = arith.constant 84 : i32
    %scan3A_9 = arith.addi %scan3A_7, %scan3A_8 : i32
    %scan3A_10 = arith.constant 1 : i32
    scf.for %scan3A_17 = %scan3A_7 to %scan3A_9 step %scan3A_10  : i32 {
      %mul3A_18 = arith.constant 120 : i32
      %mul3A_19 = arith.muli %scan3A_17, %mul3A_18 : i32
      %add3A_20 = arith.addi %mul3A_4, %mul3A_19 : i32
      "tpu.region"() ({
        %run_scoped3A = tpu.sem_alloc : memref<!tpu.dma_semaphore, #tpu.memory_space<semaphore_mem>>
        %dma_start3A_25 = tpu.memref_slice %arg3[%add3A_20] : memref<322560xi32, #tpu.memory_space<hbm>> -> memref<120xi32, #tpu.memory_space<hbm>>
        %dma_start3A_26 = tpu.memref_slice %arg3[%add3A_20] : memref<322560xi32, #tpu.memory_space<hbm>> -> memref<120xi32, #tpu.memory_space<hbm>>
        tpu.enqueue_dma source(%dma_start3A_26 : memref<120xi32, #tpu.memory_space<hbm>>) target(%arg8 : memref<120xi32, #tpu.memory_space<vmem>>) target_semaphore(%run_scoped3A : memref<!tpu.dma_semaphore, #tpu.memory_space<semaphore_mem>>)
        %dma_wait3A_27 = tpu.memref_slice %arg3[%add3A_20] : memref<322560xi32, #tpu.memory_space<hbm>> -> memref<120xi32, #tpu.memory_space<hbm>>
        %dma_wait3A_28 = tpu.memref_slice %arg3[%add3A_20] : memref<322560xi32, #tpu.memory_space<hbm>> -> memref<120xi32, #tpu.memory_space<hbm>>
        tpu.wait_dma2 semaphore(%run_scoped3A : memref<!tpu.dma_semaphore, #tpu.memory_space<semaphore_mem>>) src(%dma_wait3A_28 : memref<120xi32, #tpu.memory_space<hbm>>) dst(%arg8 : memref<120xi32, #tpu.memory_space<vmem>>)
        tpu.yield
      }) : () -> ()
      "tpu.region"() ({
        %run_scoped3A = tpu.sem_alloc : memref<!tpu.dma_semaphore, #tpu.memory_space<semaphore_mem>>
        %dma_start3A_25 = tpu.memref_slice %arg4[%add3A_20] : memref<322560xi32, #tpu.memory_space<hbm>> -> memref<120xi32, #tpu.memory_space<hbm>>
        %dma_start3A_26 = tpu.memref_slice %arg4[%add3A_20] : memref<322560xi32, #tpu.memory_space<hbm>> -> memref<120xi32, #tpu.memory_space<hbm>>
        tpu.enqueue_dma source(%dma_start3A_26 : memref<120xi32, #tpu.memory_space<hbm>>) target(%arg11 : memref<120xi32, #tpu.memory_space<vmem>>) target_semaphore(%run_scoped3A : memref<!tpu.dma_semaphore, #tpu.memory_space<semaphore_mem>>)
        %dma_wait3A_27 = tpu.memref_slice %arg4[%add3A_20] : memref<322560xi32, #tpu.memory_space<hbm>> -> memref<120xi32, #tpu.memory_space<hbm>>
        %dma_wait3A_28 = tpu.memref_slice %arg4[%add3A_20] : memref<322560xi32, #tpu.memory_space<hbm>> -> memref<120xi32, #tpu.memory_space<hbm>>
        tpu.wait_dma2 semaphore(%run_scoped3A : memref<!tpu.dma_semaphore, #tpu.memory_space<semaphore_mem>>) src(%dma_wait3A_28 : memref<120xi32, #tpu.memory_space<hbm>>) dst(%arg11 : memref<120xi32, #tpu.memory_space<vmem>>)
        tpu.yield
      }) : () -> ()
      %dma_start3A = arith.constant 0 : i32
      %dma_start3A_21 = arith.constant 0 : i32
      %dma_start3A_22 = tpu.memref_slice %arg2[%dma_start3A, %dma_start3A_21] : memref<10000x128xf32, #tpu.memory_space<hbm>> -> memref<10000x128xf32, #tpu.memory_space<hbm>>
      tpu.enqueue_indirect_dma source(%dma_start3A_22 : memref<10000x128xf32, #tpu.memory_space<hbm>>) target(%arg17 : memref<120x128xf32, #tpu.memory_space<vmem>>) offsets(%arg8 : memref<120xi32, #tpu.memory_space<vmem>>) semaphore(%arg23 : memref<!tpu.dma_semaphore, #tpu.memory_space<semaphore_mem>>)
      %dma_wait3A = arith.constant 0 : i32
      %dma_wait3A_23 = arith.constant 0 : i32
      %dma_wait3A_24 = tpu.memref_slice %arg2[%dma_wait3A, %dma_wait3A_23] : memref<10000x128xf32, #tpu.memory_space<hbm>> -> memref<10000x128xf32, #tpu.memory_space<hbm>>
      tpu.wait_indirect_dma semaphore(%arg23 : memref<!tpu.dma_semaphore, #tpu.memory_space<semaphore_mem>>) src(%dma_wait3A_24 : memref<10000x128xf32, #tpu.memory_space<hbm>>) dst(%arg17 : memref<120x128xf32, #tpu.memory_space<vmem>>)
      "tpu.region"() ({
        %run_scoped3A = tpu.sem_alloc : memref<!tpu.dma_semaphore, #tpu.memory_space<semaphore_mem>>
        %dma_start3A_25 = arith.constant 0 : i32
        %dma_start3A_26 = arith.constant 0 : i32
        %dma_start3A_27 = tpu.memref_slice %arg7[%dma_start3A_25, %dma_start3A_26] : memref<10112x128xf32, #tpu.memory_space<vmem_shared>> -> memref<10112x128xf32, #tpu.memory_space<vmem_shared>>
        tpu.enqueue_indirect_dma source(%arg17 : memref<120x128xf32, #tpu.memory_space<vmem>>) target(%dma_start3A_27 : memref<10112x128xf32, #tpu.memory_space<vmem_shared>>) offsets(%arg11 : memref<120xi32, #tpu.memory_space<vmem>>) semaphore(%run_scoped3A : memref<!tpu.dma_semaphore, #tpu.memory_space<semaphore_mem>>) {add = true}
        %dma_wait3A_28 = arith.constant 0 : i32
        %dma_wait3A_29 = arith.constant 0 : i32
        %dma_wait3A_30 = tpu.memref_slice %arg7[%dma_wait3A_28, %dma_wait3A_29] : memref<10112x128xf32, #tpu.memory_space<vmem_shared>> -> memref<10112x128xf32, #tpu.memory_space<vmem_shared>>
        tpu.wait_indirect_dma semaphore(%run_scoped3A : memref<!tpu.dma_semaphore, #tpu.memory_space<semaphore_mem>>) src(%arg17 : memref<120x128xf32, #tpu.memory_space<vmem>>) dst(%dma_wait3A_30 : memref<10112x128xf32, #tpu.memory_space<vmem_shared>>)
        tpu.yield
      }) : () -> ()
    }
    %scan3A_11 = arith.constant 84 : i32
    %barrier3A_12 = arith.constant 0 : index
    tpu.barrier barrier_id(%barrier3A_12)
    %mul3A_13 = arith.constant 632 : i32
    %mul3A_14 = arith.muli %arg1, %mul3A_13 : i32
    %mul3A_15 = arith.constant 632 : i32
    %mul3A_16 = arith.muli %arg1, %mul3A_15 : i32
    "tpu.region"() ({
      %run_scoped3A = tpu.sem_alloc : memref<!tpu.dma_semaphore, #tpu.memory_space<semaphore_mem>>
      %dma_start3A = arith.constant 0 : i32
      %dma_start3A_17 = tpu.memref_slice %arg6[%arg0, %mul3A_16, %dma_start3A] : memref<2x10112x128xf32, #tpu.memory_space<hbm>> -> memref<1x632x128xf32, #tpu.memory_space<hbm>>
      %dma_start3A_18 = tpu.memref_squeeze %dma_start3A_17 : memref<1x632x128xf32, #tpu.memory_space<hbm>> -> memref<632x128xf32, #tpu.memory_space<hbm>>
      %dma_start3A_19 = arith.constant 0 : i32
      %dma_start3A_20 = tpu.memref_slice %arg7[%mul3A_14, %dma_start3A_19] : memref<10112x128xf32, #tpu.memory_space<vmem_shared>> -> memref<632x128xf32, #tpu.memory_space<vmem_shared>>
      tpu.enqueue_dma source(%dma_start3A_20 : memref<632x128xf32, #tpu.memory_space<vmem_shared>>) target(%dma_start3A_18 : memref<632x128xf32, #tpu.memory_space<hbm>>) target_semaphore(%run_scoped3A : memref<!tpu.dma_semaphore, #tpu.memory_space<semaphore_mem>>)
      %dma_wait3A = arith.constant 0 : i32
      %dma_wait3A_21 = tpu.memref_slice %arg6[%arg0, %mul3A_16, %dma_wait3A] : memref<2x10112x128xf32, #tpu.memory_space<hbm>> -> memref<1x632x128xf32, #tpu.memory_space<hbm>>
      %dma_wait3A_22 = tpu.memref_squeeze %dma_wait3A_21 : memref<1x632x128xf32, #tpu.memory_space<hbm>> -> memref<632x128xf32, #tpu.memory_space<hbm>>
      %dma_wait3A_23 = arith.constant 0 : i32
      %dma_wait3A_24 = tpu.memref_slice %arg7[%mul3A_14, %dma_wait3A_23] : memref<10112x128xf32, #tpu.memory_space<vmem_shared>> -> memref<632x128xf32, #tpu.memory_space<vmem_shared>>
      tpu.wait_dma2 semaphore(%run_scoped3A : memref<!tpu.dma_semaphore, #tpu.memory_space<semaphore_mem>>) src(%dma_wait3A_24 : memref<632x128xf32, #tpu.memory_space<vmem_shared>>) dst(%dma_wait3A_22 : memref<632x128xf32, #tpu.memory_space<hbm>>)
      tpu.yield
    }) : () -> ()
    return
  }
}

module attributes {stable_mosaic.version = 14 : i64} {
  func.func @_init_body(%arg0: i32, %arg1: memref<1000x128xf32, #tpu.memory_space<vmem>>, %arg2: memref<128x128xf32, #tpu.memory_space<vmem>>, %arg3: memref<1x128xf32, #tpu.memory_space<vmem>>, %arg4: memref<1x128xf32, #tpu.memory_space<vmem>>, %arg5: memref<1x128xf32, #tpu.memory_space<vmem>>, %arg6: memref<128x128xf32, #tpu.memory_space<vmem>>, %arg7: memref<1x128xf32, #tpu.memory_space<vmem>>, %arg8: memref<128x128xf32, #tpu.memory_space<vmem>>, %arg9: memref<1x128xf32, #tpu.memory_space<vmem>>, %arg10: memref<1000x128xf32, #tpu.memory_space<vmem>>, %arg11: memref<1x128xf32, #tpu.memory_space<vmem>>) attributes {dimension_semantics = [#tpu.dimension_semantics<arbitrary>], iteration_bounds = array<i64: 10>, scalar_prefetch = 0 : i64, scratch_operands = 0 : i64, tpu.core_type = #tpu.core_type<tc>, window_params = [{transform_indices = @transform_0, window_bounds = array<i64: 1000, 128>}, {pipeline_mode = #tpu.pipeline_mode<synchronous>, transform_indices = @transform_1, window_bounds = array<i64: 128, 128>}, {pipeline_mode = #tpu.pipeline_mode<synchronous>, transform_indices = @transform_2, window_bounds = array<i64: 1, 128>}, {pipeline_mode = #tpu.pipeline_mode<synchronous>, transform_indices = @transform_3, window_bounds = array<i64: 1, 128>}, {pipeline_mode = #tpu.pipeline_mode<synchronous>, transform_indices = @transform_4, window_bounds = array<i64: 1, 128>}, {pipeline_mode = #tpu.pipeline_mode<synchronous>, transform_indices = @transform_5, window_bounds = array<i64: 128, 128>}, {pipeline_mode = #tpu.pipeline_mode<synchronous>, transform_indices = @transform_6, window_bounds = array<i64: 1, 128>}, {pipeline_mode = #tpu.pipeline_mode<synchronous>, transform_indices = @transform_7, window_bounds = array<i64: 128, 128>}, {pipeline_mode = #tpu.pipeline_mode<synchronous>, transform_indices = @transform_8, window_bounds = array<i64: 1, 128>}, {transform_indices = @transform_9, window_bounds = array<i64: 1000, 128>}, {pipeline_mode = #tpu.pipeline_mode<synchronous>, transform_indices = @transform_10, window_bounds = array<i64: 1, 128>}]} {
    %get3A = arith.constant 0 : index
    %get3A_0 = arith.constant 0 : index
    %get3A_1 = vector.load %arg1[%get3A, %get3A_0] : memref<1000x128xf32, #tpu.memory_space<vmem>>, vector<1000x128xf32>
    %get3A_2 = arith.constant 0 : index
    %get3A_3 = arith.constant 0 : index
    %get3A_4 = vector.load %arg2[%get3A_2, %get3A_3] : memref<128x128xf32, #tpu.memory_space<vmem>>, vector<128x128xf32>
    %dot_general3A = arith.constant dense<0.000000e+00> : vector<1000x128xf32>
    %dot_general3A_5 = tpu.matmul %get3A_1, %get3A_4, %dot_general3A {dimension_numbers = #tpu.dot_dimension_numbers<[1], [0], [0], [1], [0, 0, 1, 1], [], []>, transpose_lhs_hint = false} : vector<1000x128xf32>, vector<128x128xf32>, vector<1000x128xf32> -> vector<1000x128xf32>
    %get3A_6 = arith.constant 0 : index
    %get3A_7 = arith.constant 0 : index
    %get3A_8 = vector.load %arg3[%get3A_6, %get3A_7] : memref<1x128xf32, #tpu.memory_space<vmem>>, vector<1x128xf32>
    %add3A = vector.broadcast %get3A_8 : vector<1x128xf32> to vector<1000x128xf32>
    %add3A_9 = arith.addf %dot_general3A_5, %add3A : vector<1000x128xf32>
    %max3A = arith.constant 0.000000e+00 : f32
    %max3A_10 = vector.broadcast %max3A : f32 to vector<1000x128xf32>
    %max3A_11 = arith.maximumf %add3A_9, %max3A_10 : vector<1000x128xf32>
    %get3A_12 = arith.constant 0 : index
    %get3A_13 = arith.constant 0 : index
    %get3A_14 = vector.load %arg4[%get3A_12, %get3A_13] : memref<1x128xf32, #tpu.memory_space<vmem>>, vector<1x128xf32>
    %mul3A = vector.broadcast %get3A_14 : vector<1x128xf32> to vector<1000x128xf32>
    %mul3A_15 = arith.mulf %mul3A, %max3A_11 : vector<1000x128xf32>
    %sqrt3A = arith.constant 1.000010e+00 : f32
    %sqrt3A_16 = math.sqrt %sqrt3A : f32
    %div3A = arith.constant 1.000000e+00 : f32
    %div3A_17 = arith.divf %div3A, %sqrt3A_16 : f32
    %mul3A_18 = vector.broadcast %div3A_17 : f32 to vector<1000x128xf32>
    %mul3A_19 = arith.mulf %mul3A_15, %mul3A_18 : vector<1000x128xf32>
    %get3A_20 = arith.constant 0 : index
    %get3A_21 = arith.constant 0 : index
    %get3A_22 = vector.load %arg5[%get3A_20, %get3A_21] : memref<1x128xf32, #tpu.memory_space<vmem>>, vector<1x128xf32>
    %add3A_23 = vector.broadcast %get3A_22 : vector<1x128xf32> to vector<1000x128xf32>
    %add3A_24 = arith.addf %mul3A_19, %add3A_23 : vector<1000x128xf32>
    %get3A_25 = arith.constant 0 : index
    %get3A_26 = arith.constant 0 : index
    %get3A_27 = vector.load %arg6[%get3A_25, %get3A_26] : memref<128x128xf32, #tpu.memory_space<vmem>>, vector<128x128xf32>
    %dot_general3A_28 = arith.constant dense<0.000000e+00> : vector<1000x128xf32>
    %dot_general3A_29 = tpu.matmul %add3A_24, %get3A_27, %dot_general3A_28 {dimension_numbers = #tpu.dot_dimension_numbers<[1], [0], [0], [1], [0, 0, 1, 1], [], []>, transpose_lhs_hint = false} : vector<1000x128xf32>, vector<128x128xf32>, vector<1000x128xf32> -> vector<1000x128xf32>
    %get3A_30 = arith.constant 0 : index
    %get3A_31 = arith.constant 0 : index
    %get3A_32 = vector.load %arg7[%get3A_30, %get3A_31] : memref<1x128xf32, #tpu.memory_space<vmem>>, vector<1x128xf32>
    %add3A_33 = vector.broadcast %get3A_32 : vector<1x128xf32> to vector<1000x128xf32>
    %add3A_34 = arith.addf %dot_general3A_29, %add3A_33 : vector<1000x128xf32>
    %max3A_35 = arith.constant 0.000000e+00 : f32
    %max3A_36 = vector.broadcast %max3A_35 : f32 to vector<1000x128xf32>
    %max3A_37 = arith.maximumf %add3A_34, %max3A_36 : vector<1000x128xf32>
    %get3A_38 = arith.constant 0 : index
    %get3A_39 = arith.constant 0 : index
    %get3A_40 = vector.load %arg8[%get3A_38, %get3A_39] : memref<128x128xf32, #tpu.memory_space<vmem>>, vector<128x128xf32>
    %dot_general3A_41 = arith.constant dense<0.000000e+00> : vector<1000x128xf32>
    %dot_general3A_42 = tpu.matmul %max3A_37, %get3A_40, %dot_general3A_41 {dimension_numbers = #tpu.dot_dimension_numbers<[1], [0], [0], [1], [0, 0, 1, 1], [], []>, transpose_lhs_hint = false} : vector<1000x128xf32>, vector<128x128xf32>, vector<1000x128xf32> -> vector<1000x128xf32>
    %get3A_43 = arith.constant 0 : index
    %get3A_44 = arith.constant 0 : index
    %get3A_45 = vector.load %arg9[%get3A_43, %get3A_44] : memref<1x128xf32, #tpu.memory_space<vmem>>, vector<1x128xf32>
    %add3A_46 = vector.broadcast %get3A_45 : vector<1x128xf32> to vector<1000x128xf32>
    %add3A_47 = arith.addf %dot_general3A_42, %add3A_46 : vector<1000x128xf32>
    %swap3A = arith.constant 0 : index
    %swap3A_48 = arith.constant 0 : index
    %swap3A_49 = vector.load %arg10[%swap3A, %swap3A_48] : memref<1000x128xf32, #tpu.memory_space<vmem>>, vector<1000x128xf32>
    tpu.vector_store %arg10[%swap3A, %swap3A_48], %add3A_47 {strides = array<i32>} : memref<1000x128xf32, #tpu.memory_space<vmem>>, vector<1000x128xf32>,
    %eq3A = arith.constant 0 : i32
    %eq3A_50 = arith.cmpi eq, %arg0, %eq3A : i32
    %convert_element_type3A = arith.extui %eq3A_50 : i1 to i32
    %cond3A = arith.constant 0 : i32
    %cond3A_51 = arith.cmpi ne, %convert_element_type3A, %cond3A : i32
    scf.if %cond3A_51 {
      %reduce_sum3A = arith.constant dense<0.000000e+00> : vector<128xf32>
      %reduce_sum3A_56 = vector.multi_reduction <add>, %add3A_47, %reduce_sum3A [0] : vector<1000x128xf32> to vector<128xf32>
      %broadcast_in_dim3A = vector.shape_cast %reduce_sum3A_56 : vector<128xf32> to vector<1x128xf32>
      %swap3A_57 = arith.constant 0 : index
      %swap3A_58 = arith.constant 0 : index
      %swap3A_59 = vector.load %arg11[%swap3A_57, %swap3A_58] : memref<1x128xf32, #tpu.memory_space<vmem>>, vector<1x128xf32>
      tpu.vector_store %arg11[%swap3A_57, %swap3A_58], %broadcast_in_dim3A {strides = array<i32>} : memref<1x128xf32, #tpu.memory_space<vmem>>, vector<1x128xf32>,
    } else {
    }
    %gt3A = arith.constant 0 : i32
    %gt3A_52 = arith.cmpi sgt, %arg0, %gt3A : i32
    %convert_element_type3A_53 = arith.extui %gt3A_52 : i1 to i32
    %cond3A_54 = arith.constant 0 : i32
    %cond3A_55 = arith.cmpi ne, %convert_element_type3A_53, %cond3A_54 : i32
    scf.if %cond3A_55 {
      %get3A_56 = arith.constant 0 : index
      %get3A_57 = arith.constant 0 : index
      %get3A_58 = vector.load %arg11[%get3A_56, %get3A_57] : memref<1x128xf32, #tpu.memory_space<vmem>>, vector<1x128xf32>
      %reduce_sum3A = arith.constant dense<0.000000e+00> : vector<128xf32>
      %reduce_sum3A_59 = vector.multi_reduction <add>, %add3A_47, %reduce_sum3A [0] : vector<1000x128xf32> to vector<128xf32>
      %broadcast_in_dim3A = vector.shape_cast %reduce_sum3A_59 : vector<128xf32> to vector<1x128xf32>
      %add3A_60 = arith.addf %get3A_58, %broadcast_in_dim3A : vector<1x128xf32>
      %swap3A_61 = arith.constant 0 : index
      %swap3A_62 = arith.constant 0 : index
      %swap3A_63 = vector.load %arg11[%swap3A_61, %swap3A_62] : memref<1x128xf32, #tpu.memory_space<vmem>>, vector<1x128xf32>
      tpu.vector_store %arg11[%swap3A_61, %swap3A_62], %add3A_60 {strides = array<i32>} : memref<1x128xf32, #tpu.memory_space<vmem>>, vector<1x128xf32>,
    } else {
    }
    return
  }
  func.func @transform_0(%arg0: i32) -> (i32, i32) {
    %c0_i32 = arith.constant 0 : i32
    %c0_i32_0 = arith.constant 0 : i32
    return %arg0, %c0_i32 : i32, i32
  }
  func.func @transform_1(%arg0: i32) -> (i32, i32) {
    %c0_i32 = arith.constant 0 : i32
    %c0_i32_0 = arith.constant 0 : i32
    %c0_i32_1 = arith.constant 0 : i32
    return %c0_i32, %c0_i32_0 : i32, i32
  }
  func.func @transform_2(%arg0: i32) -> (i32, i32) {
    %c0_i32 = arith.constant 0 : i32
    %c0_i32_0 = arith.constant 0 : i32
    %c0_i32_1 = arith.constant 0 : i32
    return %c0_i32, %c0_i32_0 : i32, i32
  }
  func.func @transform_3(%arg0: i32) -> (i32, i32) {
    %c0_i32 = arith.constant 0 : i32
    %c0_i32_0 = arith.constant 0 : i32
    %c0_i32_1 = arith.constant 0 : i32
    return %c0_i32, %c0_i32_0 : i32, i32
  }
  func.func @transform_4(%arg0: i32) -> (i32, i32) {
    %c0_i32 = arith.constant 0 : i32
    %c0_i32_0 = arith.constant 0 : i32
    %c0_i32_1 = arith.constant 0 : i32
    return %c0_i32, %c0_i32_0 : i32, i32
  }
  func.func @transform_5(%arg0: i32) -> (i32, i32) {
    %c0_i32 = arith.constant 0 : i32
    %c0_i32_0 = arith.constant 0 : i32
    %c0_i32_1 = arith.constant 0 : i32
    return %c0_i32, %c0_i32_0 : i32, i32
  }
  func.func @transform_6(%arg0: i32) -> (i32, i32) {
    %c0_i32 = arith.constant 0 : i32
    %c0_i32_0 = arith.constant 0 : i32
    %c0_i32_1 = arith.constant 0 : i32
    return %c0_i32, %c0_i32_0 : i32, i32
  }
  func.func @transform_7(%arg0: i32) -> (i32, i32) {
    %c0_i32 = arith.constant 0 : i32
    %c0_i32_0 = arith.constant 0 : i32
    %c0_i32_1 = arith.constant 0 : i32
    return %c0_i32, %c0_i32_0 : i32, i32
  }
  func.func @transform_8(%arg0: i32) -> (i32, i32) {
    %c0_i32 = arith.constant 0 : i32
    %c0_i32_0 = arith.constant 0 : i32
    %c0_i32_1 = arith.constant 0 : i32
    return %c0_i32, %c0_i32_0 : i32, i32
  }
  func.func @transform_9(%arg0: i32) -> (i32, i32) {
    %c0_i32 = arith.constant 0 : i32
    %c0_i32_0 = arith.constant 0 : i32
    return %arg0, %c0_i32 : i32, i32
  }
  func.func @transform_10(%arg0: i32) -> (i32, i32) {
    %c0_i32 = arith.constant 0 : i32
    %c0_i32_0 = arith.constant 0 : i32
    %c0_i32_1 = arith.constant 0 : i32
    return %c0_i32, %c0_i32_0 : i32, i32
  }
}

module attributes {stable_mosaic.version = 14 : i64} {
  func.func @_node_body(%arg0: i32, %arg1: memref<2x1000x128xf32, #tpu.memory_space<vmem>>, %arg2: memref<1000x128xf32, #tpu.memory_space<vmem>>, %arg3: memref<1x128xf32, #tpu.memory_space<vmem>>, %arg4: memref<128x256xf32, #tpu.memory_space<vmem>>, %arg5: memref<128x256xf32, #tpu.memory_space<vmem>>, %arg6: memref<128x256xf32, #tpu.memory_space<vmem>>, %arg7: memref<1x256xf32, #tpu.memory_space<vmem>>, %arg8: memref<256x256xf32, #tpu.memory_space<vmem>>, %arg9: memref<1x256xf32, #tpu.memory_space<vmem>>, %arg10: memref<256x128xf32, #tpu.memory_space<vmem>>, %arg11: memref<1x128xf32, #tpu.memory_space<vmem>>, %arg12: memref<1000x128xf32, #tpu.memory_space<vmem>>, %arg13: memref<1x128xf32, #tpu.memory_space<vmem>>) attributes {dimension_semantics = [#tpu.dimension_semantics<arbitrary>], iteration_bounds = array<i64: 10>, scalar_prefetch = 0 : i64, scratch_operands = 0 : i64, tpu.core_type = #tpu.core_type<tc>, window_params = [{transform_indices = @transform_0, window_bounds = array<i64: 2, 1000, 128>}, {transform_indices = @transform_1, window_bounds = array<i64: 1000, 128>}, {pipeline_mode = #tpu.pipeline_mode<synchronous>, transform_indices = @transform_2, window_bounds = array<i64: 1, 128>}, {pipeline_mode = #tpu.pipeline_mode<synchronous>, transform_indices = @transform_3, window_bounds = array<i64: 128, 256>}, {pipeline_mode = #tpu.pipeline_mode<synchronous>, transform_indices = @transform_4, window_bounds = array<i64: 128, 256>}, {pipeline_mode = #tpu.pipeline_mode<synchronous>, transform_indices = @transform_5, window_bounds = array<i64: 128, 256>}, {pipeline_mode = #tpu.pipeline_mode<synchronous>, transform_indices = @transform_6, window_bounds = array<i64: 1, 256>}, {pipeline_mode = #tpu.pipeline_mode<synchronous>, transform_indices = @transform_7, window_bounds = array<i64: 256, 256>}, {pipeline_mode = #tpu.pipeline_mode<synchronous>, transform_indices = @transform_8, window_bounds = array<i64: 1, 256>}, {pipeline_mode = #tpu.pipeline_mode<synchronous>, transform_indices = @transform_9, window_bounds = array<i64: 256, 128>}, {pipeline_mode = #tpu.pipeline_mode<synchronous>, transform_indices = @transform_10, window_bounds = array<i64: 1, 128>}, {transform_indices = @transform_11, window_bounds = array<i64: 1000, 128>}, {pipeline_mode = #tpu.pipeline_mode<synchronous>, transform_indices = @transform_12, window_bounds = array<i64: 1, 128>}]} {
    %get3A = arith.constant 0 : index
    %get3A_0 = arith.constant 0 : index
    %get3A_1 = arith.constant 0 : index
    %get3A_2 = vector.load %arg1[%get3A, %get3A_0, %get3A_1] : memref<2x1000x128xf32, #tpu.memory_space<vmem>>, vector<1x1000x128xf32>
    %get3A_3 = vector.shape_cast %get3A_2 : vector<1x1000x128xf32> to vector<1000x128xf32>
    %get3A_4 = arith.constant 1 : index
    %get3A_5 = arith.constant 0 : index
    %get3A_6 = arith.constant 0 : index
    %get3A_7 = vector.load %arg1[%get3A_4, %get3A_5, %get3A_6] : memref<2x1000x128xf32, #tpu.memory_space<vmem>>, vector<1x1000x128xf32>
    %get3A_8 = vector.shape_cast %get3A_7 : vector<1x1000x128xf32> to vector<1000x128xf32>
    %add3A = arith.addf %get3A_3, %get3A_8 : vector<1000x128xf32>
    %get3A_9 = arith.constant 0 : index
    %get3A_10 = arith.constant 0 : index
    %get3A_11 = vector.load %arg3[%get3A_9, %get3A_10] : memref<1x128xf32, #tpu.memory_space<vmem>>, vector<1x128xf32>
    %get3A_12 = arith.constant 0 : index
    %get3A_13 = arith.constant 0 : index
    %get3A_14 = vector.load %arg6[%get3A_12, %get3A_13] : memref<128x256xf32, #tpu.memory_space<vmem>>, vector<128x256xf32>
    %dot_general3A = arith.constant dense<0.000000e+00> : vector<1x256xf32>
    %dot_general3A_15 = tpu.matmul %get3A_11, %get3A_14, %dot_general3A {dimension_numbers = #tpu.dot_dimension_numbers<[1], [0], [0], [1], [0, 0, 1, 1], [], []>, transpose_lhs_hint = false} : vector<1x128xf32>, vector<128x256xf32>, vector<1x256xf32> -> vector<1x256xf32>
    %get3A_16 = arith.constant 0 : index
    %get3A_17 = arith.constant 0 : index
    %get3A_18 = vector.load %arg7[%get3A_16, %get3A_17] : memref<1x256xf32, #tpu.memory_space<vmem>>, vector<1x256xf32>
    %add3A_19 = arith.addf %dot_general3A_15, %get3A_18 : vector<1x256xf32>
    %get3A_20 = arith.constant 0 : index
    %get3A_21 = arith.constant 0 : index
    %get3A_22 = vector.load %arg4[%get3A_20, %get3A_21] : memref<128x256xf32, #tpu.memory_space<vmem>>, vector<128x256xf32>
    %dot_general3A_23 = arith.constant dense<0.000000e+00> : vector<1000x256xf32>
    %dot_general3A_24 = tpu.matmul %add3A, %get3A_22, %dot_general3A_23 {dimension_numbers = #tpu.dot_dimension_numbers<[1], [0], [0], [1], [0, 0, 1, 1], [], []>, transpose_lhs_hint = false} : vector<1000x128xf32>, vector<128x256xf32>, vector<1000x256xf32> -> vector<1000x256xf32>
    %get3A_25 = arith.constant 0 : index
    %get3A_26 = arith.constant 0 : index
    %get3A_27 = vector.load %arg2[%get3A_25, %get3A_26] : memref<1000x128xf32, #tpu.memory_space<vmem>>, vector<1000x128xf32>
    %get3A_28 = arith.constant 0 : index
    %get3A_29 = arith.constant 0 : index
    %get3A_30 = vector.load %arg5[%get3A_28, %get3A_29] : memref<128x256xf32, #tpu.memory_space<vmem>>, vector<128x256xf32>
    %dot_general3A_31 = arith.constant dense<0.000000e+00> : vector<1000x256xf32>
    %dot_general3A_32 = tpu.matmul %get3A_27, %get3A_30, %dot_general3A_31 {dimension_numbers = #tpu.dot_dimension_numbers<[1], [0], [0], [1], [0, 0, 1, 1], [], []>, transpose_lhs_hint = false} : vector<1000x128xf32>, vector<128x256xf32>, vector<1000x256xf32> -> vector<1000x256xf32>
    %add3A_33 = arith.addf %dot_general3A_24, %dot_general3A_32 : vector<1000x256xf32>
    %add3A_34 = vector.broadcast %add3A_19 : vector<1x256xf32> to vector<1000x256xf32>
    %add3A_35 = arith.addf %add3A_33, %add3A_34 : vector<1000x256xf32>
    %max3A = arith.constant 0.000000e+00 : f32
    %max3A_36 = vector.broadcast %max3A : f32 to vector<1000x256xf32>
    %max3A_37 = arith.maximumf %add3A_35, %max3A_36 : vector<1000x256xf32>
    %get3A_38 = arith.constant 0 : index
    %get3A_39 = arith.constant 0 : index
    %get3A_40 = vector.load %arg8[%get3A_38, %get3A_39] : memref<256x256xf32, #tpu.memory_space<vmem>>, vector<256x256xf32>
    %dot_general3A_41 = arith.constant dense<0.000000e+00> : vector<1000x256xf32>
    %dot_general3A_42 = tpu.matmul %max3A_37, %get3A_40, %dot_general3A_41 {dimension_numbers = #tpu.dot_dimension_numbers<[1], [0], [0], [1], [0, 0, 1, 1], [], []>, transpose_lhs_hint = false} : vector<1000x256xf32>, vector<256x256xf32>, vector<1000x256xf32> -> vector<1000x256xf32>
    %get3A_43 = arith.constant 0 : index
    %get3A_44 = arith.constant 0 : index
    %get3A_45 = vector.load %arg9[%get3A_43, %get3A_44] : memref<1x256xf32, #tpu.memory_space<vmem>>, vector<1x256xf32>
    %add3A_46 = vector.broadcast %get3A_45 : vector<1x256xf32> to vector<1000x256xf32>
    %add3A_47 = arith.addf %dot_general3A_42, %add3A_46 : vector<1000x256xf32>
    %max3A_48 = arith.constant 0.000000e+00 : f32
    %max3A_49 = vector.broadcast %max3A_48 : f32 to vector<1000x256xf32>
    %max3A_50 = arith.maximumf %add3A_47, %max3A_49 : vector<1000x256xf32>
    %get3A_51 = arith.constant 0 : index
    %get3A_52 = arith.constant 0 : index
    %get3A_53 = vector.load %arg10[%get3A_51, %get3A_52] : memref<256x128xf32, #tpu.memory_space<vmem>>, vector<256x128xf32>
    %dot_general3A_54 = arith.constant dense<0.000000e+00> : vector<1000x128xf32>
    %dot_general3A_55 = tpu.matmul %max3A_50, %get3A_53, %dot_general3A_54 {dimension_numbers = #tpu.dot_dimension_numbers<[1], [0], [0], [1], [0, 0, 1, 1], [], []>, transpose_lhs_hint = false} : vector<1000x256xf32>, vector<256x128xf32>, vector<1000x128xf32> -> vector<1000x128xf32>
    %get3A_56 = arith.constant 0 : index
    %get3A_57 = arith.constant 0 : index
    %get3A_58 = vector.load %arg11[%get3A_56, %get3A_57] : memref<1x128xf32, #tpu.memory_space<vmem>>, vector<1x128xf32>
    %add3A_59 = vector.broadcast %get3A_58 : vector<1x128xf32> to vector<1000x128xf32>
    %add3A_60 = arith.addf %dot_general3A_55, %add3A_59 : vector<1000x128xf32>
    %mul3A = arith.mulf %add3A_60, %add3A_60 : vector<1000x128xf32>
    %reduce_sum3A = arith.constant dense<0.000000e+00> : vector<1000xf32>
    %reduce_sum3A_61 = vector.multi_reduction <add>, %mul3A, %reduce_sum3A [1] : vector<1000x128xf32> to vector<1000xf32>
    %broadcast_in_dim3A = vector.shape_cast %reduce_sum3A_61 : vector<1000xf32> to vector<1000x1xf32>
    %sqrt3A = math.sqrt %broadcast_in_dim3A : vector<1000x1xf32>
    %div3A = vector.broadcast %sqrt3A : vector<1000x1xf32> to vector<1000x128xf32>
    %div3A_62 = arith.divf %add3A_60, %div3A : vector<1000x128xf32>
    %swap3A = arith.constant 0 : index
    %swap3A_63 = arith.constant 0 : index
    %swap3A_64 = vector.load %arg12[%swap3A, %swap3A_63] : memref<1000x128xf32, #tpu.memory_space<vmem>>, vector<1000x128xf32>
    tpu.vector_store %arg12[%swap3A, %swap3A_63], %div3A_62 {strides = array<i32>} : memref<1000x128xf32, #tpu.memory_space<vmem>>, vector<1000x128xf32>,
    %eq3A = arith.constant 0 : i32
    %eq3A_65 = arith.cmpi eq, %arg0, %eq3A : i32
    %convert_element_type3A = arith.extui %eq3A_65 : i1 to i32
    %cond3A = arith.constant 0 : i32
    %cond3A_66 = arith.cmpi ne, %convert_element_type3A, %cond3A : i32
    scf.if %cond3A_66 {
      %reduce_sum3A_71 = arith.constant dense<0.000000e+00> : vector<128xf32>
      %reduce_sum3A_72 = vector.multi_reduction <add>, %div3A_62, %reduce_sum3A_71 [0] : vector<1000x128xf32> to vector<128xf32>
      %broadcast_in_dim3A_73 = vector.shape_cast %reduce_sum3A_72 : vector<128xf32> to vector<1x128xf32>
      %swap3A_74 = arith.constant 0 : index
      %swap3A_75 = arith.constant 0 : index
      %swap3A_76 = vector.load %arg13[%swap3A_74, %swap3A_75] : memref<1x128xf32, #tpu.memory_space<vmem>>, vector<1x128xf32>
      tpu.vector_store %arg13[%swap3A_74, %swap3A_75], %broadcast_in_dim3A_73 {strides = array<i32>} : memref<1x128xf32, #tpu.memory_space<vmem>>, vector<1x128xf32>,
    } else {
    }
    %gt3A = arith.constant 0 : i32
    %gt3A_67 = arith.cmpi sgt, %arg0, %gt3A : i32
    %convert_element_type3A_68 = arith.extui %gt3A_67 : i1 to i32
    %cond3A_69 = arith.constant 0 : i32
    %cond3A_70 = arith.cmpi ne, %convert_element_type3A_68, %cond3A_69 : i32
    scf.if %cond3A_70 {
      %get3A_71 = arith.constant 0 : index
      %get3A_72 = arith.constant 0 : index
      %get3A_73 = vector.load %arg13[%get3A_71, %get3A_72] : memref<1x128xf32, #tpu.memory_space<vmem>>, vector<1x128xf32>
      %reduce_sum3A_74 = arith.constant dense<0.000000e+00> : vector<128xf32>
      %reduce_sum3A_75 = vector.multi_reduction <add>, %div3A_62, %reduce_sum3A_74 [0] : vector<1000x128xf32> to vector<128xf32>
      %broadcast_in_dim3A_76 = vector.shape_cast %reduce_sum3A_75 : vector<128xf32> to vector<1x128xf32>
      %add3A_77 = arith.addf %get3A_73, %broadcast_in_dim3A_76 : vector<1x128xf32>
      %swap3A_78 = arith.constant 0 : index
      %swap3A_79 = arith.constant 0 : index
      %swap3A_80 = vector.load %arg13[%swap3A_78, %swap3A_79] : memref<1x128xf32, #tpu.memory_space<vmem>>, vector<1x128xf32>
      tpu.vector_store %arg13[%swap3A_78, %swap3A_79], %add3A_77 {strides = array<i32>} : memref<1x128xf32, #tpu.memory_space<vmem>>, vector<1x128xf32>,
    } else {
    }
    return
  }
  func.func @transform_0(%arg0: i32) -> (i32, i32, i32) {
    %c0_i32 = arith.constant 0 : i32
    %c0_i32_0 = arith.constant 0 : i32
    %c0_i32_1 = arith.constant 0 : i32
    return %c0_i32, %arg0, %c0_i32_0 : i32, i32, i32
  }
  func.func @transform_1(%arg0: i32) -> (i32, i32) {
    %c0_i32 = arith.constant 0 : i32
    %c0_i32_0 = arith.constant 0 : i32
    return %arg0, %c0_i32 : i32, i32
  }
  func.func @transform_2(%arg0: i32) -> (i32, i32) {
    %c0_i32 = arith.constant 0 : i32
    %c0_i32_0 = arith.constant 0 : i32
    %c0_i32_1 = arith.constant 0 : i32
    return %c0_i32, %c0_i32_0 : i32, i32
  }
  func.func @transform_3(%arg0: i32) -> (i32, i32) {
    %c0_i32 = arith.constant 0 : i32
    %c0_i32_0 = arith.constant 0 : i32
    %c0_i32_1 = arith.constant 0 : i32
    return %c0_i32, %c0_i32_0 : i32, i32
  }
  func.func @transform_4(%arg0: i32) -> (i32, i32) {
    %c0_i32 = arith.constant 0 : i32
    %c0_i32_0 = arith.constant 0 : i32
    %c0_i32_1 = arith.constant 0 : i32
    return %c0_i32, %c0_i32_0 : i32, i32
  }
  func.func @transform_5(%arg0: i32) -> (i32, i32) {
    %c0_i32 = arith.constant 0 : i32
    %c0_i32_0 = arith.constant 0 : i32
    %c0_i32_1 = arith.constant 0 : i32
    return %c0_i32, %c0_i32_0 : i32, i32
  }
  func.func @transform_6(%arg0: i32) -> (i32, i32) {
    %c0_i32 = arith.constant 0 : i32
    %c0_i32_0 = arith.constant 0 : i32
    %c0_i32_1 = arith.constant 0 : i32
    return %c0_i32, %c0_i32_0 : i32, i32
  }
  func.func @transform_7(%arg0: i32) -> (i32, i32) {
    %c0_i32 = arith.constant 0 : i32
    %c0_i32_0 = arith.constant 0 : i32
    %c0_i32_1 = arith.constant 0 : i32
    return %c0_i32, %c0_i32_0 : i32, i32
  }
  func.func @transform_8(%arg0: i32) -> (i32, i32) {
    %c0_i32 = arith.constant 0 : i32
    %c0_i32_0 = arith.constant 0 : i32
    %c0_i32_1 = arith.constant 0 : i32
    return %c0_i32, %c0_i32_0 : i32, i32
  }
  func.func @transform_9(%arg0: i32) -> (i32, i32) {
    %c0_i32 = arith.constant 0 : i32
    %c0_i32_0 = arith.constant 0 : i32
    %c0_i32_1 = arith.constant 0 : i32
    return %c0_i32, %c0_i32_0 : i32, i32
  }
  func.func @transform_10(%arg0: i32) -> (i32, i32) {
    %c0_i32 = arith.constant 0 : i32
    %c0_i32_0 = arith.constant 0 : i32
    %c0_i32_1 = arith.constant 0 : i32
    return %c0_i32, %c0_i32_0 : i32, i32
  }
  func.func @transform_11(%arg0: i32) -> (i32, i32) {
    %c0_i32 = arith.constant 0 : i32
    %c0_i32_0 = arith.constant 0 : i32
    return %arg0, %c0_i32 : i32, i32
  }
  func.func @transform_12(%arg0: i32) -> (i32, i32) {
    %c0_i32 = arith.constant 0 : i32
    %c0_i32_0 = arith.constant 0 : i32
    %c0_i32_1 = arith.constant 0 : i32
    return %c0_i32, %c0_i32_0 : i32, i32
  }
}

module attributes {stable_mosaic.version = 14 : i64} {
  func.func @_node_body(%arg0: i32, %arg1: memref<2x1000x128xf32, #tpu.memory_space<vmem>>, %arg2: memref<1000x128xf32, #tpu.memory_space<vmem>>, %arg3: memref<1x128xf32, #tpu.memory_space<vmem>>, %arg4: memref<128x256xf32, #tpu.memory_space<vmem>>, %arg5: memref<128x256xf32, #tpu.memory_space<vmem>>, %arg6: memref<128x256xf32, #tpu.memory_space<vmem>>, %arg7: memref<1x256xf32, #tpu.memory_space<vmem>>, %arg8: memref<256x256xf32, #tpu.memory_space<vmem>>, %arg9: memref<1x256xf32, #tpu.memory_space<vmem>>, %arg10: memref<256x128xf32, #tpu.memory_space<vmem>>, %arg11: memref<1x128xf32, #tpu.memory_space<vmem>>, %arg12: memref<1000x128xf32, #tpu.memory_space<vmem>>, %arg13: memref<1x128xf32, #tpu.memory_space<vmem>>) attributes {dimension_semantics = [#tpu.dimension_semantics<arbitrary>], iteration_bounds = array<i64: 10>, scalar_prefetch = 0 : i64, scratch_operands = 0 : i64, tpu.core_type = #tpu.core_type<tc>, window_params = [{transform_indices = @transform_0, window_bounds = array<i64: 2, 1000, 128>}, {transform_indices = @transform_1, window_bounds = array<i64: 1000, 128>}, {pipeline_mode = #tpu.pipeline_mode<synchronous>, transform_indices = @transform_2, window_bounds = array<i64: 1, 128>}, {pipeline_mode = #tpu.pipeline_mode<synchronous>, transform_indices = @transform_3, window_bounds = array<i64: 128, 256>}, {pipeline_mode = #tpu.pipeline_mode<synchronous>, transform_indices = @transform_4, window_bounds = array<i64: 128, 256>}, {pipeline_mode = #tpu.pipeline_mode<synchronous>, transform_indices = @transform_5, window_bounds = array<i64: 128, 256>}, {pipeline_mode = #tpu.pipeline_mode<synchronous>, transform_indices = @transform_6, window_bounds = array<i64: 1, 256>}, {pipeline_mode = #tpu.pipeline_mode<synchronous>, transform_indices = @transform_7, window_bounds = array<i64: 256, 256>}, {pipeline_mode = #tpu.pipeline_mode<synchronous>, transform_indices = @transform_8, window_bounds = array<i64: 1, 256>}, {pipeline_mode = #tpu.pipeline_mode<synchronous>, transform_indices = @transform_9, window_bounds = array<i64: 256, 128>}, {pipeline_mode = #tpu.pipeline_mode<synchronous>, transform_indices = @transform_10, window_bounds = array<i64: 1, 128>}, {transform_indices = @transform_11, window_bounds = array<i64: 1000, 128>}, {pipeline_mode = #tpu.pipeline_mode<synchronous>, transform_indices = @transform_12, window_bounds = array<i64: 1, 128>}]} {
    %get3A = arith.constant 0 : index
    %get3A_0 = arith.constant 0 : index
    %get3A_1 = arith.constant 0 : index
    %get3A_2 = vector.load %arg1[%get3A, %get3A_0, %get3A_1] : memref<2x1000x128xf32, #tpu.memory_space<vmem>>, vector<1x1000x128xf32>
    %get3A_3 = vector.shape_cast %get3A_2 : vector<1x1000x128xf32> to vector<1000x128xf32>
    %get3A_4 = arith.constant 1 : index
    %get3A_5 = arith.constant 0 : index
    %get3A_6 = arith.constant 0 : index
    %get3A_7 = vector.load %arg1[%get3A_4, %get3A_5, %get3A_6] : memref<2x1000x128xf32, #tpu.memory_space<vmem>>, vector<1x1000x128xf32>
    %get3A_8 = vector.shape_cast %get3A_7 : vector<1x1000x128xf32> to vector<1000x128xf32>
    %add3A = arith.addf %get3A_3, %get3A_8 : vector<1000x128xf32>
    %get3A_9 = arith.constant 0 : index
    %get3A_10 = arith.constant 0 : index
    %get3A_11 = vector.load %arg3[%get3A_9, %get3A_10] : memref<1x128xf32, #tpu.memory_space<vmem>>, vector<1x128xf32>
    %get3A_12 = arith.constant 0 : index
    %get3A_13 = arith.constant 0 : index
    %get3A_14 = vector.load %arg6[%get3A_12, %get3A_13] : memref<128x256xf32, #tpu.memory_space<vmem>>, vector<128x256xf32>
    %dot_general3A = arith.constant dense<0.000000e+00> : vector<1x256xf32>
    %dot_general3A_15 = tpu.matmul %get3A_11, %get3A_14, %dot_general3A {dimension_numbers = #tpu.dot_dimension_numbers<[1], [0], [0], [1], [0, 0, 1, 1], [], []>, transpose_lhs_hint = false} : vector<1x128xf32>, vector<128x256xf32>, vector<1x256xf32> -> vector<1x256xf32>
    %get3A_16 = arith.constant 0 : index
    %get3A_17 = arith.constant 0 : index
    %get3A_18 = vector.load %arg7[%get3A_16, %get3A_17] : memref<1x256xf32, #tpu.memory_space<vmem>>, vector<1x256xf32>
    %add3A_19 = arith.addf %dot_general3A_15, %get3A_18 : vector<1x256xf32>
    %get3A_20 = arith.constant 0 : index
    %get3A_21 = arith.constant 0 : index
    %get3A_22 = vector.load %arg4[%get3A_20, %get3A_21] : memref<128x256xf32, #tpu.memory_space<vmem>>, vector<128x256xf32>
    %dot_general3A_23 = arith.constant dense<0.000000e+00> : vector<1000x256xf32>
    %dot_general3A_24 = tpu.matmul %add3A, %get3A_22, %dot_general3A_23 {dimension_numbers = #tpu.dot_dimension_numbers<[1], [0], [0], [1], [0, 0, 1, 1], [], []>, transpose_lhs_hint = false} : vector<1000x128xf32>, vector<128x256xf32>, vector<1000x256xf32> -> vector<1000x256xf32>
    %get3A_25 = arith.constant 0 : index
    %get3A_26 = arith.constant 0 : index
    %get3A_27 = vector.load %arg2[%get3A_25, %get3A_26] : memref<1000x128xf32, #tpu.memory_space<vmem>>, vector<1000x128xf32>
    %get3A_28 = arith.constant 0 : index
    %get3A_29 = arith.constant 0 : index
    %get3A_30 = vector.load %arg5[%get3A_28, %get3A_29] : memref<128x256xf32, #tpu.memory_space<vmem>>, vector<128x256xf32>
    %dot_general3A_31 = arith.constant dense<0.000000e+00> : vector<1000x256xf32>
    %dot_general3A_32 = tpu.matmul %get3A_27, %get3A_30, %dot_general3A_31 {dimension_numbers = #tpu.dot_dimension_numbers<[1], [0], [0], [1], [0, 0, 1, 1], [], []>, transpose_lhs_hint = false} : vector<1000x128xf32>, vector<128x256xf32>, vector<1000x256xf32> -> vector<1000x256xf32>
    %add3A_33 = arith.addf %dot_general3A_24, %dot_general3A_32 : vector<1000x256xf32>
    %add3A_34 = vector.broadcast %add3A_19 : vector<1x256xf32> to vector<1000x256xf32>
    %add3A_35 = arith.addf %add3A_33, %add3A_34 : vector<1000x256xf32>
    %max3A = arith.constant 0.000000e+00 : f32
    %max3A_36 = vector.broadcast %max3A : f32 to vector<1000x256xf32>
    %max3A_37 = arith.maximumf %add3A_35, %max3A_36 : vector<1000x256xf32>
    %get3A_38 = arith.constant 0 : index
    %get3A_39 = arith.constant 0 : index
    %get3A_40 = vector.load %arg8[%get3A_38, %get3A_39] : memref<256x256xf32, #tpu.memory_space<vmem>>, vector<256x256xf32>
    %dot_general3A_41 = arith.constant dense<0.000000e+00> : vector<1000x256xf32>
    %dot_general3A_42 = tpu.matmul %max3A_37, %get3A_40, %dot_general3A_41 {dimension_numbers = #tpu.dot_dimension_numbers<[1], [0], [0], [1], [0, 0, 1, 1], [], []>, transpose_lhs_hint = false} : vector<1000x256xf32>, vector<256x256xf32>, vector<1000x256xf32> -> vector<1000x256xf32>
    %get3A_43 = arith.constant 0 : index
    %get3A_44 = arith.constant 0 : index
    %get3A_45 = vector.load %arg9[%get3A_43, %get3A_44] : memref<1x256xf32, #tpu.memory_space<vmem>>, vector<1x256xf32>
    %add3A_46 = vector.broadcast %get3A_45 : vector<1x256xf32> to vector<1000x256xf32>
    %add3A_47 = arith.addf %dot_general3A_42, %add3A_46 : vector<1000x256xf32>
    %max3A_48 = arith.constant 0.000000e+00 : f32
    %max3A_49 = vector.broadcast %max3A_48 : f32 to vector<1000x256xf32>
    %max3A_50 = arith.maximumf %add3A_47, %max3A_49 : vector<1000x256xf32>
    %get3A_51 = arith.constant 0 : index
    %get3A_52 = arith.constant 0 : index
    %get3A_53 = vector.load %arg10[%get3A_51, %get3A_52] : memref<256x128xf32, #tpu.memory_space<vmem>>, vector<256x128xf32>
    %dot_general3A_54 = arith.constant dense<0.000000e+00> : vector<1000x128xf32>
    %dot_general3A_55 = tpu.matmul %max3A_50, %get3A_53, %dot_general3A_54 {dimension_numbers = #tpu.dot_dimension_numbers<[1], [0], [0], [1], [0, 0, 1, 1], [], []>, transpose_lhs_hint = false} : vector<1000x256xf32>, vector<256x128xf32>, vector<1000x128xf32> -> vector<1000x128xf32>
    %get3A_56 = arith.constant 0 : index
    %get3A_57 = arith.constant 0 : index
    %get3A_58 = vector.load %arg11[%get3A_56, %get3A_57] : memref<1x128xf32, #tpu.memory_space<vmem>>, vector<1x128xf32>
    %add3A_59 = vector.broadcast %get3A_58 : vector<1x128xf32> to vector<1000x128xf32>
    %add3A_60 = arith.addf %dot_general3A_55, %add3A_59 : vector<1000x128xf32>
    %mul3A = arith.mulf %add3A_60, %add3A_60 : vector<1000x128xf32>
    %reduce_sum3A = arith.constant dense<0.000000e+00> : vector<1000xf32>
    %reduce_sum3A_61 = vector.multi_reduction <add>, %mul3A, %reduce_sum3A [1] : vector<1000x128xf32> to vector<1000xf32>
    %broadcast_in_dim3A = vector.shape_cast %reduce_sum3A_61 : vector<1000xf32> to vector<1000x1xf32>
    %sqrt3A = math.sqrt %broadcast_in_dim3A : vector<1000x1xf32>
    %div3A = vector.broadcast %sqrt3A : vector<1000x1xf32> to vector<1000x128xf32>
    %div3A_62 = arith.divf %add3A_60, %div3A : vector<1000x128xf32>
    %swap3A = arith.constant 0 : index
    %swap3A_63 = arith.constant 0 : index
    %swap3A_64 = vector.load %arg12[%swap3A, %swap3A_63] : memref<1000x128xf32, #tpu.memory_space<vmem>>, vector<1000x128xf32>
    tpu.vector_store %arg12[%swap3A, %swap3A_63], %div3A_62 {strides = array<i32>} : memref<1000x128xf32, #tpu.memory_space<vmem>>, vector<1000x128xf32>,
    %eq3A = arith.constant 0 : i32
    %eq3A_65 = arith.cmpi eq, %arg0, %eq3A : i32
    %convert_element_type3A = arith.extui %eq3A_65 : i1 to i32
    %cond3A = arith.constant 0 : i32
    %cond3A_66 = arith.cmpi ne, %convert_element_type3A, %cond3A : i32
    scf.if %cond3A_66 {
      %reduce_sum3A_71 = arith.constant dense<0.000000e+00> : vector<128xf32>
      %reduce_sum3A_72 = vector.multi_reduction <add>, %div3A_62, %reduce_sum3A_71 [0] : vector<1000x128xf32> to vector<128xf32>
      %broadcast_in_dim3A_73 = vector.shape_cast %reduce_sum3A_72 : vector<128xf32> to vector<1x128xf32>
      %swap3A_74 = arith.constant 0 : index
      %swap3A_75 = arith.constant 0 : index
      %swap3A_76 = vector.load %arg13[%swap3A_74, %swap3A_75] : memref<1x128xf32, #tpu.memory_space<vmem>>, vector<1x128xf32>
      tpu.vector_store %arg13[%swap3A_74, %swap3A_75], %broadcast_in_dim3A_73 {strides = array<i32>} : memref<1x128xf32, #tpu.memory_space<vmem>>, vector<1x128xf32>,
    } else {
    }
    %gt3A = arith.constant 0 : i32
    %gt3A_67 = arith.cmpi sgt, %arg0, %gt3A : i32
    %convert_element_type3A_68 = arith.extui %gt3A_67 : i1 to i32
    %cond3A_69 = arith.constant 0 : i32
    %cond3A_70 = arith.cmpi ne, %convert_element_type3A_68, %cond3A_69 : i32
    scf.if %cond3A_70 {
      %get3A_71 = arith.constant 0 : index
      %get3A_72 = arith.constant 0 : index
      %get3A_73 = vector.load %arg13[%get3A_71, %get3A_72] : memref<1x128xf32, #tpu.memory_space<vmem>>, vector<1x128xf32>
      %reduce_sum3A_74 = arith.constant dense<0.000000e+00> : vector<128xf32>
      %reduce_sum3A_75 = vector.multi_reduction <add>, %div3A_62, %reduce_sum3A_74 [0] : vector<1000x128xf32> to vector<128xf32>
      %broadcast_in_dim3A_76 = vector.shape_cast %reduce_sum3A_75 : vector<128xf32> to vector<1x128xf32>
      %add3A_77 = arith.addf %get3A_73, %broadcast_in_dim3A_76 : vector<1x128xf32>
      %swap3A_78 = arith.constant 0 : index
      %swap3A_79 = arith.constant 0 : index
      %swap3A_80 = vector.load %arg13[%swap3A_78, %swap3A_79] : memref<1x128xf32, #tpu.memory_space<vmem>>, vector<1x128xf32>
      tpu.vector_store %arg13[%swap3A_78, %swap3A_79], %add3A_77 {strides = array<i32>} : memref<1x128xf32, #tpu.memory_space<vmem>>, vector<1x128xf32>,
    } else {
    }
    return
  }
  func.func @transform_0(%arg0: i32) -> (i32, i32, i32) {
    %c0_i32 = arith.constant 0 : i32
    %c0_i32_0 = arith.constant 0 : i32
    %c0_i32_1 = arith.constant 0 : i32
    return %c0_i32, %arg0, %c0_i32_0 : i32, i32, i32
  }
  func.func @transform_1(%arg0: i32) -> (i32, i32) {
    %c0_i32 = arith.constant 0 : i32
    %c0_i32_0 = arith.constant 0 : i32
    return %arg0, %c0_i32 : i32, i32
  }
  func.func @transform_2(%arg0: i32) -> (i32, i32) {
    %c0_i32 = arith.constant 0 : i32
    %c0_i32_0 = arith.constant 0 : i32
    %c0_i32_1 = arith.constant 0 : i32
    return %c0_i32, %c0_i32_0 : i32, i32
  }
  func.func @transform_3(%arg0: i32) -> (i32, i32) {
    %c0_i32 = arith.constant 0 : i32
    %c0_i32_0 = arith.constant 0 : i32
    %c0_i32_1 = arith.constant 0 : i32
    return %c0_i32, %c0_i32_0 : i32, i32
  }
  func.func @transform_4(%arg0: i32) -> (i32, i32) {
    %c0_i32 = arith.constant 0 : i32
    %c0_i32_0 = arith.constant 0 : i32
    %c0_i32_1 = arith.constant 0 : i32
    return %c0_i32, %c0_i32_0 : i32, i32
  }
  func.func @transform_5(%arg0: i32) -> (i32, i32) {
    %c0_i32 = arith.constant 0 : i32
    %c0_i32_0 = arith.constant 0 : i32
    %c0_i32_1 = arith.constant 0 : i32
    return %c0_i32, %c0_i32_0 : i32, i32
  }
  func.func @transform_6(%arg0: i32) -> (i32, i32) {
    %c0_i32 = arith.constant 0 : i32
    %c0_i32_0 = arith.constant 0 : i32
    %c0_i32_1 = arith.constant 0 : i32
    return %c0_i32, %c0_i32_0 : i32, i32
  }
  func.func @transform_7(%arg0: i32) -> (i32, i32) {
    %c0_i32 = arith.constant 0 : i32
    %c0_i32_0 = arith.constant 0 : i32
    %c0_i32_1 = arith.constant 0 : i32
    return %c0_i32, %c0_i32_0 : i32, i32
  }
  func.func @transform_8(%arg0: i32) -> (i32, i32) {
    %c0_i32 = arith.constant 0 : i32
    %c0_i32_0 = arith.constant 0 : i32
    %c0_i32_1 = arith.constant 0 : i32
    return %c0_i32, %c0_i32_0 : i32, i32
  }
  func.func @transform_9(%arg0: i32) -> (i32, i32) {
    %c0_i32 = arith.constant 0 : i32
    %c0_i32_0 = arith.constant 0 : i32
    %c0_i32_1 = arith.constant 0 : i32
    return %c0_i32, %c0_i32_0 : i32, i32
  }
  func.func @transform_10(%arg0: i32) -> (i32, i32) {
    %c0_i32 = arith.constant 0 : i32
    %c0_i32_0 = arith.constant 0 : i32
    %c0_i32_1 = arith.constant 0 : i32
    return %c0_i32, %c0_i32_0 : i32, i32
  }
  func.func @transform_11(%arg0: i32) -> (i32, i32) {
    %c0_i32 = arith.constant 0 : i32
    %c0_i32_0 = arith.constant 0 : i32
    return %arg0, %c0_i32 : i32, i32
  }
  func.func @transform_12(%arg0: i32) -> (i32, i32) {
    %c0_i32 = arith.constant 0 : i32
    %c0_i32_0 = arith.constant 0 : i32
    %c0_i32_1 = arith.constant 0 : i32
    return %c0_i32, %c0_i32_0 : i32, i32
  }
}

</mosaic_0001>

<sc_bundles>
// kernel: kernel.15.cloned.1.call-start
scs
__scs_entry_jumppad:
0x0: {  	(pc) =	sbr.rel $0x88, $3  }
0x1: {  	(tag) =	ssettag $0x0;
	lr =	simm.s32 $0x1  }
0x2: {  	[smem:$0x3F91] =	sst lr;
	_ =	strace $0xD0000000  }
0x3: {  	_ = 	snop  }
0x4: {  	_ = 	snop  }
0x5: {  	_ = 	snop  }
0x6: {  	_ = 	snop  }
0x7: {  	_ = 	snop  }
__scs_overlays_trampoline_lowered:
0x8: {  	[smem:$0x3FA0] =	sst s0  }
0x9: {  	[smem:$0x3FA1] =	sst s1  }
0xa: {  	[smem:$0x3FA2] =	sst s2  }
0xb: {  	[smem:$0x3FA3] =	sst s3  }
0xc: {  	[smem:$0x3FA4] =	sst s4  }
0xd: {  	[smem:$0x3FA5] =	sst s5  }
0xe: {  	[smem:$0x3FA6] =	sst s6  }
0xf: {  	[smem:$0x3FA7] =	sst s7  }
0x10: {  	[smem:$0x3FA8] =	sst s8  }
0x11: {  	[smem:$0x3FA9] =	sst s9;
	s0 =	simm.s32 @!p0 $0x0  }
0x12: {  	s1 =	sld [smem:$0x3F8F];
	s0 =	simm.s32 @p0 $0x1  }
0x13: {  	[smem:$0x3FAA] =	sst s0;
	s0 =	simm.s32 @!p1 $0x0  }
0x14: {  	s2 =	sld [smem:$0x3F8E];
	s0 =	simm.s32 @p1 $0x1  }
0x15: {  	[smem:$0x3FAB] =	sst s0;
	s0 =	simm.s32 @!p2 $0x0  }
0x16: {  	s3 =	sld [smem:$0x3FDB];
	s0 =	simm.s32 @p2 $0x1  }
0x17: {  	s4 =	simm.s32 $0x1BF5;
	[smem:$0x3FAD] =	sst s0  }
0x18: {  	s0 =	sld [smem:$0x3F90];
	_ =	swait.ge [sflag:s4], $0x0  }
0x19: {  	s7 =	sld [smem:$0x3F91]  }
0x1a: {  	s8 =	sadd.s32 $0xFFFFE003, lr  }
0x1b: {  	s9 =	sadd.s32 $0xFFFFFEF7, lr;
	s5 =	simm.s32 $0xFFFFFFFF;
	p2 =	slt.u32 s8, $0xFFFFF086  }
0x1c: {  	p1 =	slt.u32 s9, $0xF7A;
	s5 =	simm.s32 @!p2 $0x0  }
0x1d: {  	s5 =	simm.s32 @p1 $0x1;
	p0 =	seq.s32 s7, s2  }
0x1e: {  	s7 =	smul.u32 @!p0 $0xF7A, s2;
	p2 =	seq.s32 @!p0 s5, $0x0  }
0x1f: {  	s9 =	smul.u32 $0xF7A, s1;
	s8 =	simm.s32 @!p0 $0x1BF5;
	p2 =	por !p2, p0  }
0x20: {  	[sflag:s8] =	ssyncset.s32 @!p0 $0xFFFFF086;
	s6 =	sadd.s32 @!p0 s3, s7;
	s7 =	simm.s32 @!p0 $0x108  }
0x21: {  	s3 =	sadd.s32 s3, s9;
	s6 =	sadd.s32 @!p0 $0x88, s6;
	s7 =	simm.s32 @p2 $0x1082  }
0x22: {  	[simem:s7], [sflag:s8] =	dma.local @!p0 [hbm:s6], $0xF7A  }
0x23: {  	s9 =	sor.u32 $0xD0000000, s2;
	s6 =	simm.s32 $0x108;
	_ =	swait.ge @!p0 [sflag:s8], $0x0  }
0x24: {  	s3 =	sadd.s32 $0x88, s3;
	s6 =	simm.s32 @!p1 $0x1082;
	[sflag:s4] =	ssyncset.s32 $0xFFFFF086  }
0x25: {  	[simem:s6], [sflag:s4] =	dma.local [hbm:s3], $0xF7A  }
0x26: {  	[smem:$0x3F91] =	sst s1;
	(tag) =	ssettag s2;
	_ =	strace s9  }
0x27: {  	s1 =	sld [smem:$0x3FA1]  }
0x28: {  	s2 =	sld [smem:$0x3FA2]  }
0x29: {  	s4 =	sld [smem:$0x3FA4]  }
0x2a: {  	p0 =	seq.s32 s5, $0x0;
	s5 =	sld [smem:$0x3FA5]  }
0x2b: {  	s6 =	sld [smem:$0x3FA6]  }
0x2c: {  	s7 =	sld [smem:$0x3FA7]  }
0x2d: {  	s3 =	simm.s32 $0x108;
	s8 =	sld [smem:$0x3FA8]  }
0x2e: {  	s3 =	simm.s32 @!p0 $0x1082;
	s9 =	sld [smem:$0x3FA9]  }
0x2f: {  	lr =	sadd.s32 s0, s3;
	s0 =	sld [smem:$0x3FA0]  }
0x30: {  	s3 =	sld [smem:$0x3FA3]  }
0x31: {  	[smem:$0x3FAC] =	sst s10  }
0x32: {  	s10 =	sld [smem:$0x3FAA];
	_ =	sdelay $0x3  }
0x33: {  	p0 =	seq.s32 s10, $0x1;
	s10 =	sld [smem:$0x3FAC];
	_ =	sdelay $0x3  }
0x34: {  	[smem:$0x3FAC] =	sst s10  }
0x35: {  	s10 =	sld [smem:$0x3FAB];
	_ =	sdelay $0x3  }
0x36: {  	p1 =	seq.s32 s10, $0x1;
	s10 =	sld [smem:$0x3FAC];
	_ =	sdelay $0x3  }
0x37: {  	[smem:$0x3FAC] =	sst s10  }
0x38: {  	s10 =	sld [smem:$0x3FAD]  }
0x39: {  	_ = 	snop;
	(pc) =	sbr.ind lr, $3  }
0x3a: {  	_ = 	snop  }
0x3b: {  	_ = 	snop  }
0x3c: {  	p2 =	seq.s32 s10, $0x1;
	s10 =	sld [smem:$0x3FAC]  }
0x3d: {  	_ =	shalt  }
0x3e: {  	_ =	shalt  }
0x3f: {  	_ =	shalt  }
0x40: {  	_ =	shalt  }
0x41: {  	_ =	shalt  }
0x42: {  	_ =	shalt  }
0x43: {  	_ =	shalt  }
0x44: {  	_ =	shalt  }
0x45: {  	_ =	shalt  }
0x46: {  	_ =	shalt  }
0x47: {  	_ =	shalt  }
0x48: {  	_ =	shalt  }
0x49: {  	_ =	shalt  }
0x4a: {  	_ =	shalt  }
0x4b: {  	_ =	shalt  }
0x4c: {  	_ =	shalt  }
0x4d: {  	_ =	shalt  }
0x4e: {  	_ =	shalt  }
0x4f: {  	_ =	shalt  }
0x50: {  	_ =	shalt  }
0x51: {  	_ =	shalt  }
0x52: {  	_ =	shalt  }
0x53: {  	_ =	shalt  }
0x54: {  	_ =	shalt  }
0x55: {  	_ =	shalt  }
0x56: {  	_ =	shalt  }
0x57: {  	_ =	shalt  }
0x58: {  	_ =	shalt  }
0x59: {  	_ =	shalt  }
0x5a: {  	_ =	shalt  }
0x5b: {  	_ =	shalt  }
0x5c: {  	_ =	shalt  }
0x5d: {  	_ =	shalt  }
0x5e: {  	_ =	shalt  }
0x5f: {  	_ =	shalt  }
0x60: {  	_ =	shalt  }
0x61: {  	_ =	shalt  }
0x62: {  	_ =	shalt  }
0x63: {  	_ =	shalt  }
0x64: {  	_ =	shalt  }
0x65: {  	_ =	shalt  }
0x66: {  	_ =	shalt  }
0x67: {  	_ =	shalt  }
0x68: {  	_ =	shalt  }
0x69: {  	_ =	shalt  }
0x6a: {  	_ =	shalt  }
0x6b: {  	_ =	shalt  }
0x6c: {  	_ =	shalt  }
0x6d: {  	_ =	shalt  }
0x6e: {  	_ =	shalt  }
0x6f: {  	_ =	shalt  }
0x70: {  	_ =	shalt  }
0x71: {  	_ =	shalt  }
0x72: {  	_ =	shalt  }
0x73: {  	_ =	shalt  }
0x74: {  	_ =	shalt  }
0x75: {  	_ =	shalt  }
0x76: {  	_ =	shalt  }
0x77: {  	_ =	shalt  }
0x78: {  	_ =	shalt  }
0x79: {  	_ =	shalt  }
0x7a: {  	_ =	shalt  }
0x7b: {  	_ =	shalt  }
0x7c: {  	_ =	shalt  }
0x7d: {  	_ =	shalt  }
0x7e: {  	_ =	shalt  }
0x7f: {  	_ =	shalt  }
0x80: {  	_ =	shalt  }
0x81: {  	_ =	shalt  }
0x82: {  	_ =	shalt  }
0x83: {  	_ =	shalt  }
0x84: {  	_ =	shalt  }
0x85: {  	_ =	shalt  }
0x86: {  	_ =	shalt  }
0x87: {  	_ =	shalt  }
.Lfunc_end0:
.L_simem_size_0:
called_computation_lowered:
.L_overlay_start_0:
0x88: {  	s2 =	sld [smem:$0x3FD9]  }
0x89: {  	s3 =	sld [smem:$0x3FFE];
	_ =	sdelay $0x1  }
0x8a: {  	s1 =	srdreg.scid  }
0x8b: {  	s0 =	sand.u32 $0x1, s1  }
0x8c: {  	s17 =	sshll.u32 s0, $0xA;
	s2 =	sadd.s32 s3, s2  }
0x8d: {  	s2 =	sadd.s32 s2, s17  }
0x8e: {  	[smem:$0x3FB8] =	sst s2  }
0x8f: {  	_ = 	snop  }
0x90: {  	s2 =	sld [smem:$0x3FD0];
	(tm) =	ssettm $0x1  }
0x91: {  	s18 =	sld [smem:$0x3FFB];
	_ =	sdelay $0x3  }
0x92: {  	_ =	strace s18  }
0x93: {  	s3 =	sld [smem:$0x3FFC];
	_ =	sdelay $0x3  }
0x94: {  	_ =	strace s3  }
0x95: {  	s3 =	sld [smem:$0x3FFD];
	_ =	sdelay $0x3  }
0x96: {  	_ =	strace s3  }
0x97: {  	_ =	strace $0x8FFFFFFF  }
0x98: {  	s19 =	sld [smem:$0x3FDB];
	_ =	sdelay $0x1  }
0x99: {  	s4 =	simm.s32 $_scs_section_size  }
0x9a: {  	s5 =	simm.s32 $_size__tile_overlayer_lowered;
	s6 =	simm.s32 $_tile_overlayer_lowered  }
0x9b: {  	s22 =	simm.s32 $0x1BFF;
	s21 =	sshll.u32 s6, $0x1;
	s3 =	sadd.s32 s4, s19  }
0x9c: {  	s7 =	simm.s32 $0x0;
	s20 =	sshll.u32 s5, $0x1;
	s5 =	sadd.s32 s21, s3  }
0x9d: {  	[timem:s7], [sflag:s22] =	dma.local [hbm:s5], s20  }
0x9e: {  	_ =	swait.ge [sflag:s22], s20  }
0x9f: {  	s4 =	ssub.s32 $0x0, s20;
	[sflag:s22] =	ssyncset.done $0x0  }
0xa0: {  	[sflag:s22] =	ssyncadd.s32 s4;
	_ =	sdelay $0x1  }
0xa1: {  	s23 =	simm.s32 $0x1B8B  }
0xa2: {  	_ =	swait.ge [sflag:s23], $0x1  }
0xa3: {  	[sflag:s23] =	ssyncset.done $0x0  }
0xa4: {  	s25 =	simm.s32 $0x1B8E;
	s24 =	sld [smem:$0x3FFE];
	[sflag:s23] =	ssyncadd.s32 $0xFFFFFFFF  }
0xa5: {  	s26 =	simm.s32 $execute0_lowered;
	[smem:$0x3FD2] =	sst s25  }
0xa6: {  	s5 =	sshll.u32 s26, $0x1;
	_ =	strace $0x80000046;
	[dreg:$0x1] =	wrdreg $0xFFFFFFFF  }
0xa7: {  	s28 =	simm.s32 $_size_execute0_lowered;
	s3 =	sadd.s32 s3, s5;
	[dreg:$0x0] =	wrdreg $0x0  }
0xa8: {  	s5 =	sshll.u32 s28, $0x1;
	[dreg:$0x2] =	wrdreg s3  }
0xa9: {  	[dreg:$0x3] =	wrdreg s5  }
0xaa: {  	[dreg:$0x4] =	wrdreg $0xC0  }
0xab: {  	_ =	task [dreg:s7], $0x5FFFF  }
0xac: {  	[dreg:$0x1] =	wrdreg $0xFFFFFFFF  }
0xad: {  	[dreg:$0x0] =	wrdreg $0x60  }
0xae: {  	[dreg:$0x2] =	wrdreg s2  }
0xaf: {  	[dreg:$0x3] =	wrdreg s24  }
0xb0: {  	[dreg:$0x4] =	wrdreg $0x0  }
0xb1: {  	[dreg:$0x5] =	wrdreg $0x9  }
0xb2: {  	_ =	task.clear_ibuf [dreg:s7], $0x6FFFF;
	_ =	strace $0x90000046  }
0xb3: {  	s29 =	simm.s32 $0x9;
	_ =	strace $0x80000048  }
0xb4: {  	_ =	swait.ge [sflag:s29], $0x1  }
0xb5: {  	[sflag:s29] =	ssyncadd.s32 $0xFFFFFFFF  }
0xb6: {  	_ =	strace $0x90000048  }
0xb7: {  	_ =	sfence  }
0xb8: {  	s30 =	sld [smem:$0x0];
	_ =	sdelay $0x2  }
0xb9: {  	s31 =	sshll.u32 s1, $0xD;
	s1 =	sshrl.u32 s1, $0x2  }
0xba: {  	s3 =	sand.u32 $0x4000, s31;
	s1 =	sadd.s32 s1, s30  }
0xbb: {  	s0 =	sor.u32 s3, s0;
	s1 =	sshll.u32 s1, $0x11  }
0xbc: {  	s0 =	sor.u32 s1, s0  }
0xbd: {  	s0 =	sadd.s32 $0x8F2B, s0  }
0xbe: {  	[sflag:s0] =	ssyncadd.remote.s32 $0x1  }
0xbf: {  	_ =	sfence.sel $0xFFFF  }
0xc0: {  	[dreg:$0x0] =	wrdreg $0xFFFFFFFF;
	(pc) =	sbr.abs _section_cstart, $3  }
0xc1: {  	[dreg:$0x1] =	wrdreg $0xFFFFFFFF  }
0xc2: {  	_ =	task.clear_ibuf [dreg:s7], $0x2FFFF;
	_ =	strace $0x9FFFFFFF  }
0xc3: {  	(tm) =	ssettm $0x7FFFFFFF  }
tec
execute0_lowered:
.L_overlay_start_1:
0x0: {  	(tag) =	ssettag $0x1  }
0x1: {  	s1 =	rddreg [dreg:$0x0]  }
0x2: {  	s2 =	srdreg.scid;
	s7 =	rddreg [dreg:$0x1]  }
0x3: {  	s0 =	stileid.u32;
	s3 =	rddreg [dreg:$0x2]  }
0x4: {  	s4 =	simm.s32 $0x0;
	s13 =	simm.s32 $0x13C00;
	s5 =	smul.u32 $0x4EC0, s0  }
0x5: {  	s14 =	simm.s32 $0x13C80;
	s15 =	simm.s32 $0x78;
	s10 =	smul.u32 $0x13C00, s0  }
0x6: {  	s16 =	simm.s32 $0x13D00;
	s6 =	sand.u32 $0x1, s2;
	s30 =	smul.u32 $0x4F000, s0  }
0x7: {  	s17 =	simm.s32 $0x1;
	s2 =	rddreg [dreg:$0x3];
	s8 =	smul.u32 $0x2760, s6  }
0x8: {  	s18 =	simm.s32 $0x0;
	[smem:$0x7FF] =	sst s4;
	s9 =	smul.u32 $0x13C000, s6  }
0x9: {  	s11 =	sshll.u32 s0, $0x6;
	_ =	strace $0x80000047;
	s6 =	ssub.s32 $0x2, s6  }
0xa: {  	s31 =	sshrl.u32 s6, $0x1;
	s5 =	sadd.s32 s8, s5;
	s28 =	sadd.s32 s10, s9  }
0xb: {  	s9 =	sshrl.u32 s30, $0x2;
	s5 =	sshrl.u32 s5, $0x3;
	s8 =	sshrl.u32 s28, $0x3  }
0xc: {  	s12 =	sadd.s32 s9, s3;
	s29 =	sadd.s32 s5, s7;
	s5 =	sadd.s32 $0x1AC00, s7  }
0xd: {  	s7 =	sadd.s32 s8, s7;
	s8 =	ssub.s32 s6, s31;
	s6 =	sor.u32 $0x1C02, s11  }
0xe: {  	s11 =	sshrl.u32 s12, $0x3;
	s12 =	simm.s32 $0x2;
	s7 =	sadd.s32 $0x1D400, s7  }
0xf: {  	s8 =	smax.u32 s8, $0x1;
	s9 =	sadd.s32 $0x7000, s29;
	s10 =	sadd.s32 $0x10E00, s29  }
.LBB2_1:
0x10: {  	[spmem:s11], [sflag:s6] =	dma.local [hbm:s5], $0x2780  }
0x11: {  	_ =	swait.ge [sflag:s12], $0x2780  }
0x12: {  	[sflag:s12] =	ssyncset.done $0x0  }
0x13: {  	[sflag:s12] =	ssyncadd.s32 $0xFFFFD880  }
0x14: {  	s19 =	sadd.s32 $0x0, s10;
	[bflag:$0x0] =	sbarrier.arrive $0xFFFF  }
0x15: {  	[tilespmem:s13], [sflag:$0x2] =	stream.linear.gather [hbm4b:s19+s4], $0x78, $0x38;
	[tilespmem:$0x17900] =	vst v63  }
0x16: {  	_ =	swait.ge [sflag:s12], $0x78  }
0x17: {  	[sflag:s12] =	ssyncset.done $0x0  }
0x18: {  	s31 =	sadd.s32 $0x0, s9;
	[sflag:s12] =	ssyncadd.s32 $0xFFFFFF88  }
0x19: {  	[tilespmem:s14], [sflag:$0x2] =	stream.linear.gather [hbm4b:s31+s4], $0x78, $0x38;
	[tilespmem:$0x17900] =	vst v63  }
0x1a: {  	_ =	swait.ge [sflag:s12], $0x78  }
0x1b: {  	[sflag:s12] =	ssyncset.done $0x0  }
0x1c: {  	[sflag:s12] =	ssyncadd.s32 $0xFFFFFF88  }
0x1d: {  	[tilespmem:s16], [sflag:$0x1] =	stream.indirect.gather [hbm4b:s1+s15], $0x80, s13, s15, $0xb8;
	[tilespmem:$0x17900] =	vst v63  }
0x1e: {  	_ =	swait.ge [sflag:s17], $0x3C00  }
0x1f: {  	[sflag:s17] =	ssyncset.done $0x0  }
0x20: {  	[sflag:s17] =	ssyncadd.s32 $0xFFFFC400  }
0x21: {  	[spmem:s3] =	stream.indirect.scatter.add.f32 [tilespmem:s16], [sflag:$0x2], $0x80, s14, s15, $0xb8;
	[tilespmem:$0x17900] =	vst v63  }
0x22: {  	_ =	swait.ge [sflag:s12], $0x3C00  }
0x23: {  	s20 =	simm.s32 $0x1E;
	s19 =	simm.s32 $0xF;
	[sflag:s12] =	ssyncset.done $0x0  }
.LBB2_2:
0x24: {  	s21 =	sadd.s32 s19, s10  }
0x25: {  	[sflag:s12] =	ssyncadd.s32 $0xFFFFC400;
	s22 =	smov.u32 s20;
	s23 =	sadd.s32 $0xF, s20  }
0x26: {  	[tilespmem:s13], [sflag:$0x2] =	stream.linear.gather [hbm4b:s21+s4], $0x78, $0x38;
	[tilespmem:$0x17900] =	vst v63  }
0x27: {  	p0 =	sne.s32 s20, $0x4DD;
	_ =	swait.ge [sflag:s12], $0x78  }
0x28: {  	[sflag:s12] =	ssyncset.done $0x0  }
0x29: {  	s20 =	sadd.s32 s19, s9;
	s19 =	smov.u32 s22;
	[sflag:s12] =	ssyncadd.s32 $0xFFFFFF88  }
0x2a: {  	[tilespmem:s14], [sflag:$0x2] =	stream.linear.gather [hbm4b:s20+s4], $0x78, $0x38;
	[tilespmem:$0x17900] =	vst v63  }
0x2b: {  	_ =	swait.ge [sflag:s12], $0x78  }
0x2c: {  	[sflag:s12] =	ssyncset.done $0x0  }
0x2d: {  	[sflag:s12] =	ssyncadd.s32 $0xFFFFFF88  }
0x2e: {  	[tilespmem:s16], [sflag:$0x1] =	stream.indirect.gather [hbm4b:s1+s15], $0x80, s13, s15, $0xb8;
	[tilespmem:$0x17900] =	vst v63  }
0x2f: {  	_ =	swait.ge [sflag:s17], $0x3C00  }
.Ltmp0:
0x30: {  	[sflag:s17] =	ssyncset.done $0x0;
	(pc) =	sbr.rel @p0 .LBB2_2-.Ltmp0, $4  }
0x31: {  	[sflag:s17] =	ssyncadd.s32 $0xFFFFC400  }
0x32: {  	[spmem:s3] =	stream.indirect.scatter.add.f32 [tilespmem:s16], [sflag:$0x2], $0x80, s14, s15, $0xb8;
	[tilespmem:$0x17900] =	vst v63  }
0x33: {  	_ =	swait.ge [sflag:s12], $0x3C00  }
0x34: {  	s20 =	smov.u32 s23;
	[sflag:s12] =	ssyncset.done $0x0  }
0x35: {  	s20 =	sadd.s32 s19, s10;
	[sflag:s12] =	ssyncadd.s32 $0xFFFFC400  }
0x36: {  	[tilespmem:s13], [sflag:$0x2] =	stream.linear.gather [hbm4b:s20+s4], $0x78, $0x38;
	[tilespmem:$0x17900] =	vst v63  }
0x37: {  	_ =	swait.ge [sflag:s12], $0x78  }
0x38: {  	[sflag:s12] =	ssyncset.done $0x0  }
0x39: {  	s31 =	sadd.s32 s19, s9;
	[sflag:s12] =	ssyncadd.s32 $0xFFFFFF88  }
0x3a: {  	[tilespmem:s14], [sflag:$0x2] =	stream.linear.gather [hbm4b:s31+s4], $0x78, $0x38;
	[tilespmem:$0x17900] =	vst v63  }
0x3b: {  	_ =	swait.ge [sflag:s12], $0x78  }
0x3c: {  	[sflag:s12] =	ssyncset.done $0x0  }
0x3d: {  	[sflag:s12] =	ssyncadd.s32 $0xFFFFFF88  }
0x3e: {  	[tilespmem:s16], [sflag:$0x1] =	stream.indirect.gather [hbm4b:s1+s15], $0x80, s13, s15, $0xb8;
	[tilespmem:$0x17900] =	vst v63  }
0x3f: {  	_ =	swait.ge [sflag:s17], $0x3C00  }
0x40: {  	[sflag:s17] =	ssyncset.done $0x0  }
0x41: {  	[sflag:s17] =	ssyncadd.s32 $0xFFFFC400  }
0x42: {  	[spmem:s3] =	stream.indirect.scatter.add.f32 [tilespmem:s16], [sflag:$0x2], $0x80, s14, s15, $0xb8;
	[tilespmem:$0x17900] =	vst v63  }
0x43: {  	_ =	swait.ge [sflag:s12], $0x3C00  }
0x44: {  	s18 =	sadd.s32 $0x1, s18;
	[sflag:s12] =	ssyncset.done $0x0  }
0x45: {  	p0 =	sne.s32 s18, s8;
	[sflag:s12] =	ssyncadd.s32 $0xFFFFC400  }
.Ltmp1:
0x46: {  	[bflag:$0x0] =	sbarrier.arrive $0xFFFF;
	(pc) =	sbr.rel @p0 .LBB2_1-.Ltmp1, $4  }
0x47: {  	[hbm:s7], [sflag:s6] =	dma.local [spmem:s11], $0x2780  }
0x48: {  	_ =	swait.ge [sflag:s12], $0x2780  }
0x49: {  	[sflag:s12] =	ssyncset.done $0x0  }
0x4a: {  	[sflag:s12] =	ssyncadd.s32 $0xFFFFD880  }
0x4b: {  	_ =	sfence.sel $0x180000  }
0x4c: {  	[bflag:$0x0] =	sbarrier.arrive $0xFFFF  }
0x4d: {  	p0 =	sne.s32 s0, $0x0;
	_ =	strace $0x90000047  }
0x4e: {  	s0 =	sadd.s32 @!p0 $0x100000, s2;
	[bflag:$0x2] =	sbarrier.arrive $0xFFFF  }
0x4f: {  	[sflag:s0] =	ssyncadd.tile.s32 @!p0 $0x1;
	_ =	shalt  }
.Lfunc_end2:
_tile_overlayer_lowered:
.L_overlay_start_2:
0x50: {  	(tag) =	ssettag $0x2  }
0x51: {  	s0 =	rddreg [dreg:$0x0];
	s2 =	stileid.u32  }
0x52: {  	s1 =	rddreg [dreg:$0x1];
	p0 =	sne.s32 s2, $0x0  }
0x53: {  	s3 =	rddreg [dreg:$0x2];
	[bflag:$0x3] =	sbarrier.arrive $0xFFFF;
	s2 =	simm.s32 @!p0 $0x1C02  }
0x54: {  	[timem:s3], [sflag:s2] =	dma.local @!p0 [hbm:s0], s1  }
0x55: {  	s0 =	simm.s32 @!p0 $0x2  }
0x56: {  	_ =	swait.ge @!p0 [sflag:s0], s1  }
0x57: {  	s1 =	ssub.s32 @!p0 $0x0, s1;
	[sflag:s0] =	ssyncset.done @!p0 $0x0  }
0x58: {  	[sflag:s0] =	ssyncadd.s32 @!p0 s1  }
0x59: {  	[bflag:$0x3] =	sbarrier.arrive $0xFFFF  }
0x5a: {  	_ =	shalt  }

// kernel: kernel.18.cloned.1.call-start
scs
__scs_entry_jumppad:
0x0: {  	(pc) =	sbr.rel $0x88, $3  }
0x1: {  	(tag) =	ssettag $0x0;
	lr =	simm.s32 $0x1  }
0x2: {  	[smem:$0x3F91] =	sst lr;
	_ =	strace $0xD0000000  }
0x3: {  	_ = 	snop  }
0x4: {  	_ = 	snop  }
0x5: {  	_ = 	snop  }
0x6: {  	_ = 	snop  }
0x7: {  	_ = 	snop  }
__scs_overlays_trampoline_lowered:
0x8: {  	[smem:$0x3FA0] =	sst s0  }
0x9: {  	[smem:$0x3FA1] =	sst s1  }
0xa: {  	[smem:$0x3FA2] =	sst s2  }
0xb: {  	[smem:$0x3FA3] =	sst s3  }
0xc: {  	[smem:$0x3FA4] =	sst s4  }
0xd: {  	[smem:$0x3FA5] =	sst s5  }
0xe: {  	[smem:$0x3FA6] =	sst s6  }
0xf: {  	[smem:$0x3FA7] =	sst s7  }
0x10: {  	[smem:$0x3FA8] =	sst s8  }
0x11: {  	[smem:$0x3FA9] =	sst s9;
	s0 =	simm.s32 @!p0 $0x0  }
0x12: {  	s1 =	sld [smem:$0x3F8F];
	s0 =	simm.s32 @p0 $0x1  }
0x13: {  	[smem:$0x3FAA] =	sst s0;
	s0 =	simm.s32 @!p1 $0x0  }
0x14: {  	s2 =	sld [smem:$0x3F8E];
	s0 =	simm.s32 @p1 $0x1  }
0x15: {  	[smem:$0x3FAB] =	sst s0;
	s0 =	simm.s32 @!p2 $0x0  }
0x16: {  	s3 =	sld [smem:$0x3FDB];
	s0 =	simm.s32 @p2 $0x1  }
0x17: {  	s4 =	simm.s32 $0x1BF5;
	[smem:$0x3FAD] =	sst s0  }
0x18: {  	s0 =	sld [smem:$0x3F90];
	_ =	swait.ge [sflag:s4], $0x0  }
0x19: {  	s7 =	sld [smem:$0x3F91]  }
0x1a: {  	s8 =	sadd.s32 $0xFFFFE003, lr  }
0x1b: {  	s9 =	sadd.s32 $0xFFFFFEF7, lr;
	s5 =	simm.s32 $0xFFFFFFFF;
	p2 =	slt.u32 s8, $0xFFFFF086  }
0x1c: {  	p1 =	slt.u32 s9, $0xF7A;
	s5 =	simm.s32 @!p2 $0x0  }
0x1d: {  	s5 =	simm.s32 @p1 $0x1;
	p0 =	seq.s32 s7, s2  }
0x1e: {  	s7 =	smul.u32 @!p0 $0xF7A, s2;
	p2 =	seq.s32 @!p0 s5, $0x0  }
0x1f: {  	s9 =	smul.u32 $0xF7A, s1;
	s8 =	simm.s32 @!p0 $0x1BF5;
	p2 =	por !p2, p0  }
0x20: {  	[sflag:s8] =	ssyncset.s32 @!p0 $0xFFFFF086;
	s6 =	sadd.s32 @!p0 s3, s7;
	s7 =	simm.s32 @!p0 $0x108  }
0x21: {  	s3 =	sadd.s32 s3, s9;
	s6 =	sadd.s32 @!p0 $0x88, s6;
	s7 =	simm.s32 @p2 $0x1082  }
0x22: {  	[simem:s7], [sflag:s8] =	dma.local @!p0 [hbm:s6], $0xF7A  }
0x23: {  	s9 =	sor.u32 $0xD0000000, s2;
	s6 =	simm.s32 $0x108;
	_ =	swait.ge @!p0 [sflag:s8], $0x0  }
0x24: {  	s3 =	sadd.s32 $0x88, s3;
	s6 =	simm.s32 @!p1 $0x1082;
	[sflag:s4] =	ssyncset.s32 $0xFFFFF086  }
0x25: {  	[simem:s6], [sflag:s4] =	dma.local [hbm:s3], $0xF7A  }
0x26: {  	[smem:$0x3F91] =	sst s1;
	(tag) =	ssettag s2;
	_ =	strace s9  }
0x27: {  	s1 =	sld [smem:$0x3FA1]  }
0x28: {  	s2 =	sld [smem:$0x3FA2]  }
0x29: {  	s4 =	sld [smem:$0x3FA4]  }
0x2a: {  	p0 =	seq.s32 s5, $0x0;
	s5 =	sld [smem:$0x3FA5]  }
0x2b: {  	s6 =	sld [smem:$0x3FA6]  }
0x2c: {  	s7 =	sld [smem:$0x3FA7]  }
0x2d: {  	s3 =	simm.s32 $0x108;
	s8 =	sld [smem:$0x3FA8]  }
0x2e: {  	s3 =	simm.s32 @!p0 $0x1082;
	s9 =	sld [smem:$0x3FA9]  }
0x2f: {  	lr =	sadd.s32 s0, s3;
	s0 =	sld [smem:$0x3FA0]  }
0x30: {  	s3 =	sld [smem:$0x3FA3]  }
0x31: {  	[smem:$0x3FAC] =	sst s10  }
0x32: {  	s10 =	sld [smem:$0x3FAA];
	_ =	sdelay $0x3  }
0x33: {  	p0 =	seq.s32 s10, $0x1;
	s10 =	sld [smem:$0x3FAC];
	_ =	sdelay $0x3  }
0x34: {  	[smem:$0x3FAC] =	sst s10  }
0x35: {  	s10 =	sld [smem:$0x3FAB];
	_ =	sdelay $0x3  }
0x36: {  	p1 =	seq.s32 s10, $0x1;
	s10 =	sld [smem:$0x3FAC];
	_ =	sdelay $0x3  }
0x37: {  	[smem:$0x3FAC] =	sst s10  }
0x38: {  	s10 =	sld [smem:$0x3FAD]  }
0x39: {  	_ = 	snop;
	(pc) =	sbr.ind lr, $3  }
0x3a: {  	_ = 	snop  }
0x3b: {  	_ = 	snop  }
0x3c: {  	p2 =	seq.s32 s10, $0x1;
	s10 =	sld [smem:$0x3FAC]  }
0x3d: {  	_ =	shalt  }
0x3e: {  	_ =	shalt  }
0x3f: {  	_ =	shalt  }
0x40: {  	_ =	shalt  }
0x41: {  	_ =	shalt  }
0x42: {  	_ =	shalt  }
0x43: {  	_ =	shalt  }
0x44: {  	_ =	shalt  }
0x45: {  	_ =	shalt  }
0x46: {  	_ =	shalt  }
0x47: {  	_ =	shalt  }
0x48: {  	_ =	shalt  }
0x49: {  	_ =	shalt  }
0x4a: {  	_ =	shalt  }
0x4b: {  	_ =	shalt  }
0x4c: {  	_ =	shalt  }
0x4d: {  	_ =	shalt  }
0x4e: {  	_ =	shalt  }
0x4f: {  	_ =	shalt  }
0x50: {  	_ =	shalt  }
0x51: {  	_ =	shalt  }
0x52: {  	_ =	shalt  }
0x53: {  	_ =	shalt  }
0x54: {  	_ =	shalt  }
0x55: {  	_ =	shalt  }
0x56: {  	_ =	shalt  }
0x57: {  	_ =	shalt  }
0x58: {  	_ =	shalt  }
0x59: {  	_ =	shalt  }
0x5a: {  	_ =	shalt  }
0x5b: {  	_ =	shalt  }
0x5c: {  	_ =	shalt  }
0x5d: {  	_ =	shalt  }
0x5e: {  	_ =	shalt  }
0x5f: {  	_ =	shalt  }
0x60: {  	_ =	shalt  }
0x61: {  	_ =	shalt  }
0x62: {  	_ =	shalt  }
0x63: {  	_ =	shalt  }
0x64: {  	_ =	shalt  }
0x65: {  	_ =	shalt  }
0x66: {  	_ =	shalt  }
0x67: {  	_ =	shalt  }
0x68: {  	_ =	shalt  }
0x69: {  	_ =	shalt  }
0x6a: {  	_ =	shalt  }
0x6b: {  	_ =	shalt  }
0x6c: {  	_ =	shalt  }
0x6d: {  	_ =	shalt  }
0x6e: {  	_ =	shalt  }
0x6f: {  	_ =	shalt  }
0x70: {  	_ =	shalt  }
0x71: {  	_ =	shalt  }
0x72: {  	_ =	shalt  }
0x73: {  	_ =	shalt  }
0x74: {  	_ =	shalt  }
0x75: {  	_ =	shalt  }
0x76: {  	_ =	shalt  }
0x77: {  	_ =	shalt  }
0x78: {  	_ =	shalt  }
0x79: {  	_ =	shalt  }
0x7a: {  	_ =	shalt  }
0x7b: {  	_ =	shalt  }
0x7c: {  	_ =	shalt  }
0x7d: {  	_ =	shalt  }
0x7e: {  	_ =	shalt  }
0x7f: {  	_ =	shalt  }
0x80: {  	_ =	shalt  }
0x81: {  	_ =	shalt  }
0x82: {  	_ =	shalt  }
0x83: {  	_ =	shalt  }
0x84: {  	_ =	shalt  }
0x85: {  	_ =	shalt  }
0x86: {  	_ =	shalt  }
0x87: {  	_ =	shalt  }
.Lfunc_end0:
.L_simem_size_0:
called_computation.1_lowered:
.L_overlay_start_0:
0x88: {  	s2 =	sld [smem:$0x3FD9]  }
0x89: {  	s3 =	sld [smem:$0x3FFE];
	_ =	sdelay $0x1  }
0x8a: {  	s1 =	srdreg.scid  }
0x8b: {  	s0 =	sand.u32 $0x1, s1  }
0x8c: {  	s17 =	sshll.u32 s0, $0xA;
	s2 =	sadd.s32 s3, s2  }
0x8d: {  	s2 =	sadd.s32 s2, s17  }
0x8e: {  	[smem:$0x3FB8] =	sst s2  }
0x8f: {  	_ = 	snop  }
0x90: {  	s2 =	sld [smem:$0x3FD0];
	(tm) =	ssettm $0x1  }
0x91: {  	s18 =	sld [smem:$0x3FFB];
	_ =	sdelay $0x3  }
0x92: {  	_ =	strace s18  }
0x93: {  	s3 =	sld [smem:$0x3FFC];
	_ =	sdelay $0x3  }
0x94: {  	_ =	strace s3  }
0x95: {  	s3 =	sld [smem:$0x3FFD];
	_ =	sdelay $0x3  }
0x96: {  	_ =	strace s3  }
0x97: {  	_ =	strace $0x8FFFFFFF  }
0x98: {  	s19 =	sld [smem:$0x3FDB];
	_ =	sdelay $0x1  }
0x99: {  	s4 =	simm.s32 $_scs_section_size  }
0x9a: {  	s5 =	simm.s32 $_size__tile_overlayer_lowered;
	s6 =	simm.s32 $_tile_overlayer_lowered  }
0x9b: {  	s22 =	simm.s32 $0x1BFF;
	s21 =	sshll.u32 s6, $0x1;
	s3 =	sadd.s32 s4, s19  }
0x9c: {  	s7 =	simm.s32 $0x0;
	s20 =	sshll.u32 s5, $0x1;
	s5 =	sadd.s32 s21, s3  }
0x9d: {  	[timem:s7], [sflag:s22] =	dma.local [hbm:s5], s20  }
0x9e: {  	_ =	swait.ge [sflag:s22], s20  }
0x9f: {  	s4 =	ssub.s32 $0x0, s20;
	[sflag:s22] =	ssyncset.done $0x0  }
0xa0: {  	[sflag:s22] =	ssyncadd.s32 s4;
	_ =	sdelay $0x1  }
0xa1: {  	s23 =	simm.s32 $0x1B8B  }
0xa2: {  	_ =	swait.ge [sflag:s23], $0x1  }
0xa3: {  	[sflag:s23] =	ssyncset.done $0x0  }
0xa4: {  	s25 =	simm.s32 $0x1B8E;
	s24 =	sld [smem:$0x3FFE];
	[sflag:s23] =	ssyncadd.s32 $0xFFFFFFFF  }
0xa5: {  	s26 =	simm.s32 $execute0_lowered;
	[smem:$0x3FD2] =	sst s25  }
0xa6: {  	s5 =	sshll.u32 s26, $0x1;
	_ =	strace $0x80000049;
	[dreg:$0x1] =	wrdreg $0xFFFFFFFF  }
0xa7: {  	s28 =	simm.s32 $_size_execute0_lowered;
	s3 =	sadd.s32 s3, s5;
	[dreg:$0x0] =	wrdreg $0x0  }
0xa8: {  	s5 =	sshll.u32 s28, $0x1;
	[dreg:$0x2] =	wrdreg s3  }
0xa9: {  	[dreg:$0x3] =	wrdreg s5  }
0xaa: {  	[dreg:$0x4] =	wrdreg $0xC0  }
0xab: {  	_ =	task [dreg:s7], $0x5FFFF  }
0xac: {  	[dreg:$0x1] =	wrdreg $0xFFFFFFFF  }
0xad: {  	[dreg:$0x0] =	wrdreg $0x60  }
0xae: {  	[dreg:$0x2] =	wrdreg s2  }
0xaf: {  	[dreg:$0x3] =	wrdreg s24  }
0xb0: {  	[dreg:$0x4] =	wrdreg $0x0  }
0xb1: {  	[dreg:$0x5] =	wrdreg $0x9  }
0xb2: {  	_ =	task.clear_ibuf [dreg:s7], $0x6FFFF;
	_ =	strace $0x90000049  }
0xb3: {  	s29 =	simm.s32 $0x9;
	_ =	strace $0x8000004B  }
0xb4: {  	_ =	swait.ge [sflag:s29], $0x1  }
0xb5: {  	[sflag:s29] =	ssyncadd.s32 $0xFFFFFFFF  }
0xb6: {  	_ =	strace $0x9000004B  }
0xb7: {  	_ =	sfence  }
0xb8: {  	s30 =	sld [smem:$0x0];
	_ =	sdelay $0x2  }
0xb9: {  	s31 =	sshll.u32 s1, $0xD;
	s1 =	sshrl.u32 s1, $0x2  }
0xba: {  	s3 =	sand.u32 $0x4000, s31;
	s1 =	sadd.s32 s1, s30  }
0xbb: {  	s0 =	sor.u32 s3, s0;
	s1 =	sshll.u32 s1, $0x11  }
0xbc: {  	s0 =	sor.u32 s1, s0  }
0xbd: {  	s0 =	sadd.s32 $0x8F2B, s0  }
0xbe: {  	[sflag:s0] =	ssyncadd.remote.s32 $0x1  }
0xbf: {  	_ =	sfence.sel $0xFFFF  }
0xc0: {  	[dreg:$0x0] =	wrdreg $0xFFFFFFFF;
	(pc) =	sbr.abs _section_cstart, $3  }
0xc1: {  	[dreg:$0x1] =	wrdreg $0xFFFFFFFF  }
0xc2: {  	_ =	task.clear_ibuf [dreg:s7], $0x2FFFF;
	_ =	strace $0x9FFFFFFF  }
0xc3: {  	(tm) =	ssettm $0x7FFFFFFF  }
tec
execute0_lowered:
.L_overlay_start_1:
0x0: {  	(tag) =	ssettag $0x1  }
0x1: {  	s1 =	rddreg [dreg:$0x0]  }
0x2: {  	s2 =	srdreg.scid;
	s7 =	rddreg [dreg:$0x1]  }
0x3: {  	s0 =	stileid.u32;
	s3 =	rddreg [dreg:$0x2]  }
0x4: {  	s4 =	simm.s32 $0x0;
	s13 =	simm.s32 $0x13C00;
	s5 =	smul.u32 $0x4EC0, s0  }
0x5: {  	s14 =	simm.s32 $0x13C80;
	s15 =	simm.s32 $0x78;
	s10 =	smul.u32 $0x13C00, s0  }
0x6: {  	s16 =	simm.s32 $0x13D00;
	s6 =	sand.u32 $0x1, s2;
	s30 =	smul.u32 $0x4F000, s0  }
0x7: {  	s17 =	simm.s32 $0x1;
	s2 =	rddreg [dreg:$0x3];
	s8 =	smul.u32 $0x2760, s6  }
0x8: {  	s18 =	simm.s32 $0x0;
	[smem:$0x7FF] =	sst s4;
	s9 =	smul.u32 $0x13C000, s6  }
0x9: {  	s11 =	sshll.u32 s0, $0x6;
	_ =	strace $0x8000004A;
	s6 =	ssub.s32 $0x2, s6  }
0xa: {  	s31 =	sshrl.u32 s6, $0x1;
	s5 =	sadd.s32 s8, s5;
	s28 =	sadd.s32 s10, s9  }
0xb: {  	s9 =	sshrl.u32 s30, $0x2;
	s5 =	sshrl.u32 s5, $0x3;
	s8 =	sshrl.u32 s28, $0x3  }
0xc: {  	s12 =	sadd.s32 s9, s3;
	s29 =	sadd.s32 s5, s7;
	s5 =	sadd.s32 $0x1AC00, s7  }
0xd: {  	s7 =	sadd.s32 s8, s7;
	s8 =	ssub.s32 s6, s31;
	s6 =	sor.u32 $0x1C02, s11  }
0xe: {  	s11 =	sshrl.u32 s12, $0x3;
	s12 =	simm.s32 $0x2;
	s7 =	sadd.s32 $0x1D400, s7  }
0xf: {  	s8 =	smax.u32 s8, $0x1;
	s9 =	sadd.s32 $0x7000, s29;
	s10 =	sadd.s32 $0x10E00, s29  }
.LBB2_1:
0x10: {  	[spmem:s11], [sflag:s6] =	dma.local [hbm:s5], $0x2780  }
0x11: {  	_ =	swait.ge [sflag:s12], $0x2780  }
0x12: {  	[sflag:s12] =	ssyncset.done $0x0  }
0x13: {  	[sflag:s12] =	ssyncadd.s32 $0xFFFFD880  }
0x14: {  	s19 =	sadd.s32 $0x0, s10;
	[bflag:$0x0] =	sbarrier.arrive $0xFFFF  }
0x15: {  	[tilespmem:s13], [sflag:$0x2] =	stream.linear.gather [hbm4b:s19+s4], $0x78, $0x38;
	[tilespmem:$0x17900] =	vst v63  }
0x16: {  	_ =	swait.ge [sflag:s12], $0x78  }
0x17: {  	[sflag:s12] =	ssyncset.done $0x0  }
0x18: {  	s31 =	sadd.s32 $0x0, s9;
	[sflag:s12] =	ssyncadd.s32 $0xFFFFFF88  }
0x19: {  	[tilespmem:s14], [sflag:$0x2] =	stream.linear.gather [hbm4b:s31+s4], $0x78, $0x38;
	[tilespmem:$0x17900] =	vst v63  }
0x1a: {  	_ =	swait.ge [sflag:s12], $0x78  }
0x1b: {  	[sflag:s12] =	ssyncset.done $0x0  }
0x1c: {  	[sflag:s12] =	ssyncadd.s32 $0xFFFFFF88  }
0x1d: {  	[tilespmem:s16], [sflag:$0x1] =	stream.indirect.gather [hbm4b:s1+s15], $0x80, s13, s15, $0xb8;
	[tilespmem:$0x17900] =	vst v63  }
0x1e: {  	_ =	swait.ge [sflag:s17], $0x3C00  }
0x1f: {  	[sflag:s17] =	ssyncset.done $0x0  }
0x20: {  	[sflag:s17] =	ssyncadd.s32 $0xFFFFC400  }
0x21: {  	[spmem:s3] =	stream.indirect.scatter.add.f32 [tilespmem:s16], [sflag:$0x2], $0x80, s14, s15, $0xb8;
	[tilespmem:$0x17900] =	vst v63  }
0x22: {  	_ =	swait.ge [sflag:s12], $0x3C00  }
0x23: {  	s20 =	simm.s32 $0x1E;
	s19 =	simm.s32 $0xF;
	[sflag:s12] =	ssyncset.done $0x0  }
.LBB2_2:
0x24: {  	s21 =	sadd.s32 s19, s10  }
0x25: {  	[sflag:s12] =	ssyncadd.s32 $0xFFFFC400;
	s22 =	smov.u32 s20;
	s23 =	sadd.s32 $0xF, s20  }
0x26: {  	[tilespmem:s13], [sflag:$0x2] =	stream.linear.gather [hbm4b:s21+s4], $0x78, $0x38;
	[tilespmem:$0x17900] =	vst v63  }
0x27: {  	p0 =	sne.s32 s20, $0x4DD;
	_ =	swait.ge [sflag:s12], $0x78  }
0x28: {  	[sflag:s12] =	ssyncset.done $0x0  }
0x29: {  	s20 =	sadd.s32 s19, s9;
	s19 =	smov.u32 s22;
	[sflag:s12] =	ssyncadd.s32 $0xFFFFFF88  }
0x2a: {  	[tilespmem:s14], [sflag:$0x2] =	stream.linear.gather [hbm4b:s20+s4], $0x78, $0x38;
	[tilespmem:$0x17900] =	vst v63  }
0x2b: {  	_ =	swait.ge [sflag:s12], $0x78  }
0x2c: {  	[sflag:s12] =	ssyncset.done $0x0  }
0x2d: {  	[sflag:s12] =	ssyncadd.s32 $0xFFFFFF88  }
0x2e: {  	[tilespmem:s16], [sflag:$0x1] =	stream.indirect.gather [hbm4b:s1+s15], $0x80, s13, s15, $0xb8;
	[tilespmem:$0x17900] =	vst v63  }
0x2f: {  	_ =	swait.ge [sflag:s17], $0x3C00  }
.Ltmp0:
0x30: {  	[sflag:s17] =	ssyncset.done $0x0;
	(pc) =	sbr.rel @p0 .LBB2_2-.Ltmp0, $4  }
0x31: {  	[sflag:s17] =	ssyncadd.s32 $0xFFFFC400  }
0x32: {  	[spmem:s3] =	stream.indirect.scatter.add.f32 [tilespmem:s16], [sflag:$0x2], $0x80, s14, s15, $0xb8;
	[tilespmem:$0x17900] =	vst v63  }
0x33: {  	_ =	swait.ge [sflag:s12], $0x3C00  }
0x34: {  	s20 =	smov.u32 s23;
	[sflag:s12] =	ssyncset.done $0x0  }
0x35: {  	s20 =	sadd.s32 s19, s10;
	[sflag:s12] =	ssyncadd.s32 $0xFFFFC400  }
0x36: {  	[tilespmem:s13], [sflag:$0x2] =	stream.linear.gather [hbm4b:s20+s4], $0x78, $0x38;
	[tilespmem:$0x17900] =	vst v63  }
0x37: {  	_ =	swait.ge [sflag:s12], $0x78  }
0x38: {  	[sflag:s12] =	ssyncset.done $0x0  }
0x39: {  	s31 =	sadd.s32 s19, s9;
	[sflag:s12] =	ssyncadd.s32 $0xFFFFFF88  }
0x3a: {  	[tilespmem:s14], [sflag:$0x2] =	stream.linear.gather [hbm4b:s31+s4], $0x78, $0x38;
	[tilespmem:$0x17900] =	vst v63  }
0x3b: {  	_ =	swait.ge [sflag:s12], $0x78  }
0x3c: {  	[sflag:s12] =	ssyncset.done $0x0  }
0x3d: {  	[sflag:s12] =	ssyncadd.s32 $0xFFFFFF88  }
0x3e: {  	[tilespmem:s16], [sflag:$0x1] =	stream.indirect.gather [hbm4b:s1+s15], $0x80, s13, s15, $0xb8;
	[tilespmem:$0x17900] =	vst v63  }
0x3f: {  	_ =	swait.ge [sflag:s17], $0x3C00  }
0x40: {  	[sflag:s17] =	ssyncset.done $0x0  }
0x41: {  	[sflag:s17] =	ssyncadd.s32 $0xFFFFC400  }
0x42: {  	[spmem:s3] =	stream.indirect.scatter.add.f32 [tilespmem:s16], [sflag:$0x2], $0x80, s14, s15, $0xb8;
	[tilespmem:$0x17900] =	vst v63  }
0x43: {  	_ =	swait.ge [sflag:s12], $0x3C00  }
0x44: {  	s18 =	sadd.s32 $0x1, s18;
	[sflag:s12] =	ssyncset.done $0x0  }
0x45: {  	p0 =	sne.s32 s18, s8;
	[sflag:s12] =	ssyncadd.s32 $0xFFFFC400  }
.Ltmp1:
0x46: {  	[bflag:$0x0] =	sbarrier.arrive $0xFFFF;
	(pc) =	sbr.rel @p0 .LBB2_1-.Ltmp1, $4  }
0x47: {  	[hbm:s7], [sflag:s6] =	dma.local [spmem:s11], $0x2780  }
0x48: {  	_ =	swait.ge [sflag:s12], $0x2780  }
0x49: {  	[sflag:s12] =	ssyncset.done $0x0  }
0x4a: {  	[sflag:s12] =	ssyncadd.s32 $0xFFFFD880  }
0x4b: {  	_ =	sfence.sel $0x180000  }
0x4c: {  	[bflag:$0x0] =	sbarrier.arrive $0xFFFF  }
0x4d: {  	p0 =	sne.s32 s0, $0x0;
	_ =	strace $0x9000004A  }
0x4e: {  	s0 =	sadd.s32 @!p0 $0x100000, s2;
	[bflag:$0x2] =	sbarrier.arrive $0xFFFF  }
0x4f: {  	[sflag:s0] =	ssyncadd.tile.s32 @!p0 $0x1;
	_ =	shalt  }
.Lfunc_end2:
_tile_overlayer_lowered:
.L_overlay_start_2:
0x50: {  	(tag) =	ssettag $0x2  }
0x51: {  	s0 =	rddreg [dreg:$0x0];
	s2 =	stileid.u32  }
0x52: {  	s1 =	rddreg [dreg:$0x1];
	p0 =	sne.s32 s2, $0x0  }
0x53: {  	s3 =	rddreg [dreg:$0x2];
	[bflag:$0x3] =	sbarrier.arrive $0xFFFF;
	s2 =	simm.s32 @!p0 $0x1C02  }
0x54: {  	[timem:s3], [sflag:s2] =	dma.local @!p0 [hbm:s0], s1  }
0x55: {  	s0 =	simm.s32 @!p0 $0x2  }
0x56: {  	_ =	swait.ge @!p0 [sflag:s0], s1  }
0x57: {  	s1 =	ssub.s32 @!p0 $0x0, s1;
	[sflag:s0] =	ssyncset.done @!p0 $0x0  }
0x58: {  	[sflag:s0] =	ssyncadd.s32 @!p0 s1  }
0x59: {  	[bflag:$0x3] =	sbarrier.arrive $0xFFFF  }
0x5a: {  	_ =	shalt  }

// kernel: kernel.21.cloned.1.call-start
scs
__scs_entry_jumppad:
0x0: {  	(pc) =	sbr.rel $0x88, $3  }
0x1: {  	(tag) =	ssettag $0x0;
	lr =	simm.s32 $0x1  }
0x2: {  	[smem:$0x3F91] =	sst lr;
	_ =	strace $0xD0000000  }
0x3: {  	_ = 	snop  }
0x4: {  	_ = 	snop  }
0x5: {  	_ = 	snop  }
0x6: {  	_ = 	snop  }
0x7: {  	_ = 	snop  }
__scs_overlays_trampoline_lowered:
0x8: {  	[smem:$0x3FA0] =	sst s0  }
0x9: {  	[smem:$0x3FA1] =	sst s1  }
0xa: {  	[smem:$0x3FA2] =	sst s2  }
0xb: {  	[smem:$0x3FA3] =	sst s3  }
0xc: {  	[smem:$0x3FA4] =	sst s4  }
0xd: {  	[smem:$0x3FA5] =	sst s5  }
0xe: {  	[smem:$0x3FA6] =	sst s6  }
0xf: {  	[smem:$0x3FA7] =	sst s7  }
0x10: {  	[smem:$0x3FA8] =	sst s8  }
0x11: {  	[smem:$0x3FA9] =	sst s9;
	s0 =	simm.s32 @!p0 $0x0  }
0x12: {  	s1 =	sld [smem:$0x3F8F];
	s0 =	simm.s32 @p0 $0x1  }
0x13: {  	[smem:$0x3FAA] =	sst s0;
	s0 =	simm.s32 @!p1 $0x0  }
0x14: {  	s2 =	sld [smem:$0x3F8E];
	s0 =	simm.s32 @p1 $0x1  }
0x15: {  	[smem:$0x3FAB] =	sst s0;
	s0 =	simm.s32 @!p2 $0x0  }
0x16: {  	s3 =	sld [smem:$0x3FDB];
	s0 =	simm.s32 @p2 $0x1  }
0x17: {  	s4 =	simm.s32 $0x1BF5;
	[smem:$0x3FAD] =	sst s0  }
0x18: {  	s0 =	sld [smem:$0x3F90];
	_ =	swait.ge [sflag:s4], $0x0  }
0x19: {  	s7 =	sld [smem:$0x3F91]  }
0x1a: {  	s8 =	sadd.s32 $0xFFFFE003, lr  }
0x1b: {  	s9 =	sadd.s32 $0xFFFFFEF7, lr;
	s5 =	simm.s32 $0xFFFFFFFF;
	p2 =	slt.u32 s8, $0xFFFFF086  }
0x1c: {  	p1 =	slt.u32 s9, $0xF7A;
	s5 =	simm.s32 @!p2 $0x0  }
0x1d: {  	s5 =	simm.s32 @p1 $0x1;
	p0 =	seq.s32 s7, s2  }
0x1e: {  	s7 =	smul.u32 @!p0 $0xF7A, s2;
	p2 =	seq.s32 @!p0 s5, $0x0  }
0x1f: {  	s9 =	smul.u32 $0xF7A, s1;
	s8 =	simm.s32 @!p0 $0x1BF5;
	p2 =	por !p2, p0  }
0x20: {  	[sflag:s8] =	ssyncset.s32 @!p0 $0xFFFFF086;
	s6 =	sadd.s32 @!p0 s3, s7;
	s7 =	simm.s32 @!p0 $0x108  }
0x21: {  	s3 =	sadd.s32 s3, s9;
	s6 =	sadd.s32 @!p0 $0x88, s6;
	s7 =	simm.s32 @p2 $0x1082  }
0x22: {  	[simem:s7], [sflag:s8] =	dma.local @!p0 [hbm:s6], $0xF7A  }
0x23: {  	s9 =	sor.u32 $0xD0000000, s2;
	s6 =	simm.s32 $0x108;
	_ =	swait.ge @!p0 [sflag:s8], $0x0  }
0x24: {  	s3 =	sadd.s32 $0x88, s3;
	s6 =	simm.s32 @!p1 $0x1082;
	[sflag:s4] =	ssyncset.s32 $0xFFFFF086  }
0x25: {  	[simem:s6], [sflag:s4] =	dma.local [hbm:s3], $0xF7A  }
0x26: {  	[smem:$0x3F91] =	sst s1;
	(tag) =	ssettag s2;
	_ =	strace s9  }
0x27: {  	s1 =	sld [smem:$0x3FA1]  }
0x28: {  	s2 =	sld [smem:$0x3FA2]  }
0x29: {  	s4 =	sld [smem:$0x3FA4]  }
0x2a: {  	p0 =	seq.s32 s5, $0x0;
	s5 =	sld [smem:$0x3FA5]  }
0x2b: {  	s6 =	sld [smem:$0x3FA6]  }
0x2c: {  	s7 =	sld [smem:$0x3FA7]  }
0x2d: {  	s3 =	simm.s32 $0x108;
	s8 =	sld [smem:$0x3FA8]  }
0x2e: {  	s3 =	simm.s32 @!p0 $0x1082;
	s9 =	sld [smem:$0x3FA9]  }
0x2f: {  	lr =	sadd.s32 s0, s3;
	s0 =	sld [smem:$0x3FA0]  }
0x30: {  	s3 =	sld [smem:$0x3FA3]  }
0x31: {  	[smem:$0x3FAC] =	sst s10  }
0x32: {  	s10 =	sld [smem:$0x3FAA];
	_ =	sdelay $0x3  }
0x33: {  	p0 =	seq.s32 s10, $0x1;
	s10 =	sld [smem:$0x3FAC];
	_ =	sdelay $0x3  }
0x34: {  	[smem:$0x3FAC] =	sst s10  }
0x35: {  	s10 =	sld [smem:$0x3FAB];
	_ =	sdelay $0x3  }
0x36: {  	p1 =	seq.s32 s10, $0x1;
	s10 =	sld [smem:$0x3FAC];
	_ =	sdelay $0x3  }
0x37: {  	[smem:$0x3FAC] =	sst s10  }
0x38: {  	s10 =	sld [smem:$0x3FAD]  }
0x39: {  	_ = 	snop;
	(pc) =	sbr.ind lr, $3  }
0x3a: {  	_ = 	snop  }
0x3b: {  	_ = 	snop  }
0x3c: {  	p2 =	seq.s32 s10, $0x1;
	s10 =	sld [smem:$0x3FAC]  }
0x3d: {  	_ =	shalt  }
0x3e: {  	_ =	shalt  }
0x3f: {  	_ =	shalt  }
0x40: {  	_ =	shalt  }
0x41: {  	_ =	shalt  }
0x42: {  	_ =	shalt  }
0x43: {  	_ =	shalt  }
0x44: {  	_ =	shalt  }
0x45: {  	_ =	shalt  }
0x46: {  	_ =	shalt  }
0x47: {  	_ =	shalt  }
0x48: {  	_ =	shalt  }
0x49: {  	_ =	shalt  }
0x4a: {  	_ =	shalt  }
0x4b: {  	_ =	shalt  }
0x4c: {  	_ =	shalt  }
0x4d: {  	_ =	shalt  }
0x4e: {  	_ =	shalt  }
0x4f: {  	_ =	shalt  }
0x50: {  	_ =	shalt  }
0x51: {  	_ =	shalt  }
0x52: {  	_ =	shalt  }
0x53: {  	_ =	shalt  }
0x54: {  	_ =	shalt  }
0x55: {  	_ =	shalt  }
0x56: {  	_ =	shalt  }
0x57: {  	_ =	shalt  }
0x58: {  	_ =	shalt  }
0x59: {  	_ =	shalt  }
0x5a: {  	_ =	shalt  }
0x5b: {  	_ =	shalt  }
0x5c: {  	_ =	shalt  }
0x5d: {  	_ =	shalt  }
0x5e: {  	_ =	shalt  }
0x5f: {  	_ =	shalt  }
0x60: {  	_ =	shalt  }
0x61: {  	_ =	shalt  }
0x62: {  	_ =	shalt  }
0x63: {  	_ =	shalt  }
0x64: {  	_ =	shalt  }
0x65: {  	_ =	shalt  }
0x66: {  	_ =	shalt  }
0x67: {  	_ =	shalt  }
0x68: {  	_ =	shalt  }
0x69: {  	_ =	shalt  }
0x6a: {  	_ =	shalt  }
0x6b: {  	_ =	shalt  }
0x6c: {  	_ =	shalt  }
0x6d: {  	_ =	shalt  }
0x6e: {  	_ =	shalt  }
0x6f: {  	_ =	shalt  }
0x70: {  	_ =	shalt  }
0x71: {  	_ =	shalt  }
0x72: {  	_ =	shalt  }
0x73: {  	_ =	shalt  }
0x74: {  	_ =	shalt  }
0x75: {  	_ =	shalt  }
0x76: {  	_ =	shalt  }
0x77: {  	_ =	shalt  }
0x78: {  	_ =	shalt  }
0x79: {  	_ =	shalt  }
0x7a: {  	_ =	shalt  }
0x7b: {  	_ =	shalt  }
0x7c: {  	_ =	shalt  }
0x7d: {  	_ =	shalt  }
0x7e: {  	_ =	shalt  }
0x7f: {  	_ =	shalt  }
0x80: {  	_ =	shalt  }
0x81: {  	_ =	shalt  }
0x82: {  	_ =	shalt  }
0x83: {  	_ =	shalt  }
0x84: {  	_ =	shalt  }
0x85: {  	_ =	shalt  }
0x86: {  	_ =	shalt  }
0x87: {  	_ =	shalt  }
.Lfunc_end0:
.L_simem_size_0:
called_computation.2_lowered:
.L_overlay_start_0:
0x88: {  	s2 =	sld [smem:$0x3FD9]  }
0x89: {  	s3 =	sld [smem:$0x3FFE];
	_ =	sdelay $0x1  }
0x8a: {  	s1 =	srdreg.scid  }
0x8b: {  	s0 =	sand.u32 $0x1, s1  }
0x8c: {  	s17 =	sshll.u32 s0, $0xA;
	s2 =	sadd.s32 s3, s2  }
0x8d: {  	s2 =	sadd.s32 s2, s17  }
0x8e: {  	[smem:$0x3FB8] =	sst s2  }
0x8f: {  	_ = 	snop  }
0x90: {  	s2 =	sld [smem:$0x3FD0];
	(tm) =	ssettm $0x1  }
0x91: {  	s18 =	sld [smem:$0x3FFB];
	_ =	sdelay $0x3  }
0x92: {  	_ =	strace s18  }
0x93: {  	s3 =	sld [smem:$0x3FFC];
	_ =	sdelay $0x3  }
0x94: {  	_ =	strace s3  }
0x95: {  	s3 =	sld [smem:$0x3FFD];
	_ =	sdelay $0x3  }
0x96: {  	_ =	strace s3  }
0x97: {  	_ =	strace $0x8FFFFFFF  }
0x98: {  	s19 =	sld [smem:$0x3FDB];
	_ =	sdelay $0x1  }
0x99: {  	s4 =	simm.s32 $_scs_section_size  }
0x9a: {  	s5 =	simm.s32 $_size__tile_overlayer_lowered;
	s6 =	simm.s32 $_tile_overlayer_lowered  }
0x9b: {  	s22 =	simm.s32 $0x1BFF;
	s21 =	sshll.u32 s6, $0x1;
	s3 =	sadd.s32 s4, s19  }
0x9c: {  	s7 =	simm.s32 $0x0;
	s20 =	sshll.u32 s5, $0x1;
	s5 =	sadd.s32 s21, s3  }
0x9d: {  	[timem:s7], [sflag:s22] =	dma.local [hbm:s5], s20  }
0x9e: {  	_ =	swait.ge [sflag:s22], s20  }
0x9f: {  	s4 =	ssub.s32 $0x0, s20;
	[sflag:s22] =	ssyncset.done $0x0  }
0xa0: {  	[sflag:s22] =	ssyncadd.s32 s4;
	_ =	sdelay $0x1  }
0xa1: {  	s23 =	simm.s32 $0x1B8B  }
0xa2: {  	_ =	swait.ge [sflag:s23], $0x1  }
0xa3: {  	[sflag:s23] =	ssyncset.done $0x0  }
0xa4: {  	s25 =	simm.s32 $0x1B8E;
	s24 =	sld [smem:$0x3FFE];
	[sflag:s23] =	ssyncadd.s32 $0xFFFFFFFF  }
0xa5: {  	s26 =	simm.s32 $execute0_lowered;
	[smem:$0x3FD2] =	sst s25  }
0xa6: {  	s5 =	sshll.u32 s26, $0x1;
	_ =	strace $0x8000004C;
	[dreg:$0x1] =	wrdreg $0xFFFFFFFF  }
0xa7: {  	s28 =	simm.s32 $_size_execute0_lowered;
	s3 =	sadd.s32 s3, s5;
	[dreg:$0x0] =	wrdreg $0x0  }
0xa8: {  	s5 =	sshll.u32 s28, $0x1;
	[dreg:$0x2] =	wrdreg s3  }
0xa9: {  	[dreg:$0x3] =	wrdreg s5  }
0xaa: {  	[dreg:$0x4] =	wrdreg $0xC0  }
0xab: {  	_ =	task [dreg:s7], $0x5FFFF  }
0xac: {  	[dreg:$0x1] =	wrdreg $0xFFFFFFFF  }
0xad: {  	[dreg:$0x0] =	wrdreg $0x60  }
0xae: {  	[dreg:$0x2] =	wrdreg s2  }
0xaf: {  	[dreg:$0x3] =	wrdreg s24  }
0xb0: {  	[dreg:$0x4] =	wrdreg $0x0  }
0xb1: {  	[dreg:$0x5] =	wrdreg $0x9  }
0xb2: {  	_ =	task.clear_ibuf [dreg:s7], $0x6FFFF;
	_ =	strace $0x9000004C  }
0xb3: {  	s29 =	simm.s32 $0x9;
	_ =	strace $0x8000004E  }
0xb4: {  	_ =	swait.ge [sflag:s29], $0x1  }
0xb5: {  	[sflag:s29] =	ssyncadd.s32 $0xFFFFFFFF  }
0xb6: {  	_ =	strace $0x9000004E  }
0xb7: {  	_ =	sfence  }
0xb8: {  	s30 =	sld [smem:$0x0];
	_ =	sdelay $0x2  }
0xb9: {  	s31 =	sshll.u32 s1, $0xD;
	s1 =	sshrl.u32 s1, $0x2  }
0xba: {  	s3 =	sand.u32 $0x4000, s31;
	s1 =	sadd.s32 s1, s30  }
0xbb: {  	s0 =	sor.u32 s3, s0;
	s1 =	sshll.u32 s1, $0x11  }
0xbc: {  	s0 =	sor.u32 s1, s0  }
0xbd: {  	s0 =	sadd.s32 $0x8F2B, s0  }
0xbe: {  	[sflag:s0] =	ssyncadd.remote.s32 $0x1  }
0xbf: {  	_ =	sfence.sel $0xFFFF  }
0xc0: {  	[dreg:$0x0] =	wrdreg $0xFFFFFFFF;
	(pc) =	sbr.abs _section_cstart, $3  }
0xc1: {  	[dreg:$0x1] =	wrdreg $0xFFFFFFFF  }
0xc2: {  	_ =	task.clear_ibuf [dreg:s7], $0x2FFFF;
	_ =	strace $0x9FFFFFFF  }
0xc3: {  	(tm) =	ssettm $0x7FFFFFFF  }
tec
execute0_lowered:
.L_overlay_start_1:
0x0: {  	(tag) =	ssettag $0x1  }
0x1: {  	s1 =	rddreg [dreg:$0x0]  }
0x2: {  	s2 =	srdreg.scid;
	s7 =	rddreg [dreg:$0x1]  }
0x3: {  	s0 =	stileid.u32;
	s3 =	rddreg [dreg:$0x2]  }
0x4: {  	s4 =	simm.s32 $0x0;
	s13 =	simm.s32 $0x13C00;
	s5 =	smul.u32 $0x4EC0, s0  }
0x5: {  	s14 =	simm.s32 $0x13C80;
	s15 =	simm.s32 $0x78;
	s10 =	smul.u32 $0x13C00, s0  }
0x6: {  	s16 =	simm.s32 $0x13D00;
	s6 =	sand.u32 $0x1, s2;
	s30 =	smul.u32 $0x4F000, s0  }
0x7: {  	s17 =	simm.s32 $0x1;
	s2 =	rddreg [dreg:$0x3];
	s8 =	smul.u32 $0x2760, s6  }
0x8: {  	s18 =	simm.s32 $0x0;
	[smem:$0x7FF] =	sst s4;
	s9 =	smul.u32 $0x13C000, s6  }
0x9: {  	s11 =	sshll.u32 s0, $0x6;
	_ =	strace $0x8000004D;
	s6 =	ssub.s32 $0x2, s6  }
0xa: {  	s31 =	sshrl.u32 s6, $0x1;
	s5 =	sadd.s32 s8, s5;
	s28 =	sadd.s32 s10, s9  }
0xb: {  	s9 =	sshrl.u32 s30, $0x2;
	s5 =	sshrl.u32 s5, $0x3;
	s8 =	sshrl.u32 s28, $0x3  }
0xc: {  	s12 =	sadd.s32 s9, s3;
	s29 =	sadd.s32 s5, s7;
	s5 =	sadd.s32 $0x1AC00, s7  }
0xd: {  	s7 =	sadd.s32 s8, s7;
	s8 =	ssub.s32 s6, s31;
	s6 =	sor.u32 $0x1C02, s11  }
0xe: {  	s11 =	sshrl.u32 s12, $0x3;
	s12 =	simm.s32 $0x2;
	s7 =	sadd.s32 $0x1D400, s7  }
0xf: {  	s8 =	smax.u32 s8, $0x1;
	s9 =	sadd.s32 $0x7000, s29;
	s10 =	sadd.s32 $0x10E00, s29  }
.LBB2_1:
0x10: {  	[spmem:s11], [sflag:s6] =	dma.local [hbm:s5], $0x2780  }
0x11: {  	_ =	swait.ge [sflag:s12], $0x2780  }
0x12: {  	[sflag:s12] =	ssyncset.done $0x0  }
0x13: {  	[sflag:s12] =	ssyncadd.s32 $0xFFFFD880  }
0x14: {  	s19 =	sadd.s32 $0x0, s10;
	[bflag:$0x0] =	sbarrier.arrive $0xFFFF  }
0x15: {  	[tilespmem:s13], [sflag:$0x2] =	stream.linear.gather [hbm4b:s19+s4], $0x78, $0x38;
	[tilespmem:$0x17900] =	vst v63  }
0x16: {  	_ =	swait.ge [sflag:s12], $0x78  }
0x17: {  	[sflag:s12] =	ssyncset.done $0x0  }
0x18: {  	s31 =	sadd.s32 $0x0, s9;
	[sflag:s12] =	ssyncadd.s32 $0xFFFFFF88  }
0x19: {  	[tilespmem:s14], [sflag:$0x2] =	stream.linear.gather [hbm4b:s31+s4], $0x78, $0x38;
	[tilespmem:$0x17900] =	vst v63  }
0x1a: {  	_ =	swait.ge [sflag:s12], $0x78  }
0x1b: {  	[sflag:s12] =	ssyncset.done $0x0  }
0x1c: {  	[sflag:s12] =	ssyncadd.s32 $0xFFFFFF88  }
0x1d: {  	[tilespmem:s16], [sflag:$0x1] =	stream.indirect.gather [hbm4b:s1+s15], $0x80, s13, s15, $0xb8;
	[tilespmem:$0x17900] =	vst v63  }
0x1e: {  	_ =	swait.ge [sflag:s17], $0x3C00  }
0x1f: {  	[sflag:s17] =	ssyncset.done $0x0  }
0x20: {  	[sflag:s17] =	ssyncadd.s32 $0xFFFFC400  }
0x21: {  	[spmem:s3] =	stream.indirect.scatter.add.f32 [tilespmem:s16], [sflag:$0x2], $0x80, s14, s15, $0xb8;
	[tilespmem:$0x17900] =	vst v63  }
0x22: {  	_ =	swait.ge [sflag:s12], $0x3C00  }
0x23: {  	s20 =	simm.s32 $0x1E;
	s19 =	simm.s32 $0xF;
	[sflag:s12] =	ssyncset.done $0x0  }
.LBB2_2:
0x24: {  	s21 =	sadd.s32 s19, s10  }
0x25: {  	[sflag:s12] =	ssyncadd.s32 $0xFFFFC400;
	s22 =	smov.u32 s20;
	s23 =	sadd.s32 $0xF, s20  }
0x26: {  	[tilespmem:s13], [sflag:$0x2] =	stream.linear.gather [hbm4b:s21+s4], $0x78, $0x38;
	[tilespmem:$0x17900] =	vst v63  }
0x27: {  	p0 =	sne.s32 s20, $0x4DD;
	_ =	swait.ge [sflag:s12], $0x78  }
0x28: {  	[sflag:s12] =	ssyncset.done $0x0  }
0x29: {  	s20 =	sadd.s32 s19, s9;
	s19 =	smov.u32 s22;
	[sflag:s12] =	ssyncadd.s32 $0xFFFFFF88  }
0x2a: {  	[tilespmem:s14], [sflag:$0x2] =	stream.linear.gather [hbm4b:s20+s4], $0x78, $0x38;
	[tilespmem:$0x17900] =	vst v63  }
0x2b: {  	_ =	swait.ge [sflag:s12], $0x78  }
0x2c: {  	[sflag:s12] =	ssyncset.done $0x0  }
0x2d: {  	[sflag:s12] =	ssyncadd.s32 $0xFFFFFF88  }
0x2e: {  	[tilespmem:s16], [sflag:$0x1] =	stream.indirect.gather [hbm4b:s1+s15], $0x80, s13, s15, $0xb8;
	[tilespmem:$0x17900] =	vst v63  }
0x2f: {  	_ =	swait.ge [sflag:s17], $0x3C00  }
.Ltmp0:
0x30: {  	[sflag:s17] =	ssyncset.done $0x0;
	(pc) =	sbr.rel @p0 .LBB2_2-.Ltmp0, $4  }
0x31: {  	[sflag:s17] =	ssyncadd.s32 $0xFFFFC400  }
0x32: {  	[spmem:s3] =	stream.indirect.scatter.add.f32 [tilespmem:s16], [sflag:$0x2], $0x80, s14, s15, $0xb8;
	[tilespmem:$0x17900] =	vst v63  }
0x33: {  	_ =	swait.ge [sflag:s12], $0x3C00  }
0x34: {  	s20 =	smov.u32 s23;
	[sflag:s12] =	ssyncset.done $0x0  }
0x35: {  	s20 =	sadd.s32 s19, s10;
	[sflag:s12] =	ssyncadd.s32 $0xFFFFC400  }
0x36: {  	[tilespmem:s13], [sflag:$0x2] =	stream.linear.gather [hbm4b:s20+s4], $0x78, $0x38;
	[tilespmem:$0x17900] =	vst v63  }
0x37: {  	_ =	swait.ge [sflag:s12], $0x78  }
0x38: {  	[sflag:s12] =	ssyncset.done $0x0  }
0x39: {  	s31 =	sadd.s32 s19, s9;
	[sflag:s12] =	ssyncadd.s32 $0xFFFFFF88  }
0x3a: {  	[tilespmem:s14], [sflag:$0x2] =	stream.linear.gather [hbm4b:s31+s4], $0x78, $0x38;
	[tilespmem:$0x17900] =	vst v63  }
0x3b: {  	_ =	swait.ge [sflag:s12], $0x78  }
0x3c: {  	[sflag:s12] =	ssyncset.done $0x0  }
0x3d: {  	[sflag:s12] =	ssyncadd.s32 $0xFFFFFF88  }
0x3e: {  	[tilespmem:s16], [sflag:$0x1] =	stream.indirect.gather [hbm4b:s1+s15], $0x80, s13, s15, $0xb8;
	[tilespmem:$0x17900] =	vst v63  }
0x3f: {  	_ =	swait.ge [sflag:s17], $0x3C00  }
0x40: {  	[sflag:s17] =	ssyncset.done $0x0  }
0x41: {  	[sflag:s17] =	ssyncadd.s32 $0xFFFFC400  }
0x42: {  	[spmem:s3] =	stream.indirect.scatter.add.f32 [tilespmem:s16], [sflag:$0x2], $0x80, s14, s15, $0xb8;
	[tilespmem:$0x17900] =	vst v63  }
0x43: {  	_ =	swait.ge [sflag:s12], $0x3C00  }
0x44: {  	s18 =	sadd.s32 $0x1, s18;
	[sflag:s12] =	ssyncset.done $0x0  }
0x45: {  	p0 =	sne.s32 s18, s8;
	[sflag:s12] =	ssyncadd.s32 $0xFFFFC400  }
.Ltmp1:
0x46: {  	[bflag:$0x0] =	sbarrier.arrive $0xFFFF;
	(pc) =	sbr.rel @p0 .LBB2_1-.Ltmp1, $4  }
0x47: {  	[hbm:s7], [sflag:s6] =	dma.local [spmem:s11], $0x2780  }
0x48: {  	_ =	swait.ge [sflag:s12], $0x2780  }
0x49: {  	[sflag:s12] =	ssyncset.done $0x0  }
0x4a: {  	[sflag:s12] =	ssyncadd.s32 $0xFFFFD880  }
0x4b: {  	_ =	sfence.sel $0x180000  }
0x4c: {  	[bflag:$0x0] =	sbarrier.arrive $0xFFFF  }
0x4d: {  	p0 =	sne.s32 s0, $0x0;
	_ =	strace $0x9000004D  }
0x4e: {  	s0 =	sadd.s32 @!p0 $0x100000, s2;
	[bflag:$0x2] =	sbarrier.arrive $0xFFFF  }
0x4f: {  	[sflag:s0] =	ssyncadd.tile.s32 @!p0 $0x1;
	_ =	shalt  }
.Lfunc_end2:
_tile_overlayer_lowered:
.L_overlay_start_2:
0x50: {  	(tag) =	ssettag $0x2  }
0x51: {  	s0 =	rddreg [dreg:$0x0];
	s2 =	stileid.u32  }
0x52: {  	s1 =	rddreg [dreg:$0x1];
	p0 =	sne.s32 s2, $0x0  }
0x53: {  	s3 =	rddreg [dreg:$0x2];
	[bflag:$0x3] =	sbarrier.arrive $0xFFFF;
	s2 =	simm.s32 @!p0 $0x1C02  }
0x54: {  	[timem:s3], [sflag:s2] =	dma.local @!p0 [hbm:s0], s1  }
0x55: {  	s0 =	simm.s32 @!p0 $0x2  }
0x56: {  	_ =	swait.ge @!p0 [sflag:s0], s1  }
0x57: {  	s1 =	ssub.s32 @!p0 $0x0, s1;
	[sflag:s0] =	ssyncset.done @!p0 $0x0  }
0x58: {  	[sflag:s0] =	ssyncadd.s32 @!p0 s1  }
0x59: {  	[bflag:$0x3] =	sbarrier.arrive $0xFFFF  }
0x5a: {  	_ =	shalt  }

// kernel: kernel.24.cloned.1.call-start
scs
__scs_entry_jumppad:
0x0: {  	(pc) =	sbr.rel $0x88, $3  }
0x1: {  	(tag) =	ssettag $0x0;
	lr =	simm.s32 $0x1  }
0x2: {  	[smem:$0x3F91] =	sst lr;
	_ =	strace $0xD0000000  }
0x3: {  	_ = 	snop  }
0x4: {  	_ = 	snop  }
0x5: {  	_ = 	snop  }
0x6: {  	_ = 	snop  }
0x7: {  	_ = 	snop  }
__scs_overlays_trampoline_lowered:
0x8: {  	[smem:$0x3FA0] =	sst s0  }
0x9: {  	[smem:$0x3FA1] =	sst s1  }
0xa: {  	[smem:$0x3FA2] =	sst s2  }
0xb: {  	[smem:$0x3FA3] =	sst s3  }
0xc: {  	[smem:$0x3FA4] =	sst s4  }
0xd: {  	[smem:$0x3FA5] =	sst s5  }
0xe: {  	[smem:$0x3FA6] =	sst s6  }
0xf: {  	[smem:$0x3FA7] =	sst s7  }
0x10: {  	[smem:$0x3FA8] =	sst s8  }
0x11: {  	[smem:$0x3FA9] =	sst s9;
	s0 =	simm.s32 @!p0 $0x0  }
0x12: {  	s1 =	sld [smem:$0x3F8F];
	s0 =	simm.s32 @p0 $0x1  }
0x13: {  	[smem:$0x3FAA] =	sst s0;
	s0 =	simm.s32 @!p1 $0x0  }
0x14: {  	s2 =	sld [smem:$0x3F8E];
	s0 =	simm.s32 @p1 $0x1  }
0x15: {  	[smem:$0x3FAB] =	sst s0;
	s0 =	simm.s32 @!p2 $0x0  }
0x16: {  	s3 =	sld [smem:$0x3FDB];
	s0 =	simm.s32 @p2 $0x1  }
0x17: {  	s4 =	simm.s32 $0x1BF5;
	[smem:$0x3FAD] =	sst s0  }
0x18: {  	s0 =	sld [smem:$0x3F90];
	_ =	swait.ge [sflag:s4], $0x0  }
0x19: {  	s7 =	sld [smem:$0x3F91]  }
0x1a: {  	s8 =	sadd.s32 $0xFFFFE003, lr  }
0x1b: {  	s9 =	sadd.s32 $0xFFFFFEF7, lr;
	s5 =	simm.s32 $0xFFFFFFFF;
	p2 =	slt.u32 s8, $0xFFFFF086  }
0x1c: {  	p1 =	slt.u32 s9, $0xF7A;
	s5 =	simm.s32 @!p2 $0x0  }
0x1d: {  	s5 =	simm.s32 @p1 $0x1;
	p0 =	seq.s32 s7, s2  }
0x1e: {  	s7 =	smul.u32 @!p0 $0xF7A, s2;
	p2 =	seq.s32 @!p0 s5, $0x0  }
0x1f: {  	s9 =	smul.u32 $0xF7A, s1;
	s8 =	simm.s32 @!p0 $0x1BF5;
	p2 =	por !p2, p0  }
0x20: {  	[sflag:s8] =	ssyncset.s32 @!p0 $0xFFFFF086;
	s6 =	sadd.s32 @!p0 s3, s7;
	s7 =	simm.s32 @!p0 $0x108  }
0x21: {  	s3 =	sadd.s32 s3, s9;
	s6 =	sadd.s32 @!p0 $0x88, s6;
	s7 =	simm.s32 @p2 $0x1082  }
0x22: {  	[simem:s7], [sflag:s8] =	dma.local @!p0 [hbm:s6], $0xF7A  }
0x23: {  	s9 =	sor.u32 $0xD0000000, s2;
	s6 =	simm.s32 $0x108;
	_ =	swait.ge @!p0 [sflag:s8], $0x0  }
0x24: {  	s3 =	sadd.s32 $0x88, s3;
	s6 =	simm.s32 @!p1 $0x1082;
	[sflag:s4] =	ssyncset.s32 $0xFFFFF086  }
0x25: {  	[simem:s6], [sflag:s4] =	dma.local [hbm:s3], $0xF7A  }
0x26: {  	[smem:$0x3F91] =	sst s1;
	(tag) =	ssettag s2;
	_ =	strace s9  }
0x27: {  	s1 =	sld [smem:$0x3FA1]  }
0x28: {  	s2 =	sld [smem:$0x3FA2]  }
0x29: {  	s4 =	sld [smem:$0x3FA4]  }
0x2a: {  	p0 =	seq.s32 s5, $0x0;
	s5 =	sld [smem:$0x3FA5]  }
0x2b: {  	s6 =	sld [smem:$0x3FA6]  }
0x2c: {  	s7 =	sld [smem:$0x3FA7]  }
0x2d: {  	s3 =	simm.s32 $0x108;
	s8 =	sld [smem:$0x3FA8]  }
0x2e: {  	s3 =	simm.s32 @!p0 $0x1082;
	s9 =	sld [smem:$0x3FA9]  }
0x2f: {  	lr =	sadd.s32 s0, s3;
	s0 =	sld [smem:$0x3FA0]  }
0x30: {  	s3 =	sld [smem:$0x3FA3]  }
0x31: {  	[smem:$0x3FAC] =	sst s10  }
0x32: {  	s10 =	sld [smem:$0x3FAA];
	_ =	sdelay $0x3  }
0x33: {  	p0 =	seq.s32 s10, $0x1;
	s10 =	sld [smem:$0x3FAC];
	_ =	sdelay $0x3  }
0x34: {  	[smem:$0x3FAC] =	sst s10  }
0x35: {  	s10 =	sld [smem:$0x3FAB];
	_ =	sdelay $0x3  }
0x36: {  	p1 =	seq.s32 s10, $0x1;
	s10 =	sld [smem:$0x3FAC];
	_ =	sdelay $0x3  }
0x37: {  	[smem:$0x3FAC] =	sst s10  }
0x38: {  	s10 =	sld [smem:$0x3FAD]  }
0x39: {  	_ = 	snop;
	(pc) =	sbr.ind lr, $3  }
0x3a: {  	_ = 	snop  }
0x3b: {  	_ = 	snop  }
0x3c: {  	p2 =	seq.s32 s10, $0x1;
	s10 =	sld [smem:$0x3FAC]  }
0x3d: {  	_ =	shalt  }
0x3e: {  	_ =	shalt  }
0x3f: {  	_ =	shalt  }
0x40: {  	_ =	shalt  }
0x41: {  	_ =	shalt  }
0x42: {  	_ =	shalt  }
0x43: {  	_ =	shalt  }
0x44: {  	_ =	shalt  }
0x45: {  	_ =	shalt  }
0x46: {  	_ =	shalt  }
0x47: {  	_ =	shalt  }
0x48: {  	_ =	shalt  }
0x49: {  	_ =	shalt  }
0x4a: {  	_ =	shalt  }
0x4b: {  	_ =	shalt  }
0x4c: {  	_ =	shalt  }
0x4d: {  	_ =	shalt  }
0x4e: {  	_ =	shalt  }
0x4f: {  	_ =	shalt  }
0x50: {  	_ =	shalt  }
0x51: {  	_ =	shalt  }
0x52: {  	_ =	shalt  }
0x53: {  	_ =	shalt  }
0x54: {  	_ =	shalt  }
0x55: {  	_ =	shalt  }
0x56: {  	_ =	shalt  }
0x57: {  	_ =	shalt  }
0x58: {  	_ =	shalt  }
0x59: {  	_ =	shalt  }
0x5a: {  	_ =	shalt  }
0x5b: {  	_ =	shalt  }
0x5c: {  	_ =	shalt  }
0x5d: {  	_ =	shalt  }
0x5e: {  	_ =	shalt  }
0x5f: {  	_ =	shalt  }
0x60: {  	_ =	shalt  }
0x61: {  	_ =	shalt  }
0x62: {  	_ =	shalt  }
0x63: {  	_ =	shalt  }
0x64: {  	_ =	shalt  }
0x65: {  	_ =	shalt  }
0x66: {  	_ =	shalt  }
0x67: {  	_ =	shalt  }
0x68: {  	_ =	shalt  }
0x69: {  	_ =	shalt  }
0x6a: {  	_ =	shalt  }
0x6b: {  	_ =	shalt  }
0x6c: {  	_ =	shalt  }
0x6d: {  	_ =	shalt  }
0x6e: {  	_ =	shalt  }
0x6f: {  	_ =	shalt  }
0x70: {  	_ =	shalt  }
0x71: {  	_ =	shalt  }
0x72: {  	_ =	shalt  }
0x73: {  	_ =	shalt  }
0x74: {  	_ =	shalt  }
0x75: {  	_ =	shalt  }
0x76: {  	_ =	shalt  }
0x77: {  	_ =	shalt  }
0x78: {  	_ =	shalt  }
0x79: {  	_ =	shalt  }
0x7a: {  	_ =	shalt  }
0x7b: {  	_ =	shalt  }
0x7c: {  	_ =	shalt  }
0x7d: {  	_ =	shalt  }
0x7e: {  	_ =	shalt  }
0x7f: {  	_ =	shalt  }
0x80: {  	_ =	shalt  }
0x81: {  	_ =	shalt  }
0x82: {  	_ =	shalt  }
0x83: {  	_ =	shalt  }
0x84: {  	_ =	shalt  }
0x85: {  	_ =	shalt  }
0x86: {  	_ =	shalt  }
0x87: {  	_ =	shalt  }
.Lfunc_end0:
.L_simem_size_0:
called_computation.3_lowered:
.L_overlay_start_0:
0x88: {  	s2 =	sld [smem:$0x3FD9]  }
0x89: {  	s3 =	sld [smem:$0x3FFE];
	_ =	sdelay $0x1  }
0x8a: {  	s1 =	srdreg.scid  }
0x8b: {  	s0 =	sand.u32 $0x1, s1  }
0x8c: {  	s17 =	sshll.u32 s0, $0xA;
	s2 =	sadd.s32 s3, s2  }
0x8d: {  	s2 =	sadd.s32 s2, s17  }
0x8e: {  	[smem:$0x3FB8] =	sst s2  }
0x8f: {  	_ = 	snop  }
0x90: {  	s2 =	sld [smem:$0x3FD0];
	(tm) =	ssettm $0x1  }
0x91: {  	s18 =	sld [smem:$0x3FFB];
	_ =	sdelay $0x3  }
0x92: {  	_ =	strace s18  }
0x93: {  	s3 =	sld [smem:$0x3FFC];
	_ =	sdelay $0x3  }
0x94: {  	_ =	strace s3  }
0x95: {  	s3 =	sld [smem:$0x3FFD];
	_ =	sdelay $0x3  }
0x96: {  	_ =	strace s3  }
0x97: {  	_ =	strace $0x8FFFFFFF  }
0x98: {  	s19 =	sld [smem:$0x3FDB];
	_ =	sdelay $0x1  }
0x99: {  	s4 =	simm.s32 $_scs_section_size  }
0x9a: {  	s5 =	simm.s32 $_size__tile_overlayer_lowered;
	s6 =	simm.s32 $_tile_overlayer_lowered  }
0x9b: {  	s22 =	simm.s32 $0x1BFF;
	s21 =	sshll.u32 s6, $0x1;
	s3 =	sadd.s32 s4, s19  }
0x9c: {  	s7 =	simm.s32 $0x0;
	s20 =	sshll.u32 s5, $0x1;
	s5 =	sadd.s32 s21, s3  }
0x9d: {  	[timem:s7], [sflag:s22] =	dma.local [hbm:s5], s20  }
0x9e: {  	_ =	swait.ge [sflag:s22], s20  }
0x9f: {  	s4 =	ssub.s32 $0x0, s20;
	[sflag:s22] =	ssyncset.done $0x0  }
0xa0: {  	[sflag:s22] =	ssyncadd.s32 s4;
	_ =	sdelay $0x1  }
0xa1: {  	s23 =	simm.s32 $0x1B8B  }
0xa2: {  	_ =	swait.ge [sflag:s23], $0x1  }
0xa3: {  	[sflag:s23] =	ssyncset.done $0x0  }
0xa4: {  	s25 =	simm.s32 $0x1B8E;
	s24 =	sld [smem:$0x3FFE];
	[sflag:s23] =	ssyncadd.s32 $0xFFFFFFFF  }
0xa5: {  	s26 =	simm.s32 $execute0_lowered;
	[smem:$0x3FD2] =	sst s25  }
0xa6: {  	s5 =	sshll.u32 s26, $0x1;
	_ =	strace $0x8000004F;
	[dreg:$0x1] =	wrdreg $0xFFFFFFFF  }
0xa7: {  	s28 =	simm.s32 $_size_execute0_lowered;
	s3 =	sadd.s32 s3, s5;
	[dreg:$0x0] =	wrdreg $0x0  }
0xa8: {  	s5 =	sshll.u32 s28, $0x1;
	[dreg:$0x2] =	wrdreg s3  }
0xa9: {  	[dreg:$0x3] =	wrdreg s5  }
0xaa: {  	[dreg:$0x4] =	wrdreg $0xC0  }
0xab: {  	_ =	task [dreg:s7], $0x5FFFF  }
0xac: {  	[dreg:$0x1] =	wrdreg $0xFFFFFFFF  }
0xad: {  	[dreg:$0x0] =	wrdreg $0x60  }
0xae: {  	[dreg:$0x2] =	wrdreg s2  }
0xaf: {  	[dreg:$0x3] =	wrdreg s24  }
0xb0: {  	[dreg:$0x4] =	wrdreg $0x0  }
0xb1: {  	[dreg:$0x5] =	wrdreg $0x9  }
0xb2: {  	_ =	task.clear_ibuf [dreg:s7], $0x6FFFF;
	_ =	strace $0x9000004F  }
0xb3: {  	s29 =	simm.s32 $0x9;
	_ =	strace $0x80000051  }
0xb4: {  	_ =	swait.ge [sflag:s29], $0x1  }
0xb5: {  	[sflag:s29] =	ssyncadd.s32 $0xFFFFFFFF  }
0xb6: {  	_ =	strace $0x90000051  }
0xb7: {  	_ =	sfence  }
0xb8: {  	s30 =	sld [smem:$0x0];
	_ =	sdelay $0x2  }
0xb9: {  	s31 =	sshll.u32 s1, $0xD;
	s1 =	sshrl.u32 s1, $0x2  }
0xba: {  	s3 =	sand.u32 $0x4000, s31;
	s1 =	sadd.s32 s1, s30  }
0xbb: {  	s0 =	sor.u32 s3, s0;
	s1 =	sshll.u32 s1, $0x11  }
0xbc: {  	s0 =	sor.u32 s1, s0  }
0xbd: {  	s0 =	sadd.s32 $0x8F2B, s0  }
0xbe: {  	[sflag:s0] =	ssyncadd.remote.s32 $0x1  }
0xbf: {  	_ =	sfence.sel $0xFFFF  }
0xc0: {  	[dreg:$0x0] =	wrdreg $0xFFFFFFFF;
	(pc) =	sbr.abs _section_cstart, $3  }
0xc1: {  	[dreg:$0x1] =	wrdreg $0xFFFFFFFF  }
0xc2: {  	_ =	task.clear_ibuf [dreg:s7], $0x2FFFF;
	_ =	strace $0x9FFFFFFF  }
0xc3: {  	(tm) =	ssettm $0x7FFFFFFF  }
tec
execute0_lowered:
.L_overlay_start_1:
0x0: {  	(tag) =	ssettag $0x1  }
0x1: {  	s1 =	rddreg [dreg:$0x0]  }
0x2: {  	s2 =	srdreg.scid;
	s7 =	rddreg [dreg:$0x1]  }
0x3: {  	s0 =	stileid.u32;
	s3 =	rddreg [dreg:$0x2]  }
0x4: {  	s4 =	simm.s32 $0x0;
	s13 =	simm.s32 $0x13C00;
	s5 =	smul.u32 $0x4EC0, s0  }
0x5: {  	s14 =	simm.s32 $0x13C80;
	s15 =	simm.s32 $0x78;
	s10 =	smul.u32 $0x13C00, s0  }
0x6: {  	s16 =	simm.s32 $0x13D00;
	s6 =	sand.u32 $0x1, s2;
	s30 =	smul.u32 $0x4F000, s0  }
0x7: {  	s17 =	simm.s32 $0x1;
	s2 =	rddreg [dreg:$0x3];
	s8 =	smul.u32 $0x2760, s6  }
0x8: {  	s18 =	simm.s32 $0x0;
	[smem:$0x7FF] =	sst s4;
	s9 =	smul.u32 $0x13C000, s6  }
0x9: {  	s11 =	sshll.u32 s0, $0x6;
	_ =	strace $0x80000050;
	s6 =	ssub.s32 $0x2, s6  }
0xa: {  	s31 =	sshrl.u32 s6, $0x1;
	s5 =	sadd.s32 s8, s5;
	s28 =	sadd.s32 s10, s9  }
0xb: {  	s9 =	sshrl.u32 s30, $0x2;
	s5 =	sshrl.u32 s5, $0x3;
	s8 =	sshrl.u32 s28, $0x3  }
0xc: {  	s12 =	sadd.s32 s9, s3;
	s29 =	sadd.s32 s5, s7;
	s5 =	sadd.s32 $0x1AC00, s7  }
0xd: {  	s7 =	sadd.s32 s8, s7;
	s8 =	ssub.s32 s6, s31;
	s6 =	sor.u32 $0x1C02, s11  }
0xe: {  	s11 =	sshrl.u32 s12, $0x3;
	s12 =	simm.s32 $0x2;
	s7 =	sadd.s32 $0x1D400, s7  }
0xf: {  	s8 =	smax.u32 s8, $0x1;
	s9 =	sadd.s32 $0x7000, s29;
	s10 =	sadd.s32 $0x10E00, s29  }
.LBB2_1:
0x10: {  	[spmem:s11], [sflag:s6] =	dma.local [hbm:s5], $0x2780  }
0x11: {  	_ =	swait.ge [sflag:s12], $0x2780  }
0x12: {  	[sflag:s12] =	ssyncset.done $0x0  }
0x13: {  	[sflag:s12] =	ssyncadd.s32 $0xFFFFD880  }
0x14: {  	s19 =	sadd.s32 $0x0, s10;
	[bflag:$0x0] =	sbarrier.arrive $0xFFFF  }
0x15: {  	[tilespmem:s13], [sflag:$0x2] =	stream.linear.gather [hbm4b:s19+s4], $0x78, $0x38;
	[tilespmem:$0x17900] =	vst v63  }
0x16: {  	_ =	swait.ge [sflag:s12], $0x78  }
0x17: {  	[sflag:s12] =	ssyncset.done $0x0  }
0x18: {  	s31 =	sadd.s32 $0x0, s9;
	[sflag:s12] =	ssyncadd.s32 $0xFFFFFF88  }
0x19: {  	[tilespmem:s14], [sflag:$0x2] =	stream.linear.gather [hbm4b:s31+s4], $0x78, $0x38;
	[tilespmem:$0x17900] =	vst v63  }
0x1a: {  	_ =	swait.ge [sflag:s12], $0x78  }
0x1b: {  	[sflag:s12] =	ssyncset.done $0x0  }
0x1c: {  	[sflag:s12] =	ssyncadd.s32 $0xFFFFFF88  }
0x1d: {  	[tilespmem:s16], [sflag:$0x1] =	stream.indirect.gather [hbm4b:s1+s15], $0x80, s13, s15, $0xb8;
	[tilespmem:$0x17900] =	vst v63  }
0x1e: {  	_ =	swait.ge [sflag:s17], $0x3C00  }
0x1f: {  	[sflag:s17] =	ssyncset.done $0x0  }
0x20: {  	[sflag:s17] =	ssyncadd.s32 $0xFFFFC400  }
0x21: {  	[spmem:s3] =	stream.indirect.scatter.add.f32 [tilespmem:s16], [sflag:$0x2], $0x80, s14, s15, $0xb8;
	[tilespmem:$0x17900] =	vst v63  }
0x22: {  	_ =	swait.ge [sflag:s12], $0x3C00  }
0x23: {  	s20 =	simm.s32 $0x1E;
	s19 =	simm.s32 $0xF;
	[sflag:s12] =	ssyncset.done $0x0  }
.LBB2_2:
0x24: {  	s21 =	sadd.s32 s19, s10  }
0x25: {  	[sflag:s12] =	ssyncadd.s32 $0xFFFFC400;
	s22 =	smov.u32 s20;
	s23 =	sadd.s32 $0xF, s20  }
0x26: {  	[tilespmem:s13], [sflag:$0x2] =	stream.linear.gather [hbm4b:s21+s4], $0x78, $0x38;
	[tilespmem:$0x17900] =	vst v63  }
0x27: {  	p0 =	sne.s32 s20, $0x4DD;
	_ =	swait.ge [sflag:s12], $0x78  }
0x28: {  	[sflag:s12] =	ssyncset.done $0x0  }
0x29: {  	s20 =	sadd.s32 s19, s9;
	s19 =	smov.u32 s22;
	[sflag:s12] =	ssyncadd.s32 $0xFFFFFF88  }
0x2a: {  	[tilespmem:s14], [sflag:$0x2] =	stream.linear.gather [hbm4b:s20+s4], $0x78, $0x38;
	[tilespmem:$0x17900] =	vst v63  }
0x2b: {  	_ =	swait.ge [sflag:s12], $0x78  }
0x2c: {  	[sflag:s12] =	ssyncset.done $0x0  }
0x2d: {  	[sflag:s12] =	ssyncadd.s32 $0xFFFFFF88  }
0x2e: {  	[tilespmem:s16], [sflag:$0x1] =	stream.indirect.gather [hbm4b:s1+s15], $0x80, s13, s15, $0xb8;
	[tilespmem:$0x17900] =	vst v63  }
0x2f: {  	_ =	swait.ge [sflag:s17], $0x3C00  }
.Ltmp0:
0x30: {  	[sflag:s17] =	ssyncset.done $0x0;
	(pc) =	sbr.rel @p0 .LBB2_2-.Ltmp0, $4  }
0x31: {  	[sflag:s17] =	ssyncadd.s32 $0xFFFFC400  }
0x32: {  	[spmem:s3] =	stream.indirect.scatter.add.f32 [tilespmem:s16], [sflag:$0x2], $0x80, s14, s15, $0xb8;
	[tilespmem:$0x17900] =	vst v63  }
0x33: {  	_ =	swait.ge [sflag:s12], $0x3C00  }
0x34: {  	s20 =	smov.u32 s23;
	[sflag:s12] =	ssyncset.done $0x0  }
0x35: {  	s20 =	sadd.s32 s19, s10;
	[sflag:s12] =	ssyncadd.s32 $0xFFFFC400  }
0x36: {  	[tilespmem:s13], [sflag:$0x2] =	stream.linear.gather [hbm4b:s20+s4], $0x78, $0x38;
	[tilespmem:$0x17900] =	vst v63  }
0x37: {  	_ =	swait.ge [sflag:s12], $0x78  }
0x38: {  	[sflag:s12] =	ssyncset.done $0x0  }
0x39: {  	s31 =	sadd.s32 s19, s9;
	[sflag:s12] =	ssyncadd.s32 $0xFFFFFF88  }
0x3a: {  	[tilespmem:s14], [sflag:$0x2] =	stream.linear.gather [hbm4b:s31+s4], $0x78, $0x38;
	[tilespmem:$0x17900] =	vst v63  }
0x3b: {  	_ =	swait.ge [sflag:s12], $0x78  }
0x3c: {  	[sflag:s12] =	ssyncset.done $0x0  }
0x3d: {  	[sflag:s12] =	ssyncadd.s32 $0xFFFFFF88  }
0x3e: {  	[tilespmem:s16], [sflag:$0x1] =	stream.indirect.gather [hbm4b:s1+s15], $0x80, s13, s15, $0xb8;
	[tilespmem:$0x17900] =	vst v63  }
0x3f: {  	_ =	swait.ge [sflag:s17], $0x3C00  }
0x40: {  	[sflag:s17] =	ssyncset.done $0x0  }
0x41: {  	[sflag:s17] =	ssyncadd.s32 $0xFFFFC400  }
0x42: {  	[spmem:s3] =	stream.indirect.scatter.add.f32 [tilespmem:s16], [sflag:$0x2], $0x80, s14, s15, $0xb8;
	[tilespmem:$0x17900] =	vst v63  }
0x43: {  	_ =	swait.ge [sflag:s12], $0x3C00  }
0x44: {  	s18 =	sadd.s32 $0x1, s18;
	[sflag:s12] =	ssyncset.done $0x0  }
0x45: {  	p0 =	sne.s32 s18, s8;
	[sflag:s12] =	ssyncadd.s32 $0xFFFFC400  }
.Ltmp1:
0x46: {  	[bflag:$0x0] =	sbarrier.arrive $0xFFFF;
	(pc) =	sbr.rel @p0 .LBB2_1-.Ltmp1, $4  }
0x47: {  	[hbm:s7], [sflag:s6] =	dma.local [spmem:s11], $0x2780  }
0x48: {  	_ =	swait.ge [sflag:s12], $0x2780  }
0x49: {  	[sflag:s12] =	ssyncset.done $0x0  }
0x4a: {  	[sflag:s12] =	ssyncadd.s32 $0xFFFFD880  }
0x4b: {  	_ =	sfence.sel $0x180000  }
0x4c: {  	[bflag:$0x0] =	sbarrier.arrive $0xFFFF  }
0x4d: {  	p0 =	sne.s32 s0, $0x0;
	_ =	strace $0x90000050  }
0x4e: {  	s0 =	sadd.s32 @!p0 $0x100000, s2;
	[bflag:$0x2] =	sbarrier.arrive $0xFFFF  }
0x4f: {  	[sflag:s0] =	ssyncadd.tile.s32 @!p0 $0x1;
	_ =	shalt  }
.Lfunc_end2:
_tile_overlayer_lowered:
.L_overlay_start_2:
0x50: {  	(tag) =	ssettag $0x2  }
0x51: {  	s0 =	rddreg [dreg:$0x0];
	s2 =	stileid.u32  }
0x52: {  	s1 =	rddreg [dreg:$0x1];
	p0 =	sne.s32 s2, $0x0  }
0x53: {  	s3 =	rddreg [dreg:$0x2];
	[bflag:$0x3] =	sbarrier.arrive $0xFFFF;
	s2 =	simm.s32 @!p0 $0x1C02  }
0x54: {  	[timem:s3], [sflag:s2] =	dma.local @!p0 [hbm:s0], s1  }
0x55: {  	s0 =	simm.s32 @!p0 $0x2  }
0x56: {  	_ =	swait.ge @!p0 [sflag:s0], s1  }
0x57: {  	s1 =	ssub.s32 @!p0 $0x0, s1;
	[sflag:s0] =	ssyncset.done @!p0 $0x0  }
0x58: {  	[sflag:s0] =	ssyncadd.s32 @!p0 s1  }
0x59: {  	[bflag:$0x3] =	sbarrier.arrive $0xFFFF  }
0x5a: {  	_ =	shalt  }

// kernel: kernel.27.cloned.1.call-start
scs
__scs_entry_jumppad:
0x0: {  	(pc) =	sbr.rel $0x88, $3  }
0x1: {  	(tag) =	ssettag $0x0;
	lr =	simm.s32 $0x1  }
0x2: {  	[smem:$0x3F91] =	sst lr;
	_ =	strace $0xD0000000  }
0x3: {  	_ = 	snop  }
0x4: {  	_ = 	snop  }
0x5: {  	_ = 	snop  }
0x6: {  	_ = 	snop  }
0x7: {  	_ = 	snop  }
__scs_overlays_trampoline_lowered:
0x8: {  	[smem:$0x3FA0] =	sst s0  }
0x9: {  	[smem:$0x3FA1] =	sst s1  }
0xa: {  	[smem:$0x3FA2] =	sst s2  }
0xb: {  	[smem:$0x3FA3] =	sst s3  }
0xc: {  	[smem:$0x3FA4] =	sst s4  }
0xd: {  	[smem:$0x3FA5] =	sst s5  }
0xe: {  	[smem:$0x3FA6] =	sst s6  }
0xf: {  	[smem:$0x3FA7] =	sst s7  }
0x10: {  	[smem:$0x3FA8] =	sst s8  }
0x11: {  	[smem:$0x3FA9] =	sst s9;
	s0 =	simm.s32 @!p0 $0x0  }
0x12: {  	s1 =	sld [smem:$0x3F8F];
	s0 =	simm.s32 @p0 $0x1  }
0x13: {  	[smem:$0x3FAA] =	sst s0;
	s0 =	simm.s32 @!p1 $0x0  }
0x14: {  	s2 =	sld [smem:$0x3F8E];
	s0 =	simm.s32 @p1 $0x1  }
0x15: {  	[smem:$0x3FAB] =	sst s0;
	s0 =	simm.s32 @!p2 $0x0  }
0x16: {  	s3 =	sld [smem:$0x3FDB];
	s0 =	simm.s32 @p2 $0x1  }
0x17: {  	s4 =	simm.s32 $0x1BF5;
	[smem:$0x3FAD] =	sst s0  }
0x18: {  	s0 =	sld [smem:$0x3F90];
	_ =	swait.ge [sflag:s4], $0x0  }
0x19: {  	s7 =	sld [smem:$0x3F91]  }
0x1a: {  	s8 =	sadd.s32 $0xFFFFE003, lr  }
0x1b: {  	s9 =	sadd.s32 $0xFFFFFEF7, lr;
	s5 =	simm.s32 $0xFFFFFFFF;
	p2 =	slt.u32 s8, $0xFFFFF086  }
0x1c: {  	p1 =	slt.u32 s9, $0xF7A;
	s5 =	simm.s32 @!p2 $0x0  }
0x1d: {  	s5 =	simm.s32 @p1 $0x1;
	p0 =	seq.s32 s7, s2  }
0x1e: {  	s7 =	smul.u32 @!p0 $0xF7A, s2;
	p2 =	seq.s32 @!p0 s5, $0x0  }
0x1f: {  	s9 =	smul.u32 $0xF7A, s1;
	s8 =	simm.s32 @!p0 $0x1BF5;
	p2 =	por !p2, p0  }
0x20: {  	[sflag:s8] =	ssyncset.s32 @!p0 $0xFFFFF086;
	s6 =	sadd.s32 @!p0 s3, s7;
	s7 =	simm.s32 @!p0 $0x108  }
0x21: {  	s3 =	sadd.s32 s3, s9;
	s6 =	sadd.s32 @!p0 $0x88, s6;
	s7 =	simm.s32 @p2 $0x1082  }
0x22: {  	[simem:s7], [sflag:s8] =	dma.local @!p0 [hbm:s6], $0xF7A  }
0x23: {  	s9 =	sor.u32 $0xD0000000, s2;
	s6 =	simm.s32 $0x108;
	_ =	swait.ge @!p0 [sflag:s8], $0x0  }
0x24: {  	s3 =	sadd.s32 $0x88, s3;
	s6 =	simm.s32 @!p1 $0x1082;
	[sflag:s4] =	ssyncset.s32 $0xFFFFF086  }
0x25: {  	[simem:s6], [sflag:s4] =	dma.local [hbm:s3], $0xF7A  }
0x26: {  	[smem:$0x3F91] =	sst s1;
	(tag) =	ssettag s2;
	_ =	strace s9  }
0x27: {  	s1 =	sld [smem:$0x3FA1]  }
0x28: {  	s2 =	sld [smem:$0x3FA2]  }
0x29: {  	s4 =	sld [smem:$0x3FA4]  }
0x2a: {  	p0 =	seq.s32 s5, $0x0;
	s5 =	sld [smem:$0x3FA5]  }
0x2b: {  	s6 =	sld [smem:$0x3FA6]  }
0x2c: {  	s7 =	sld [smem:$0x3FA7]  }
0x2d: {  	s3 =	simm.s32 $0x108;
	s8 =	sld [smem:$0x3FA8]  }
0x2e: {  	s3 =	simm.s32 @!p0 $0x1082;
	s9 =	sld [smem:$0x3FA9]  }
0x2f: {  	lr =	sadd.s32 s0, s3;
	s0 =	sld [smem:$0x3FA0]  }
0x30: {  	s3 =	sld [smem:$0x3FA3]  }
0x31: {  	[smem:$0x3FAC] =	sst s10  }
0x32: {  	s10 =	sld [smem:$0x3FAA];
	_ =	sdelay $0x3  }
0x33: {  	p0 =	seq.s32 s10, $0x1;
	s10 =	sld [smem:$0x3FAC];
	_ =	sdelay $0x3  }
0x34: {  	[smem:$0x3FAC] =	sst s10  }
0x35: {  	s10 =	sld [smem:$0x3FAB];
	_ =	sdelay $0x3  }
0x36: {  	p1 =	seq.s32 s10, $0x1;
	s10 =	sld [smem:$0x3FAC];
	_ =	sdelay $0x3  }
0x37: {  	[smem:$0x3FAC] =	sst s10  }
0x38: {  	s10 =	sld [smem:$0x3FAD]  }
0x39: {  	_ = 	snop;
	(pc) =	sbr.ind lr, $3  }
0x3a: {  	_ = 	snop  }
0x3b: {  	_ = 	snop  }
0x3c: {  	p2 =	seq.s32 s10, $0x1;
	s10 =	sld [smem:$0x3FAC]  }
0x3d: {  	_ =	shalt  }
0x3e: {  	_ =	shalt  }
0x3f: {  	_ =	shalt  }
0x40: {  	_ =	shalt  }
0x41: {  	_ =	shalt  }
0x42: {  	_ =	shalt  }
0x43: {  	_ =	shalt  }
0x44: {  	_ =	shalt  }
0x45: {  	_ =	shalt  }
0x46: {  	_ =	shalt  }
0x47: {  	_ =	shalt  }
0x48: {  	_ =	shalt  }
0x49: {  	_ =	shalt  }
0x4a: {  	_ =	shalt  }
0x4b: {  	_ =	shalt  }
0x4c: {  	_ =	shalt  }
0x4d: {  	_ =	shalt  }
0x4e: {  	_ =	shalt  }
0x4f: {  	_ =	shalt  }
0x50: {  	_ =	shalt  }
0x51: {  	_ =	shalt  }
0x52: {  	_ =	shalt  }
0x53: {  	_ =	shalt  }
0x54: {  	_ =	shalt  }
0x55: {  	_ =	shalt  }
0x56: {  	_ =	shalt  }
0x57: {  	_ =	shalt  }
0x58: {  	_ =	shalt  }
0x59: {  	_ =	shalt  }
0x5a: {  	_ =	shalt  }
0x5b: {  	_ =	shalt  }
0x5c: {  	_ =	shalt  }
0x5d: {  	_ =	shalt  }
0x5e: {  	_ =	shalt  }
0x5f: {  	_ =	shalt  }
0x60: {  	_ =	shalt  }
0x61: {  	_ =	shalt  }
0x62: {  	_ =	shalt  }
0x63: {  	_ =	shalt  }
0x64: {  	_ =	shalt  }
0x65: {  	_ =	shalt  }
0x66: {  	_ =	shalt  }
0x67: {  	_ =	shalt  }
0x68: {  	_ =	shalt  }
0x69: {  	_ =	shalt  }
0x6a: {  	_ =	shalt  }
0x6b: {  	_ =	shalt  }
0x6c: {  	_ =	shalt  }
0x6d: {  	_ =	shalt  }
0x6e: {  	_ =	shalt  }
0x6f: {  	_ =	shalt  }
0x70: {  	_ =	shalt  }
0x71: {  	_ =	shalt  }
0x72: {  	_ =	shalt  }
0x73: {  	_ =	shalt  }
0x74: {  	_ =	shalt  }
0x75: {  	_ =	shalt  }
0x76: {  	_ =	shalt  }
0x77: {  	_ =	shalt  }
0x78: {  	_ =	shalt  }
0x79: {  	_ =	shalt  }
0x7a: {  	_ =	shalt  }
0x7b: {  	_ =	shalt  }
0x7c: {  	_ =	shalt  }
0x7d: {  	_ =	shalt  }
0x7e: {  	_ =	shalt  }
0x7f: {  	_ =	shalt  }
0x80: {  	_ =	shalt  }
0x81: {  	_ =	shalt  }
0x82: {  	_ =	shalt  }
0x83: {  	_ =	shalt  }
0x84: {  	_ =	shalt  }
0x85: {  	_ =	shalt  }
0x86: {  	_ =	shalt  }
0x87: {  	_ =	shalt  }
.Lfunc_end0:
.L_simem_size_0:
called_computation.4_lowered:
.L_overlay_start_0:
0x88: {  	s2 =	sld [smem:$0x3FD9]  }
0x89: {  	s3 =	sld [smem:$0x3FFE];
	_ =	sdelay $0x1  }
0x8a: {  	s1 =	srdreg.scid  }
0x8b: {  	s0 =	sand.u32 $0x1, s1  }
0x8c: {  	s17 =	sshll.u32 s0, $0xA;
	s2 =	sadd.s32 s3, s2  }
0x8d: {  	s2 =	sadd.s32 s2, s17  }
0x8e: {  	[smem:$0x3FB8] =	sst s2  }
0x8f: {  	_ = 	snop  }
0x90: {  	s2 =	sld [smem:$0x3FD0];
	(tm) =	ssettm $0x1  }
0x91: {  	s18 =	sld [smem:$0x3FFB];
	_ =	sdelay $0x3  }
0x92: {  	_ =	strace s18  }
0x93: {  	s3 =	sld [smem:$0x3FFC];
	_ =	sdelay $0x3  }
0x94: {  	_ =	strace s3  }
0x95: {  	s3 =	sld [smem:$0x3FFD];
	_ =	sdelay $0x3  }
0x96: {  	_ =	strace s3  }
0x97: {  	_ =	strace $0x8FFFFFFF  }
0x98: {  	s19 =	sld [smem:$0x3FDB];
	_ =	sdelay $0x1  }
0x99: {  	s4 =	simm.s32 $_scs_section_size  }
0x9a: {  	s5 =	simm.s32 $_size__tile_overlayer_lowered;
	s6 =	simm.s32 $_tile_overlayer_lowered  }
0x9b: {  	s22 =	simm.s32 $0x1BFF;
	s21 =	sshll.u32 s6, $0x1;
	s3 =	sadd.s32 s4, s19  }
0x9c: {  	s7 =	simm.s32 $0x0;
	s20 =	sshll.u32 s5, $0x1;
	s5 =	sadd.s32 s21, s3  }
0x9d: {  	[timem:s7], [sflag:s22] =	dma.local [hbm:s5], s20  }
0x9e: {  	_ =	swait.ge [sflag:s22], s20  }
0x9f: {  	s4 =	ssub.s32 $0x0, s20;
	[sflag:s22] =	ssyncset.done $0x0  }
0xa0: {  	[sflag:s22] =	ssyncadd.s32 s4;
	_ =	sdelay $0x1  }
0xa1: {  	s23 =	simm.s32 $0x1B8B  }
0xa2: {  	_ =	swait.ge [sflag:s23], $0x1  }
0xa3: {  	[sflag:s23] =	ssyncset.done $0x0  }
0xa4: {  	s25 =	simm.s32 $0x1B8E;
	s24 =	sld [smem:$0x3FFE];
	[sflag:s23] =	ssyncadd.s32 $0xFFFFFFFF  }
0xa5: {  	s26 =	simm.s32 $execute0_lowered;
	[smem:$0x3FD2] =	sst s25  }
0xa6: {  	s5 =	sshll.u32 s26, $0x1;
	_ =	strace $0x80000052;
	[dreg:$0x1] =	wrdreg $0xFFFFFFFF  }
0xa7: {  	s28 =	simm.s32 $_size_execute0_lowered;
	s3 =	sadd.s32 s3, s5;
	[dreg:$0x0] =	wrdreg $0x0  }
0xa8: {  	s5 =	sshll.u32 s28, $0x1;
	[dreg:$0x2] =	wrdreg s3  }
0xa9: {  	[dreg:$0x3] =	wrdreg s5  }
0xaa: {  	[dreg:$0x4] =	wrdreg $0xC0  }
0xab: {  	_ =	task [dreg:s7], $0x5FFFF  }
0xac: {  	[dreg:$0x1] =	wrdreg $0xFFFFFFFF  }
0xad: {  	[dreg:$0x0] =	wrdreg $0x60  }
0xae: {  	[dreg:$0x2] =	wrdreg s2  }
0xaf: {  	[dreg:$0x3] =	wrdreg s24  }
0xb0: {  	[dreg:$0x4] =	wrdreg $0x0  }
0xb1: {  	[dreg:$0x5] =	wrdreg $0x9  }
0xb2: {  	_ =	task.clear_ibuf [dreg:s7], $0x6FFFF;
	_ =	strace $0x90000052  }
0xb3: {  	s29 =	simm.s32 $0x9;
	_ =	strace $0x80000054  }
0xb4: {  	_ =	swait.ge [sflag:s29], $0x1  }
0xb5: {  	[sflag:s29] =	ssyncadd.s32 $0xFFFFFFFF  }
0xb6: {  	_ =	strace $0x90000054  }
0xb7: {  	_ =	sfence  }
0xb8: {  	s30 =	sld [smem:$0x0];
	_ =	sdelay $0x2  }
0xb9: {  	s31 =	sshll.u32 s1, $0xD;
	s1 =	sshrl.u32 s1, $0x2  }
0xba: {  	s3 =	sand.u32 $0x4000, s31;
	s1 =	sadd.s32 s1, s30  }
0xbb: {  	s0 =	sor.u32 s3, s0;
	s1 =	sshll.u32 s1, $0x11  }
0xbc: {  	s0 =	sor.u32 s1, s0  }
0xbd: {  	s0 =	sadd.s32 $0x8F2B, s0  }
0xbe: {  	[sflag:s0] =	ssyncadd.remote.s32 $0x1  }
0xbf: {  	_ =	sfence.sel $0xFFFF  }
0xc0: {  	[dreg:$0x0] =	wrdreg $0xFFFFFFFF;
	(pc) =	sbr.abs _section_cstart, $3  }
0xc1: {  	[dreg:$0x1] =	wrdreg $0xFFFFFFFF  }
0xc2: {  	_ =	task.clear_ibuf [dreg:s7], $0x2FFFF;
	_ =	strace $0x9FFFFFFF  }
0xc3: {  	(tm) =	ssettm $0x7FFFFFFF  }
tec
execute0_lowered:
.L_overlay_start_1:
0x0: {  	(tag) =	ssettag $0x1  }
0x1: {  	s1 =	rddreg [dreg:$0x0]  }
0x2: {  	s2 =	srdreg.scid;
	s7 =	rddreg [dreg:$0x1]  }
0x3: {  	s0 =	stileid.u32;
	s3 =	rddreg [dreg:$0x2]  }
0x4: {  	s4 =	simm.s32 $0x0;
	s13 =	simm.s32 $0x13C00;
	s5 =	smul.u32 $0x4EC0, s0  }
0x5: {  	s14 =	simm.s32 $0x13C80;
	s15 =	simm.s32 $0x78;
	s10 =	smul.u32 $0x13C00, s0  }
0x6: {  	s16 =	simm.s32 $0x13D00;
	s6 =	sand.u32 $0x1, s2;
	s30 =	smul.u32 $0x4F000, s0  }
0x7: {  	s17 =	simm.s32 $0x1;
	s2 =	rddreg [dreg:$0x3];
	s8 =	smul.u32 $0x2760, s6  }
0x8: {  	s18 =	simm.s32 $0x0;
	[smem:$0x7FF] =	sst s4;
	s9 =	smul.u32 $0x13C000, s6  }
0x9: {  	s11 =	sshll.u32 s0, $0x6;
	_ =	strace $0x80000053;
	s6 =	ssub.s32 $0x2, s6  }
0xa: {  	s31 =	sshrl.u32 s6, $0x1;
	s5 =	sadd.s32 s8, s5;
	s28 =	sadd.s32 s10, s9  }
0xb: {  	s9 =	sshrl.u32 s30, $0x2;
	s5 =	sshrl.u32 s5, $0x3;
	s8 =	sshrl.u32 s28, $0x3  }
0xc: {  	s12 =	sadd.s32 s9, s3;
	s29 =	sadd.s32 s5, s7;
	s5 =	sadd.s32 $0x1AC00, s7  }
0xd: {  	s7 =	sadd.s32 s8, s7;
	s8 =	ssub.s32 s6, s31;
	s6 =	sor.u32 $0x1C02, s11  }
0xe: {  	s11 =	sshrl.u32 s12, $0x3;
	s12 =	simm.s32 $0x2;
	s7 =	sadd.s32 $0x1D400, s7  }
0xf: {  	s8 =	smax.u32 s8, $0x1;
	s9 =	sadd.s32 $0x7000, s29;
	s10 =	sadd.s32 $0x10E00, s29  }
.LBB2_1:
0x10: {  	[spmem:s11], [sflag:s6] =	dma.local [hbm:s5], $0x2780  }
0x11: {  	_ =	swait.ge [sflag:s12], $0x2780  }
0x12: {  	[sflag:s12] =	ssyncset.done $0x0  }
0x13: {  	[sflag:s12] =	ssyncadd.s32 $0xFFFFD880  }
0x14: {  	s19 =	sadd.s32 $0x0, s10;
	[bflag:$0x0] =	sbarrier.arrive $0xFFFF  }
0x15: {  	[tilespmem:s13], [sflag:$0x2] =	stream.linear.gather [hbm4b:s19+s4], $0x78, $0x38;
	[tilespmem:$0x17900] =	vst v63  }
0x16: {  	_ =	swait.ge [sflag:s12], $0x78  }
0x17: {  	[sflag:s12] =	ssyncset.done $0x0  }
0x18: {  	s31 =	sadd.s32 $0x0, s9;
	[sflag:s12] =	ssyncadd.s32 $0xFFFFFF88  }
0x19: {  	[tilespmem:s14], [sflag:$0x2] =	stream.linear.gather [hbm4b:s31+s4], $0x78, $0x38;
	[tilespmem:$0x17900] =	vst v63  }
0x1a: {  	_ =	swait.ge [sflag:s12], $0x78  }
0x1b: {  	[sflag:s12] =	ssyncset.done $0x0  }
0x1c: {  	[sflag:s12] =	ssyncadd.s32 $0xFFFFFF88  }
0x1d: {  	[tilespmem:s16], [sflag:$0x1] =	stream.indirect.gather [hbm4b:s1+s15], $0x80, s13, s15, $0xb8;
	[tilespmem:$0x17900] =	vst v63  }
0x1e: {  	_ =	swait.ge [sflag:s17], $0x3C00  }
0x1f: {  	[sflag:s17] =	ssyncset.done $0x0  }
0x20: {  	[sflag:s17] =	ssyncadd.s32 $0xFFFFC400  }
0x21: {  	[spmem:s3] =	stream.indirect.scatter.add.f32 [tilespmem:s16], [sflag:$0x2], $0x80, s14, s15, $0xb8;
	[tilespmem:$0x17900] =	vst v63  }
0x22: {  	_ =	swait.ge [sflag:s12], $0x3C00  }
0x23: {  	s20 =	simm.s32 $0x1E;
	s19 =	simm.s32 $0xF;
	[sflag:s12] =	ssyncset.done $0x0  }
.LBB2_2:
0x24: {  	s21 =	sadd.s32 s19, s10  }
0x25: {  	[sflag:s12] =	ssyncadd.s32 $0xFFFFC400;
	s22 =	smov.u32 s20;
	s23 =	sadd.s32 $0xF, s20  }
0x26: {  	[tilespmem:s13], [sflag:$0x2] =	stream.linear.gather [hbm4b:s21+s4], $0x78, $0x38;
	[tilespmem:$0x17900] =	vst v63  }
0x27: {  	p0 =	sne.s32 s20, $0x4DD;
	_ =	swait.ge [sflag:s12], $0x78  }
0x28: {  	[sflag:s12] =	ssyncset.done $0x0  }
0x29: {  	s20 =	sadd.s32 s19, s9;
	s19 =	smov.u32 s22;
	[sflag:s12] =	ssyncadd.s32 $0xFFFFFF88  }
0x2a: {  	[tilespmem:s14], [sflag:$0x2] =	stream.linear.gather [hbm4b:s20+s4], $0x78, $0x38;
	[tilespmem:$0x17900] =	vst v63  }
0x2b: {  	_ =	swait.ge [sflag:s12], $0x78  }
0x2c: {  	[sflag:s12] =	ssyncset.done $0x0  }
0x2d: {  	[sflag:s12] =	ssyncadd.s32 $0xFFFFFF88  }
0x2e: {  	[tilespmem:s16], [sflag:$0x1] =	stream.indirect.gather [hbm4b:s1+s15], $0x80, s13, s15, $0xb8;
	[tilespmem:$0x17900] =	vst v63  }
0x2f: {  	_ =	swait.ge [sflag:s17], $0x3C00  }
.Ltmp0:
0x30: {  	[sflag:s17] =	ssyncset.done $0x0;
	(pc) =	sbr.rel @p0 .LBB2_2-.Ltmp0, $4  }
0x31: {  	[sflag:s17] =	ssyncadd.s32 $0xFFFFC400  }
0x32: {  	[spmem:s3] =	stream.indirect.scatter.add.f32 [tilespmem:s16], [sflag:$0x2], $0x80, s14, s15, $0xb8;
	[tilespmem:$0x17900] =	vst v63  }
0x33: {  	_ =	swait.ge [sflag:s12], $0x3C00  }
0x34: {  	s20 =	smov.u32 s23;
	[sflag:s12] =	ssyncset.done $0x0  }
0x35: {  	s20 =	sadd.s32 s19, s10;
	[sflag:s12] =	ssyncadd.s32 $0xFFFFC400  }
0x36: {  	[tilespmem:s13], [sflag:$0x2] =	stream.linear.gather [hbm4b:s20+s4], $0x78, $0x38;
	[tilespmem:$0x17900] =	vst v63  }
0x37: {  	_ =	swait.ge [sflag:s12], $0x78  }
0x38: {  	[sflag:s12] =	ssyncset.done $0x0  }
0x39: {  	s31 =	sadd.s32 s19, s9;
	[sflag:s12] =	ssyncadd.s32 $0xFFFFFF88  }
0x3a: {  	[tilespmem:s14], [sflag:$0x2] =	stream.linear.gather [hbm4b:s31+s4], $0x78, $0x38;
	[tilespmem:$0x17900] =	vst v63  }
0x3b: {  	_ =	swait.ge [sflag:s12], $0x78  }
0x3c: {  	[sflag:s12] =	ssyncset.done $0x0  }
0x3d: {  	[sflag:s12] =	ssyncadd.s32 $0xFFFFFF88  }
0x3e: {  	[tilespmem:s16], [sflag:$0x1] =	stream.indirect.gather [hbm4b:s1+s15], $0x80, s13, s15, $0xb8;
	[tilespmem:$0x17900] =	vst v63  }
0x3f: {  	_ =	swait.ge [sflag:s17], $0x3C00  }
0x40: {  	[sflag:s17] =	ssyncset.done $0x0  }
0x41: {  	[sflag:s17] =	ssyncadd.s32 $0xFFFFC400  }
0x42: {  	[spmem:s3] =	stream.indirect.scatter.add.f32 [tilespmem:s16], [sflag:$0x2], $0x80, s14, s15, $0xb8;
	[tilespmem:$0x17900] =	vst v63  }
0x43: {  	_ =	swait.ge [sflag:s12], $0x3C00  }
0x44: {  	s18 =	sadd.s32 $0x1, s18;
	[sflag:s12] =	ssyncset.done $0x0  }
0x45: {  	p0 =	sne.s32 s18, s8;
	[sflag:s12] =	ssyncadd.s32 $0xFFFFC400  }
.Ltmp1:
0x46: {  	[bflag:$0x0] =	sbarrier.arrive $0xFFFF;
	(pc) =	sbr.rel @p0 .LBB2_1-.Ltmp1, $4  }
0x47: {  	[hbm:s7], [sflag:s6] =	dma.local [spmem:s11], $0x2780  }
0x48: {  	_ =	swait.ge [sflag:s12], $0x2780  }
0x49: {  	[sflag:s12] =	ssyncset.done $0x0  }
0x4a: {  	[sflag:s12] =	ssyncadd.s32 $0xFFFFD880  }
0x4b: {  	_ =	sfence.sel $0x180000  }
0x4c: {  	[bflag:$0x0] =	sbarrier.arrive $0xFFFF  }
0x4d: {  	p0 =	sne.s32 s0, $0x0;
	_ =	strace $0x90000053  }
0x4e: {  	s0 =	sadd.s32 @!p0 $0x100000, s2;
	[bflag:$0x2] =	sbarrier.arrive $0xFFFF  }
0x4f: {  	[sflag:s0] =	ssyncadd.tile.s32 @!p0 $0x1;
	_ =	shalt  }
.Lfunc_end2:
_tile_overlayer_lowered:
.L_overlay_start_2:
0x50: {  	(tag) =	ssettag $0x2  }
0x51: {  	s0 =	rddreg [dreg:$0x0];
	s2 =	stileid.u32  }
0x52: {  	s1 =	rddreg [dreg:$0x1];
	p0 =	sne.s32 s2, $0x0  }
0x53: {  	s3 =	rddreg [dreg:$0x2];
	[bflag:$0x3] =	sbarrier.arrive $0xFFFF;
	s2 =	simm.s32 @!p0 $0x1C02  }
0x54: {  	[timem:s3], [sflag:s2] =	dma.local @!p0 [hbm:s0], s1  }
0x55: {  	s0 =	simm.s32 @!p0 $0x2  }
0x56: {  	_ =	swait.ge @!p0 [sflag:s0], s1  }
0x57: {  	s1 =	ssub.s32 @!p0 $0x0, s1;
	[sflag:s0] =	ssyncset.done @!p0 $0x0  }
0x58: {  	[sflag:s0] =	ssyncadd.s32 @!p0 s1  }
0x59: {  	[bflag:$0x3] =	sbarrier.arrive $0xFFFF  }
0x5a: {  	_ =	shalt  }

// kernel: kernel.30.cloned.1.call-start
scs
__scs_entry_jumppad:
0x0: {  	(pc) =	sbr.rel $0x88, $3  }
0x1: {  	(tag) =	ssettag $0x0;
	lr =	simm.s32 $0x1  }
0x2: {  	[smem:$0x3F91] =	sst lr;
	_ =	strace $0xD0000000  }
0x3: {  	_ = 	snop  }
0x4: {  	_ = 	snop  }
0x5: {  	_ = 	snop  }
0x6: {  	_ = 	snop  }
0x7: {  	_ = 	snop  }
__scs_overlays_trampoline_lowered:
0x8: {  	[smem:$0x3FA0] =	sst s0  }
0x9: {  	[smem:$0x3FA1] =	sst s1  }
0xa: {  	[smem:$0x3FA2] =	sst s2  }
0xb: {  	[smem:$0x3FA3] =	sst s3  }
0xc: {  	[smem:$0x3FA4] =	sst s4  }
0xd: {  	[smem:$0x3FA5] =	sst s5  }
0xe: {  	[smem:$0x3FA6] =	sst s6  }
0xf: {  	[smem:$0x3FA7] =	sst s7  }
0x10: {  	[smem:$0x3FA8] =	sst s8  }
0x11: {  	[smem:$0x3FA9] =	sst s9;
	s0 =	simm.s32 @!p0 $0x0  }
0x12: {  	s1 =	sld [smem:$0x3F8F];
	s0 =	simm.s32 @p0 $0x1  }
0x13: {  	[smem:$0x3FAA] =	sst s0;
	s0 =	simm.s32 @!p1 $0x0  }
0x14: {  	s2 =	sld [smem:$0x3F8E];
	s0 =	simm.s32 @p1 $0x1  }
0x15: {  	[smem:$0x3FAB] =	sst s0;
	s0 =	simm.s32 @!p2 $0x0  }
0x16: {  	s3 =	sld [smem:$0x3FDB];
	s0 =	simm.s32 @p2 $0x1  }
0x17: {  	s4 =	simm.s32 $0x1BF5;
	[smem:$0x3FAD] =	sst s0  }
0x18: {  	s0 =	sld [smem:$0x3F90];
	_ =	swait.ge [sflag:s4], $0x0  }
0x19: {  	s7 =	sld [smem:$0x3F91]  }
0x1a: {  	s8 =	sadd.s32 $0xFFFFE003, lr  }
0x1b: {  	s9 =	sadd.s32 $0xFFFFFEF7, lr;
	s5 =	simm.s32 $0xFFFFFFFF;
	p2 =	slt.u32 s8, $0xFFFFF086  }
0x1c: {  	p1 =	slt.u32 s9, $0xF7A;
	s5 =	simm.s32 @!p2 $0x0  }
0x1d: {  	s5 =	simm.s32 @p1 $0x1;
	p0 =	seq.s32 s7, s2  }
0x1e: {  	s7 =	smul.u32 @!p0 $0xF7A, s2;
	p2 =	seq.s32 @!p0 s5, $0x0  }
0x1f: {  	s9 =	smul.u32 $0xF7A, s1;
	s8 =	simm.s32 @!p0 $0x1BF5;
	p2 =	por !p2, p0  }
0x20: {  	[sflag:s8] =	ssyncset.s32 @!p0 $0xFFFFF086;
	s6 =	sadd.s32 @!p0 s3, s7;
	s7 =	simm.s32 @!p0 $0x108  }
0x21: {  	s3 =	sadd.s32 s3, s9;
	s6 =	sadd.s32 @!p0 $0x88, s6;
	s7 =	simm.s32 @p2 $0x1082  }
0x22: {  	[simem:s7], [sflag:s8] =	dma.local @!p0 [hbm:s6], $0xF7A  }
0x23: {  	s9 =	sor.u32 $0xD0000000, s2;
	s6 =	simm.s32 $0x108;
	_ =	swait.ge @!p0 [sflag:s8], $0x0  }
0x24: {  	s3 =	sadd.s32 $0x88, s3;
	s6 =	simm.s32 @!p1 $0x1082;
	[sflag:s4] =	ssyncset.s32 $0xFFFFF086  }
0x25: {  	[simem:s6], [sflag:s4] =	dma.local [hbm:s3], $0xF7A  }
0x26: {  	[smem:$0x3F91] =	sst s1;
	(tag) =	ssettag s2;
	_ =	strace s9  }
0x27: {  	s1 =	sld [smem:$0x3FA1]  }
0x28: {  	s2 =	sld [smem:$0x3FA2]  }
0x29: {  	s4 =	sld [smem:$0x3FA4]  }
0x2a: {  	p0 =	seq.s32 s5, $0x0;
	s5 =	sld [smem:$0x3FA5]  }
0x2b: {  	s6 =	sld [smem:$0x3FA6]  }
0x2c: {  	s7 =	sld [smem:$0x3FA7]  }
0x2d: {  	s3 =	simm.s32 $0x108;
	s8 =	sld [smem:$0x3FA8]  }
0x2e: {  	s3 =	simm.s32 @!p0 $0x1082;
	s9 =	sld [smem:$0x3FA9]  }
0x2f: {  	lr =	sadd.s32 s0, s3;
	s0 =	sld [smem:$0x3FA0]  }
0x30: {  	s3 =	sld [smem:$0x3FA3]  }
0x31: {  	[smem:$0x3FAC] =	sst s10  }
0x32: {  	s10 =	sld [smem:$0x3FAA];
	_ =	sdelay $0x3  }
0x33: {  	p0 =	seq.s32 s10, $0x1;
	s10 =	sld [smem:$0x3FAC];
	_ =	sdelay $0x3  }
0x34: {  	[smem:$0x3FAC] =	sst s10  }
0x35: {  	s10 =	sld [smem:$0x3FAB];
	_ =	sdelay $0x3  }
0x36: {  	p1 =	seq.s32 s10, $0x1;
	s10 =	sld [smem:$0x3FAC];
	_ =	sdelay $0x3  }
0x37: {  	[smem:$0x3FAC] =	sst s10  }
0x38: {  	s10 =	sld [smem:$0x3FAD]  }
0x39: {  	_ = 	snop;
	(pc) =	sbr.ind lr, $3  }
0x3a: {  	_ = 	snop  }
0x3b: {  	_ = 	snop  }
0x3c: {  	p2 =	seq.s32 s10, $0x1;
	s10 =	sld [smem:$0x3FAC]  }
0x3d: {  	_ =	shalt  }
0x3e: {  	_ =	shalt  }
0x3f: {  	_ =	shalt  }
0x40: {  	_ =	shalt  }
0x41: {  	_ =	shalt  }
0x42: {  	_ =	shalt  }
0x43: {  	_ =	shalt  }
0x44: {  	_ =	shalt  }
0x45: {  	_ =	shalt  }
0x46: {  	_ =	shalt  }
0x47: {  	_ =	shalt  }
0x48: {  	_ =	shalt  }
0x49: {  	_ =	shalt  }
0x4a: {  	_ =	shalt  }
0x4b: {  	_ =	shalt  }
0x4c: {  	_ =	shalt  }
0x4d: {  	_ =	shalt  }
0x4e: {  	_ =	shalt  }
0x4f: {  	_ =	shalt  }
0x50: {  	_ =	shalt  }
0x51: {  	_ =	shalt  }
0x52: {  	_ =	shalt  }
0x53: {  	_ =	shalt  }
0x54: {  	_ =	shalt  }
0x55: {  	_ =	shalt  }
0x56: {  	_ =	shalt  }
0x57: {  	_ =	shalt  }
0x58: {  	_ =	shalt  }
0x59: {  	_ =	shalt  }
0x5a: {  	_ =	shalt  }
0x5b: {  	_ =	shalt  }
0x5c: {  	_ =	shalt  }
0x5d: {  	_ =	shalt  }
0x5e: {  	_ =	shalt  }
0x5f: {  	_ =	shalt  }
0x60: {  	_ =	shalt  }
0x61: {  	_ =	shalt  }
0x62: {  	_ =	shalt  }
0x63: {  	_ =	shalt  }
0x64: {  	_ =	shalt  }
0x65: {  	_ =	shalt  }
0x66: {  	_ =	shalt  }
0x67: {  	_ =	shalt  }
0x68: {  	_ =	shalt  }
0x69: {  	_ =	shalt  }
0x6a: {  	_ =	shalt  }
0x6b: {  	_ =	shalt  }
0x6c: {  	_ =	shalt  }
0x6d: {  	_ =	shalt  }
0x6e: {  	_ =	shalt  }
0x6f: {  	_ =	shalt  }
0x70: {  	_ =	shalt  }
0x71: {  	_ =	shalt  }
0x72: {  	_ =	shalt  }
0x73: {  	_ =	shalt  }
0x74: {  	_ =	shalt  }
0x75: {  	_ =	shalt  }
0x76: {  	_ =	shalt  }
0x77: {  	_ =	shalt  }
0x78: {  	_ =	shalt  }
0x79: {  	_ =	shalt  }
0x7a: {  	_ =	shalt  }
0x7b: {  	_ =	shalt  }
0x7c: {  	_ =	shalt  }
0x7d: {  	_ =	shalt  }
0x7e: {  	_ =	shalt  }
0x7f: {  	_ =	shalt  }
0x80: {  	_ =	shalt  }
0x81: {  	_ =	shalt  }
0x82: {  	_ =	shalt  }
0x83: {  	_ =	shalt  }
0x84: {  	_ =	shalt  }
0x85: {  	_ =	shalt  }
0x86: {  	_ =	shalt  }
0x87: {  	_ =	shalt  }
.Lfunc_end0:
.L_simem_size_0:
called_computation.5_lowered:
.L_overlay_start_0:
0x88: {  	s2 =	sld [smem:$0x3FD9]  }
0x89: {  	s3 =	sld [smem:$0x3FFE];
	_ =	sdelay $0x1  }
0x8a: {  	s1 =	srdreg.scid  }
0x8b: {  	s0 =	sand.u32 $0x1, s1  }
0x8c: {  	s17 =	sshll.u32 s0, $0xA;
	s2 =	sadd.s32 s3, s2  }
0x8d: {  	s2 =	sadd.s32 s2, s17  }
0x8e: {  	[smem:$0x3FB8] =	sst s2  }
0x8f: {  	_ = 	snop  }
0x90: {  	s2 =	sld [smem:$0x3FD0];
	(tm) =	ssettm $0x1  }
0x91: {  	s18 =	sld [smem:$0x3FFB];
	_ =	sdelay $0x3  }
0x92: {  	_ =	strace s18  }
0x93: {  	s3 =	sld [smem:$0x3FFC];
	_ =	sdelay $0x3  }
0x94: {  	_ =	strace s3  }
0x95: {  	s3 =	sld [smem:$0x3FFD];
	_ =	sdelay $0x3  }
0x96: {  	_ =	strace s3  }
0x97: {  	_ =	strace $0x8FFFFFFF  }
0x98: {  	s19 =	sld [smem:$0x3FDB];
	_ =	sdelay $0x1  }
0x99: {  	s4 =	simm.s32 $_scs_section_size  }
0x9a: {  	s5 =	simm.s32 $_size__tile_overlayer_lowered;
	s6 =	simm.s32 $_tile_overlayer_lowered  }
0x9b: {  	s22 =	simm.s32 $0x1BFF;
	s21 =	sshll.u32 s6, $0x1;
	s3 =	sadd.s32 s4, s19  }
0x9c: {  	s7 =	simm.s32 $0x0;
	s20 =	sshll.u32 s5, $0x1;
	s5 =	sadd.s32 s21, s3  }
0x9d: {  	[timem:s7], [sflag:s22] =	dma.local [hbm:s5], s20  }
0x9e: {  	_ =	swait.ge [sflag:s22], s20  }
0x9f: {  	s4 =	ssub.s32 $0x0, s20;
	[sflag:s22] =	ssyncset.done $0x0  }
0xa0: {  	[sflag:s22] =	ssyncadd.s32 s4;
	_ =	sdelay $0x1  }
0xa1: {  	s23 =	simm.s32 $0x1B8B  }
0xa2: {  	_ =	swait.ge [sflag:s23], $0x1  }
0xa3: {  	[sflag:s23] =	ssyncset.done $0x0  }
0xa4: {  	s25 =	simm.s32 $0x1B8E;
	s24 =	sld [smem:$0x3FFE];
	[sflag:s23] =	ssyncadd.s32 $0xFFFFFFFF  }
0xa5: {  	s26 =	simm.s32 $execute0_lowered;
	[smem:$0x3FD2] =	sst s25  }
0xa6: {  	s5 =	sshll.u32 s26, $0x1;
	_ =	strace $0x80000055;
	[dreg:$0x1] =	wrdreg $0xFFFFFFFF  }
0xa7: {  	s28 =	simm.s32 $_size_execute0_lowered;
	s3 =	sadd.s32 s3, s5;
	[dreg:$0x0] =	wrdreg $0x0  }
0xa8: {  	s5 =	sshll.u32 s28, $0x1;
	[dreg:$0x2] =	wrdreg s3  }
0xa9: {  	[dreg:$0x3] =	wrdreg s5  }
0xaa: {  	[dreg:$0x4] =	wrdreg $0xC0  }
0xab: {  	_ =	task [dreg:s7], $0x5FFFF  }
0xac: {  	[dreg:$0x1] =	wrdreg $0xFFFFFFFF  }
0xad: {  	[dreg:$0x0] =	wrdreg $0x60  }
0xae: {  	[dreg:$0x2] =	wrdreg s2  }
0xaf: {  	[dreg:$0x3] =	wrdreg s24  }
0xb0: {  	[dreg:$0x4] =	wrdreg $0x0  }
0xb1: {  	[dreg:$0x5] =	wrdreg $0x9  }
0xb2: {  	_ =	task.clear_ibuf [dreg:s7], $0x6FFFF;
	_ =	strace $0x90000055  }
0xb3: {  	s29 =	simm.s32 $0x9;
	_ =	strace $0x80000057  }
0xb4: {  	_ =	swait.ge [sflag:s29], $0x1  }
0xb5: {  	[sflag:s29] =	ssyncadd.s32 $0xFFFFFFFF  }
0xb6: {  	_ =	strace $0x90000057  }
0xb7: {  	_ =	sfence  }
0xb8: {  	s30 =	sld [smem:$0x0];
	_ =	sdelay $0x2  }
0xb9: {  	s31 =	sshll.u32 s1, $0xD;
	s1 =	sshrl.u32 s1, $0x2  }
0xba: {  	s3 =	sand.u32 $0x4000, s31;
	s1 =	sadd.s32 s1, s30  }
0xbb: {  	s0 =	sor.u32 s3, s0;
	s1 =	sshll.u32 s1, $0x11  }
0xbc: {  	s0 =	sor.u32 s1, s0  }
0xbd: {  	s0 =	sadd.s32 $0x8F2B, s0  }
0xbe: {  	[sflag:s0] =	ssyncadd.remote.s32 $0x1  }
0xbf: {  	_ =	sfence.sel $0xFFFF  }
0xc0: {  	[dreg:$0x0] =	wrdreg $0xFFFFFFFF;
	(pc) =	sbr.abs _section_cstart, $3  }
0xc1: {  	[dreg:$0x1] =	wrdreg $0xFFFFFFFF  }
0xc2: {  	_ =	task.clear_ibuf [dreg:s7], $0x2FFFF;
	_ =	strace $0x9FFFFFFF  }
0xc3: {  	(tm) =	ssettm $0x7FFFFFFF  }
tec
execute0_lowered:
.L_overlay_start_1:
0x0: {  	(tag) =	ssettag $0x1  }
0x1: {  	s1 =	rddreg [dreg:$0x0]  }
0x2: {  	s2 =	srdreg.scid;
	s7 =	rddreg [dreg:$0x1]  }
0x3: {  	s0 =	stileid.u32;
	s3 =	rddreg [dreg:$0x2]  }
0x4: {  	s4 =	simm.s32 $0x0;
	s13 =	simm.s32 $0x13C00;
	s5 =	smul.u32 $0x4EC0, s0  }
0x5: {  	s14 =	simm.s32 $0x13C80;
	s15 =	simm.s32 $0x78;
	s10 =	smul.u32 $0x13C00, s0  }
0x6: {  	s16 =	simm.s32 $0x13D00;
	s6 =	sand.u32 $0x1, s2;
	s30 =	smul.u32 $0x4F000, s0  }
0x7: {  	s17 =	simm.s32 $0x1;
	s2 =	rddreg [dreg:$0x3];
	s8 =	smul.u32 $0x2760, s6  }
0x8: {  	s18 =	simm.s32 $0x0;
	[smem:$0x7FF] =	sst s4;
	s9 =	smul.u32 $0x13C000, s6  }
0x9: {  	s11 =	sshll.u32 s0, $0x6;
	_ =	strace $0x80000056;
	s6 =	ssub.s32 $0x2, s6  }
0xa: {  	s31 =	sshrl.u32 s6, $0x1;
	s5 =	sadd.s32 s8, s5;
	s28 =	sadd.s32 s10, s9  }
0xb: {  	s9 =	sshrl.u32 s30, $0x2;
	s5 =	sshrl.u32 s5, $0x3;
	s8 =	sshrl.u32 s28, $0x3  }
0xc: {  	s12 =	sadd.s32 s9, s3;
	s29 =	sadd.s32 s5, s7;
	s5 =	sadd.s32 $0x1AC00, s7  }
0xd: {  	s7 =	sadd.s32 s8, s7;
	s8 =	ssub.s32 s6, s31;
	s6 =	sor.u32 $0x1C02, s11  }
0xe: {  	s11 =	sshrl.u32 s12, $0x3;
	s12 =	simm.s32 $0x2;
	s7 =	sadd.s32 $0x1D400, s7  }
0xf: {  	s8 =	smax.u32 s8, $0x1;
	s9 =	sadd.s32 $0x7000, s29;
	s10 =	sadd.s32 $0x10E00, s29  }
.LBB2_1:
0x10: {  	[spmem:s11], [sflag:s6] =	dma.local [hbm:s5], $0x2780  }
0x11: {  	_ =	swait.ge [sflag:s12], $0x2780  }
0x12: {  	[sflag:s12] =	ssyncset.done $0x0  }
0x13: {  	[sflag:s12] =	ssyncadd.s32 $0xFFFFD880  }
0x14: {  	s19 =	sadd.s32 $0x0, s10;
	[bflag:$0x0] =	sbarrier.arrive $0xFFFF  }
0x15: {  	[tilespmem:s13], [sflag:$0x2] =	stream.linear.gather [hbm4b:s19+s4], $0x78, $0x38;
	[tilespmem:$0x17900] =	vst v63  }
0x16: {  	_ =	swait.ge [sflag:s12], $0x78  }
0x17: {  	[sflag:s12] =	ssyncset.done $0x0  }
0x18: {  	s31 =	sadd.s32 $0x0, s9;
	[sflag:s12] =	ssyncadd.s32 $0xFFFFFF88  }
0x19: {  	[tilespmem:s14], [sflag:$0x2] =	stream.linear.gather [hbm4b:s31+s4], $0x78, $0x38;
	[tilespmem:$0x17900] =	vst v63  }
0x1a: {  	_ =	swait.ge [sflag:s12], $0x78  }
0x1b: {  	[sflag:s12] =	ssyncset.done $0x0  }
0x1c: {  	[sflag:s12] =	ssyncadd.s32 $0xFFFFFF88  }
0x1d: {  	[tilespmem:s16], [sflag:$0x1] =	stream.indirect.gather [hbm4b:s1+s15], $0x80, s13, s15, $0xb8;
	[tilespmem:$0x17900] =	vst v63  }
0x1e: {  	_ =	swait.ge [sflag:s17], $0x3C00  }
0x1f: {  	[sflag:s17] =	ssyncset.done $0x0  }
0x20: {  	[sflag:s17] =	ssyncadd.s32 $0xFFFFC400  }
0x21: {  	[spmem:s3] =	stream.indirect.scatter.add.f32 [tilespmem:s16], [sflag:$0x2], $0x80, s14, s15, $0xb8;
	[tilespmem:$0x17900] =	vst v63  }
0x22: {  	_ =	swait.ge [sflag:s12], $0x3C00  }
0x23: {  	s20 =	simm.s32 $0x1E;
	s19 =	simm.s32 $0xF;
	[sflag:s12] =	ssyncset.done $0x0  }
.LBB2_2:
0x24: {  	s21 =	sadd.s32 s19, s10  }
0x25: {  	[sflag:s12] =	ssyncadd.s32 $0xFFFFC400;
	s22 =	smov.u32 s20;
	s23 =	sadd.s32 $0xF, s20  }
0x26: {  	[tilespmem:s13], [sflag:$0x2] =	stream.linear.gather [hbm4b:s21+s4], $0x78, $0x38;
	[tilespmem:$0x17900] =	vst v63  }
0x27: {  	p0 =	sne.s32 s20, $0x4DD;
	_ =	swait.ge [sflag:s12], $0x78  }
0x28: {  	[sflag:s12] =	ssyncset.done $0x0  }
0x29: {  	s20 =	sadd.s32 s19, s9;
	s19 =	smov.u32 s22;
	[sflag:s12] =	ssyncadd.s32 $0xFFFFFF88  }
0x2a: {  	[tilespmem:s14], [sflag:$0x2] =	stream.linear.gather [hbm4b:s20+s4], $0x78, $0x38;
	[tilespmem:$0x17900] =	vst v63  }
0x2b: {  	_ =	swait.ge [sflag:s12], $0x78  }
0x2c: {  	[sflag:s12] =	ssyncset.done $0x0  }
0x2d: {  	[sflag:s12] =	ssyncadd.s32 $0xFFFFFF88  }
0x2e: {  	[tilespmem:s16], [sflag:$0x1] =	stream.indirect.gather [hbm4b:s1+s15], $0x80, s13, s15, $0xb8;
	[tilespmem:$0x17900] =	vst v63  }
0x2f: {  	_ =	swait.ge [sflag:s17], $0x3C00  }
.Ltmp0:
0x30: {  	[sflag:s17] =	ssyncset.done $0x0;
	(pc) =	sbr.rel @p0 .LBB2_2-.Ltmp0, $4  }
0x31: {  	[sflag:s17] =	ssyncadd.s32 $0xFFFFC400  }
0x32: {  	[spmem:s3] =	stream.indirect.scatter.add.f32 [tilespmem:s16], [sflag:$0x2], $0x80, s14, s15, $0xb8;
	[tilespmem:$0x17900] =	vst v63  }
0x33: {  	_ =	swait.ge [sflag:s12], $0x3C00  }
0x34: {  	s20 =	smov.u32 s23;
	[sflag:s12] =	ssyncset.done $0x0  }
0x35: {  	s20 =	sadd.s32 s19, s10;
	[sflag:s12] =	ssyncadd.s32 $0xFFFFC400  }
0x36: {  	[tilespmem:s13], [sflag:$0x2] =	stream.linear.gather [hbm4b:s20+s4], $0x78, $0x38;
	[tilespmem:$0x17900] =	vst v63  }
0x37: {  	_ =	swait.ge [sflag:s12], $0x78  }
0x38: {  	[sflag:s12] =	ssyncset.done $0x0  }
0x39: {  	s31 =	sadd.s32 s19, s9;
	[sflag:s12] =	ssyncadd.s32 $0xFFFFFF88  }
0x3a: {  	[tilespmem:s14], [sflag:$0x2] =	stream.linear.gather [hbm4b:s31+s4], $0x78, $0x38;
	[tilespmem:$0x17900] =	vst v63  }
0x3b: {  	_ =	swait.ge [sflag:s12], $0x78  }
0x3c: {  	[sflag:s12] =	ssyncset.done $0x0  }
0x3d: {  	[sflag:s12] =	ssyncadd.s32 $0xFFFFFF88  }
0x3e: {  	[tilespmem:s16], [sflag:$0x1] =	stream.indirect.gather [hbm4b:s1+s15], $0x80, s13, s15, $0xb8;
	[tilespmem:$0x17900] =	vst v63  }
0x3f: {  	_ =	swait.ge [sflag:s17], $0x3C00  }
0x40: {  	[sflag:s17] =	ssyncset.done $0x0  }
0x41: {  	[sflag:s17] =	ssyncadd.s32 $0xFFFFC400  }
0x42: {  	[spmem:s3] =	stream.indirect.scatter.add.f32 [tilespmem:s16], [sflag:$0x2], $0x80, s14, s15, $0xb8;
	[tilespmem:$0x17900] =	vst v63  }
0x43: {  	_ =	swait.ge [sflag:s12], $0x3C00  }
0x44: {  	s18 =	sadd.s32 $0x1, s18;
	[sflag:s12] =	ssyncset.done $0x0  }
0x45: {  	p0 =	sne.s32 s18, s8;
	[sflag:s12] =	ssyncadd.s32 $0xFFFFC400  }
.Ltmp1:
0x46: {  	[bflag:$0x0] =	sbarrier.arrive $0xFFFF;
	(pc) =	sbr.rel @p0 .LBB2_1-.Ltmp1, $4  }
0x47: {  	[hbm:s7], [sflag:s6] =	dma.local [spmem:s11], $0x2780  }
0x48: {  	_ =	swait.ge [sflag:s12], $0x2780  }
0x49: {  	[sflag:s12] =	ssyncset.done $0x0  }
0x4a: {  	[sflag:s12] =	ssyncadd.s32 $0xFFFFD880  }
0x4b: {  	_ =	sfence.sel $0x180000  }
0x4c: {  	[bflag:$0x0] =	sbarrier.arrive $0xFFFF  }
0x4d: {  	p0 =	sne.s32 s0, $0x0;
	_ =	strace $0x90000056  }
0x4e: {  	s0 =	sadd.s32 @!p0 $0x100000, s2;
	[bflag:$0x2] =	sbarrier.arrive $0xFFFF  }
0x4f: {  	[sflag:s0] =	ssyncadd.tile.s32 @!p0 $0x1;
	_ =	shalt  }
.Lfunc_end2:
_tile_overlayer_lowered:
.L_overlay_start_2:
0x50: {  	(tag) =	ssettag $0x2  }
0x51: {  	s0 =	rddreg [dreg:$0x0];
	s2 =	stileid.u32  }
0x52: {  	s1 =	rddreg [dreg:$0x1];
	p0 =	sne.s32 s2, $0x0  }
0x53: {  	s3 =	rddreg [dreg:$0x2];
	[bflag:$0x3] =	sbarrier.arrive $0xFFFF;
	s2 =	simm.s32 @!p0 $0x1C02  }
0x54: {  	[timem:s3], [sflag:s2] =	dma.local @!p0 [hbm:s0], s1  }
0x55: {  	s0 =	simm.s32 @!p0 $0x2  }
0x56: {  	_ =	swait.ge @!p0 [sflag:s0], s1  }
0x57: {  	s1 =	ssub.s32 @!p0 $0x0, s1;
	[sflag:s0] =	ssyncset.done @!p0 $0x0  }
0x58: {  	[sflag:s0] =	ssyncadd.s32 @!p0 s1  }
0x59: {  	[bflag:$0x3] =	sbarrier.arrive $0xFFFF  }
0x5a: {  	_ =	shalt  }

</sc_bundles>
